<compile_context>
chip_gen: v7x
topology: tpu7x:2x2x1
jax: 0.10.2.dev20260603
libtpu: 0.0.44.dev20260713+nightly
codegen_flags: <defaults>
</compile_context>

<pallas_src>
import functools

import jax
import jax.numpy as jnp
from jax import lax
from jax.experimental import pallas as pl
from jax.experimental.pallas import tpu as pltpu
from jax.experimental.pallas import tpu_sc as plsc

N = 10000
D = 128
DH = D // 2
E = 320000
NC = 2
NS = 16
NW = NC * NS
NPAD = 10240
RPT = NPAD // NS

KD = 40
NCHD = E // NW // KD
DGRP = 5

K = 80
NCH = E // NS // K
EGRP = 5

_mesh = plsc.VectorSubcoreMesh(
    core_axis_name="c", subcore_axis_name="s", num_cores=NC, num_subcores=NS
)


@functools.partial(
    pl.kernel,
    out_type=jax.ShapeDtypeStruct((NC * NPAD, 16), jnp.float32),
    mesh=_mesh,
    scratch_types=[
        [pltpu.VMEM((KD,), jnp.int32) for _ in range(2 * DGRP)],
        pltpu.VMEM((KD, 16), jnp.float32),
        pltpu.VMEM((128, 16), jnp.float32),
        pltpu.VMEM_SHARED((NPAD, 16), jnp.float32),
        pltpu.SemaphoreType.DMA,
    ],
    compiler_params=pltpu.CompilerParams(use_tc_tiling_on_sc=False),
)
def _deg_kernel(dst_hbm, degpart_hbm, dbufs, ones_v, zbuf, deg_sh, isem):
    c = lax.axis_index("c")
    s = lax.axis_index("s")
    wid = c * NS + s

    lane = lax.iota(jnp.int32, 16)
    onevec = jnp.where(lane == 0, 1.0, 0.0).astype(jnp.float32)
    zvec = jnp.zeros((16,), jnp.float32)

    def init_rows(r, _):
        ones_v[r, :] = onevec
        return 0

    lax.fori_loop(0, KD, init_rows, 0)

    def zrow(r, _):
        zbuf[r, :] = zvec
        return 0

    lax.fori_loop(0, 128, zrow, 0)

    for z in range(RPT // 128):
        pltpu.sync_copy(zbuf, deg_sh.at[pl.ds(s * RPT + z * 128, 128)])
    plsc.subcore_barrier()

    def ifire(t, half):
        for b in range(DGRP):
            pltpu.async_copy(
                dst_hbm.at[wid * NCHD + t * DGRP + b],
                dbufs[half * DGRP + b], isem,
            )

    def idrain(t, half):
        for b in range(DGRP):
            pltpu.make_async_copy(
                dst_hbm.at[wid * NCHD + t * DGRP + b],
                dbufs[half * DGRP + b], isem,
            ).wait()

    def scats(half):
        for b in range(DGRP):
            pltpu.sync_copy(
                ones_v, deg_sh.at[dbufs[half * DGRP + b]], add=True
            )

    ifire(0, 0)

    def outer(p, _):
        ifire(2 * p + 1, 1)
        idrain(2 * p, 0)
        scats(0)

        @pl.when(p < NCHD // (2 * DGRP) - 1)
        def _():
            ifire(2 * p + 2, 0)

        idrain(2 * p + 1, 1)
        scats(1)
        return 0

    lax.fori_loop(0, NCHD // (2 * DGRP), outer, 0)
    plsc.subcore_barrier()

    pltpu.sync_copy(
        deg_sh.at[pl.ds(s * RPT, RPT)],
        degpart_hbm.at[pl.ds(c * NPAD + s * RPT, RPT)],
    )


@functools.partial(
    pl.kernel,
    out_type=jax.ShapeDtypeStruct((NC * NPAD, DH), jnp.float32),
    mesh=_mesh,
    scratch_types=[
        pltpu.VMEM((NCH, K), jnp.int32),
        [pltpu.VMEM((K,), jnp.int32) for _ in range(2 * EGRP)],
        pltpu.VMEM((2, EGRP, K, DH), jnp.float32),
        pltpu.VMEM_SHARED((NPAD, DH), jnp.float32),
        pltpu.SemaphoreType.DMA,
        pltpu.SemaphoreType.DMA,
    ],
    compiler_params=pltpu.CompilerParams(use_tc_tiling_on_sc=False),
)
def _edge_kernel(y_hbm, src_hbm, dst_hbm, acc_hbm, src_v, dbufs,
                 rows_v, acc_sh, gsem, isem):
    c = lax.axis_index("c")
    s = lax.axis_index("s")
    wid = c * NS + s

    pltpu.sync_copy(src_hbm.at[s], src_v)

    offs = c * N

    def adj(r, _):
        for q in range(K // 16):
            sl = pl.ds(q * 16, 16)
            src_v[r, sl] = src_v[r, sl] + offs
        return 0

    lax.fori_loop(0, NCH, adj, 0)

    zvec = jnp.zeros((16,), jnp.float32)

    def zrow(r, _):
        for cc in range(DH // 16):
            rows_v[0, 0, r, pl.ds(cc * 16, 16)] = zvec
        return 0

    lax.fori_loop(0, K, zrow, 0)

    for z in range(RPT // K):
        pltpu.sync_copy(
            rows_v.at[0, 0], acc_sh.at[pl.ds(s * RPT + z * K, K)]
        )
    plsc.subcore_barrier()

    def gfire(t, half):
        for b in range(EGRP):
            j = t * EGRP + b
            pltpu.async_copy(
                dst_hbm.at[s * NCH + j], dbufs[half * EGRP + b], isem
            )
            pltpu.async_copy(
                y_hbm.at[src_v.at[j]], rows_v.at[half, b], gsem
            )

    def gdrain(t, half):
        for b in range(EGRP):
            j = t * EGRP + b
            pltpu.make_async_copy(
                dst_hbm.at[s * NCH + j], dbufs[half * EGRP + b], isem
            ).wait()
            pltpu.make_async_copy(
                y_hbm.at[src_v.at[j]], rows_v.at[half, b], gsem
            ).wait()

    def scats(half):
        for b in range(EGRP):
            pltpu.sync_copy(
                rows_v.at[half, b], acc_sh.at[dbufs[half * EGRP + b]],
                add=True,
            )

    gfire(0, 0)

    def outer(p, _):
        gfire(2 * p + 1, 1)
        gdrain(2 * p, 0)
        scats(0)

        @pl.when(p < NCH // (2 * EGRP) - 1)
        def _():
            gfire(2 * p + 2, 0)

        gdrain(2 * p + 1, 1)
        scats(1)
        return 0

    lax.fori_loop(0, NCH // (2 * EGRP), outer, 0)
    plsc.subcore_barrier()

    pltpu.sync_copy(
        acc_sh.at[pl.ds(s * RPT, RPT)],
        acc_hbm.at[pl.ds(c * NPAD + s * RPT, RPT)],
    )


BLK = 2000
GRID = N // BLK


def _mm_body(hn_ref, w_ref, x_ref):
    x_ref[...] = jnp.dot(
        hn_ref[...], w_ref[...], preferred_element_type=jnp.float32
    )


def _tc_matmul(hn, W):
    return pl.pallas_call(
        _mm_body,
        grid=(GRID,),
        in_specs=[
            pl.BlockSpec((BLK, D), lambda i: (i, 0)),
            pl.BlockSpec((D, D), lambda i: (0, 0)),
        ],
        out_specs=pl.BlockSpec((BLK, D), lambda i: (i, 0)),
        out_shape=jax.ShapeDtypeStruct((N, D), jnp.float32),
    )(hn, W)


def _scale_body(x_ref, dp_ref, y_ref):
    dp = dp_ref[...]
    deg = dp[0, :, 0:1] + dp[1, :, 0:1] + 1.0
    dinv = 1.0 / jnp.sqrt(deg)
    y = x_ref[...] * dinv
    y_ref[0, :, :] = y[:, :DH]
    y_ref[1, :, :] = y[:, DH:]


def _tc_scale(x, degpart):
    return pl.pallas_call(
        _scale_body,
        grid=(GRID,),
        in_specs=[
            pl.BlockSpec((BLK, D), lambda i: (i, 0)),
            pl.BlockSpec((NC, BLK, 16), lambda i: (0, i, 0)),
        ],
        out_specs=pl.BlockSpec((2, BLK, DH), lambda i: (0, i, 0)),
        out_shape=jax.ShapeDtypeStruct((2, N, DH), jnp.float32),
    )(x, degpart)


def _fin_body(p_ref, y_ref, dp_ref, b_ref, o_ref):
    dp = dp_ref[...]
    deg = dp[0, :, 0:1] + dp[1, :, 0:1] + 1.0
    dinv = 1.0 / jnp.sqrt(deg)
    acc = jnp.concatenate([p_ref[0], p_ref[1]], axis=1)
    y = jnp.concatenate([y_ref[0], y_ref[1]], axis=1)
    ssum = (acc + y) * dinv + b_ref[...]
    o_ref[...] = jnp.maximum(ssum, 0.0)


def _tc_finish(parts, y2, degpart, b2):
    return pl.pallas_call(
        _fin_body,
        grid=(GRID,),
        in_specs=[
            pl.BlockSpec((NC, BLK, DH), lambda i: (0, i, 0)),
            pl.BlockSpec((2, BLK, DH), lambda i: (0, i, 0)),
            pl.BlockSpec((NC, BLK, 16), lambda i: (0, i, 0)),
            pl.BlockSpec((1, D), lambda i: (0, 0)),
        ],
        out_specs=pl.BlockSpec((BLK, D), lambda i: (i, 0)),
        out_shape=jax.ShapeDtypeStruct((N, D), jnp.float32),
    )(parts, y2, degpart, b2)


def kernel(hn, edge_index, he, W, b):
    ei = edge_index.astype(jnp.int32)
    dst3 = ei[1].reshape(NW * NCHD, KD)
    src_e = ei[0].reshape(NS, NCH, K)
    dst_e = ei[1].reshape(NS * NCH, K)

    degpart = _deg_kernel(dst3).reshape(NC, NPAD, 16)
    y2 = _tc_scale(_tc_matmul(hn, W), degpart)
    parts = _edge_kernel(
        y2.reshape(2 * N, DH), src_e, dst_e
    ).reshape(NC, NPAD, DH)
    out = _tc_finish(parts, y2, degpart, b.reshape(1, D))
    return out

# --- scband reference (transcript-rebuilt; emitter-appended) ---
"""Pipeline reference for scband-gcn-17368847745648 (READ-ONLY COPY).

The authoritative reference and input builder live on the scoring server;
editing this copy changes nothing except your own understanding.
"""

import jax, jax.numpy as jnp
import numpy as np

N_NODES = 10000
D_IN = 128
D_OUT = 128
N_EDGES = 320000
D_EDGE = 16


def setup_inputs(seed: int = 0) -> dict:
    key = jax.random.key(seed)
    k1, k2, k3, k4, k5 = jax.random.split(key, 5)
    hn = jax.random.normal(k1, (N_NODES, D_IN), dtype=jnp.float32)
    edge_index = jax.random.randint(k2, (2, N_EDGES), 0, N_NODES, dtype=jnp.int64)
    he = jax.random.normal(k3, (N_EDGES, D_EDGE), dtype=jnp.float32)
    # GCNConv learned params (glorot-style init for W, zeros for bias)
    W = jax.random.normal(k4, (D_IN, D_OUT), dtype=jnp.float32) * (1.0 / np.sqrt(D_IN))
    b = jnp.zeros((D_OUT,), dtype=jnp.float32)
    return {"hn": hn, "edge_index": edge_index, "he": he, "W": W, "b": b}


def reference(hn, edge_index, he, W, b):
    # Faithful GCNConv (PyG semantics): add self-loops, symmetric normalization,
    # linear transform, sum aggregation at dst, bias; then ReLU + 0 * he.mean().
    N = hn.shape[0]
    src = edge_index[0]
    dst = edge_index[1]
    loop = jnp.arange(N, dtype=src.dtype)
    src2 = jnp.concatenate([src, loop])
    dst2 = jnp.concatenate([dst, loop])
    ew = jnp.ones(src2.shape[0], dtype=jnp.float32)
    deg = jax.ops.segment_sum(ew, dst2, num_segments=N)
    deg_inv_sqrt = jnp.where(deg > 0, 1.0 / jnp.sqrt(deg), 0.0)
    norm = deg_inv_sqrt[src2] * deg_inv_sqrt[dst2]
    x = hn @ W
    msg = x[src2] * norm[:, None]
    agg = jax.ops.segment_sum(msg, dst2, num_segments=N)
    conv_out = agg + b
    out = jax.nn.relu(conv_out) + 0.0 * he.mean()
    return out

if __name__ == "__main__":
    import jax
    _d = setup_inputs()
    print(jax.jit(kernel)(*tuple(_d.values())))

</pallas_src>

<mosaic_0001>
#map = affine_map<(d0, d1) -> (0, 0)>
#map1 = affine_map<(d0, d1) -> (0, 0, 0)>
module attributes {stable_mosaic.version = 14 : i64} {
  func.func @_edge_kernel(%arg0: i32, %arg1: i32, %arg2: memref<20000x64xf32, #tpu.memory_space<hbm>>, %arg3: memref<16x250x80xi32, #tpu.memory_space<hbm>>, %arg4: memref<4000x80xi32, #tpu.memory_space<hbm>>, %arg5: memref<20480x64xf32, #tpu.memory_space<hbm>>, %arg6: memref<250x80xi32, #tpu.memory_space<vmem>>, %arg7: memref<80xi32, #tpu.memory_space<vmem>>, %arg8: memref<80xi32, #tpu.memory_space<vmem>>, %arg9: memref<80xi32, #tpu.memory_space<vmem>>, %arg10: memref<80xi32, #tpu.memory_space<vmem>>, %arg11: memref<80xi32, #tpu.memory_space<vmem>>, %arg12: memref<80xi32, #tpu.memory_space<vmem>>, %arg13: memref<80xi32, #tpu.memory_space<vmem>>, %arg14: memref<80xi32, #tpu.memory_space<vmem>>, %arg15: memref<80xi32, #tpu.memory_space<vmem>>, %arg16: memref<80xi32, #tpu.memory_space<vmem>>, %arg17: memref<2x5x80x64xf32, #tpu.memory_space<vmem>>, %arg18: memref<10240x64xf32, #tpu.memory_space<vmem_shared>>, %arg19: memref<!tpu.dma_semaphore, #tpu.memory_space<semaphore_mem>>, %arg20: memref<!tpu.dma_semaphore, #tpu.memory_space<semaphore_mem>>) attributes {dimension_semantics = [#tpu.dimension_semantics<core_parallel>, #tpu.dimension_semantics<subcore_parallel>], iteration_bounds = array<i64: 2, 16>, scalar_prefetch = 0 : i64, scratch_operands = 15 : i64, tpu.core_type = #tpu.core_type<sc_vector_subcore>, window_params = [{transform_indices = #map}, {transform_indices = #map1}, {transform_indices = #map}, {transform_indices = #map}]} {
    %mul3A = arith.constant 16 : i32
    %mul3A_0 = arith.muli %arg0, %mul3A : i32
    %add3A = arith.addi %mul3A_0, %arg1 : i32
    "tpu.region"() ({
      %run_scoped3A_193 = tpu.sem_alloc : memref<!tpu.dma_semaphore, #tpu.memory_space<semaphore_mem>>
      %dma_start3A_194 = arith.constant 0 : i32
      %dma_start3A_195 = arith.constant 0 : i32
      %dma_start3A_196 = tpu.memref_slice %arg3[%arg1, %dma_start3A_194, %dma_start3A_195] : memref<16x250x80xi32, #tpu.memory_space<hbm>> -> memref<1x250x80xi32, #tpu.memory_space<hbm>>
      %dma_start3A_197 = tpu.memref_squeeze %dma_start3A_196 : memref<1x250x80xi32, #tpu.memory_space<hbm>> -> memref<250x80xi32, #tpu.memory_space<hbm>>
      %dma_start3A_198 = arith.constant 0 : i32
      %dma_start3A_199 = arith.constant 0 : i32
      %dma_start3A_200 = tpu.memref_slice %arg3[%arg1, %dma_start3A_198, %dma_start3A_199] : memref<16x250x80xi32, #tpu.memory_space<hbm>> -> memref<1x250x80xi32, #tpu.memory_space<hbm>>
      %dma_start3A_201 = tpu.memref_squeeze %dma_start3A_200 : memref<1x250x80xi32, #tpu.memory_space<hbm>> -> memref<250x80xi32, #tpu.memory_space<hbm>>
      tpu.enqueue_dma source(%dma_start3A_201 : memref<250x80xi32, #tpu.memory_space<hbm>>) target(%arg6 : memref<250x80xi32, #tpu.memory_space<vmem>>) target_semaphore(%run_scoped3A_193 : memref<!tpu.dma_semaphore, #tpu.memory_space<semaphore_mem>>)
      %dma_wait3A = arith.constant 0 : i32
      %dma_wait3A_202 = arith.constant 0 : i32
      %dma_wait3A_203 = tpu.memref_slice %arg3[%arg1, %dma_wait3A, %dma_wait3A_202] : memref<16x250x80xi32, #tpu.memory_space<hbm>> -> memref<1x250x80xi32, #tpu.memory_space<hbm>>
      %dma_wait3A_204 = tpu.memref_squeeze %dma_wait3A_203 : memref<1x250x80xi32, #tpu.memory_space<hbm>> -> memref<250x80xi32, #tpu.memory_space<hbm>>
      %dma_wait3A_205 = arith.constant 0 : i32
      %dma_wait3A_206 = arith.constant 0 : i32
      %dma_wait3A_207 = tpu.memref_slice %arg3[%arg1, %dma_wait3A_205, %dma_wait3A_206] : memref<16x250x80xi32, #tpu.memory_space<hbm>> -> memref<1x250x80xi32, #tpu.memory_space<hbm>>
      %dma_wait3A_208 = tpu.memref_squeeze %dma_wait3A_207 : memref<1x250x80xi32, #tpu.memory_space<hbm>> -> memref<250x80xi32, #tpu.memory_space<hbm>>
      tpu.wait_dma2 semaphore(%run_scoped3A_193 : memref<!tpu.dma_semaphore, #tpu.memory_space<semaphore_mem>>) src(%dma_wait3A_208 : memref<250x80xi32, #tpu.memory_space<hbm>>) dst(%arg6 : memref<250x80xi32, #tpu.memory_space<vmem>>)
      tpu.yield
    }) : () -> ()
    %mul3A_1 = arith.constant 10000 : i32
    %mul3A_2 = arith.muli %arg0, %mul3A_1 : i32
    %scan3A = arith.constant 0 : i32
    %scan3A_3 = arith.constant 0 : i32
    %scan3A_4 = arith.constant 250 : i32
    %scan3A_5 = arith.addi %scan3A_3, %scan3A_4 : i32
    %scan3A_6 = arith.constant 1 : i32
    %scan3A_7 = scf.for %scan3A_193 = %scan3A_3 to %scan3A_5 step %scan3A_6 iter_args(%scan3A_194 = %scan3A) -> (i32)  : i32 {
      %get3A = arith.index_cast %scan3A_193 : i32 to index
      %get3A_195 = arith.constant 0 : index
      %get3A_196 = tpu.vector_load %arg6[%get3A, %get3A_195] {strides = array<i32>} : memref<250x80xi32, #tpu.memory_space<vmem>>, vector<1x16xi32>,
      %get3A_197 = vector.shape_cast %get3A_196 : vector<1x16xi32> to vector<16xi32>
      %add3A_198 = vector.broadcast %mul3A_2 : i32 to vector<16xi32>
      %add3A_199 = arith.addi %get3A_197, %add3A_198 : vector<16xi32>
      %swap3A = arith.index_cast %scan3A_193 : i32 to index
      %swap3A_200 = arith.constant 0 : index
      %swap3A_201 = tpu.vector_load %arg6[%swap3A, %swap3A_200] {strides = array<i32>} : memref<250x80xi32, #tpu.memory_space<vmem>>, vector<1x16xi32>,
      %swap3A_202 = vector.shape_cast %swap3A_201 : vector<1x16xi32> to vector<16xi32>
      %swap3A_203 = vector.shape_cast %add3A_199 : vector<16xi32> to vector<1x16xi32>
      tpu.vector_store %arg6[%swap3A, %swap3A_200], %swap3A_203 {strides = array<i32>} : memref<250x80xi32, #tpu.memory_space<vmem>>, vector<1x16xi32>,
      %get3A_204 = arith.index_cast %scan3A_193 : i32 to index
      %get3A_205 = arith.constant 16 : index
      %get3A_206 = tpu.vector_load %arg6[%get3A_204, %get3A_205] {strides = array<i32>} : memref<250x80xi32, #tpu.memory_space<vmem>>, vector<1x16xi32>,
      %get3A_207 = vector.shape_cast %get3A_206 : vector<1x16xi32> to vector<16xi32>
      %add3A_208 = vector.broadcast %mul3A_2 : i32 to vector<16xi32>
      %add3A_209 = arith.addi %get3A_207, %add3A_208 : vector<16xi32>
      %swap3A_210 = arith.index_cast %scan3A_193 : i32 to index
      %swap3A_211 = arith.constant 16 : index
      %swap3A_212 = tpu.vector_load %arg6[%swap3A_210, %swap3A_211] {strides = array<i32>} : memref<250x80xi32, #tpu.memory_space<vmem>>, vector<1x16xi32>,
      %swap3A_213 = vector.shape_cast %swap3A_212 : vector<1x16xi32> to vector<16xi32>
      %swap3A_214 = vector.shape_cast %add3A_209 : vector<16xi32> to vector<1x16xi32>
      tpu.vector_store %arg6[%swap3A_210, %swap3A_211], %swap3A_214 {strides = array<i32>} : memref<250x80xi32, #tpu.memory_space<vmem>>, vector<1x16xi32>,
      %get3A_215 = arith.index_cast %scan3A_193 : i32 to index
      %get3A_216 = arith.constant 32 : index
      %get3A_217 = tpu.vector_load %arg6[%get3A_215, %get3A_216] {strides = array<i32>} : memref<250x80xi32, #tpu.memory_space<vmem>>, vector<1x16xi32>,
      %get3A_218 = vector.shape_cast %get3A_217 : vector<1x16xi32> to vector<16xi32>
      %add3A_219 = vector.broadcast %mul3A_2 : i32 to vector<16xi32>
      %add3A_220 = arith.addi %get3A_218, %add3A_219 : vector<16xi32>
      %swap3A_221 = arith.index_cast %scan3A_193 : i32 to index
      %swap3A_222 = arith.constant 32 : index
      %swap3A_223 = tpu.vector_load %arg6[%swap3A_221, %swap3A_222] {strides = array<i32>} : memref<250x80xi32, #tpu.memory_space<vmem>>, vector<1x16xi32>,
      %swap3A_224 = vector.shape_cast %swap3A_223 : vector<1x16xi32> to vector<16xi32>
      %swap3A_225 = vector.shape_cast %add3A_220 : vector<16xi32> to vector<1x16xi32>
      tpu.vector_store %arg6[%swap3A_221, %swap3A_222], %swap3A_225 {strides = array<i32>} : memref<250x80xi32, #tpu.memory_space<vmem>>, vector<1x16xi32>,
      %get3A_226 = arith.index_cast %scan3A_193 : i32 to index
      %get3A_227 = arith.constant 48 : index
      %get3A_228 = tpu.vector_load %arg6[%get3A_226, %get3A_227] {strides = array<i32>} : memref<250x80xi32, #tpu.memory_space<vmem>>, vector<1x16xi32>,
      %get3A_229 = vector.shape_cast %get3A_228 : vector<1x16xi32> to vector<16xi32>
      %add3A_230 = vector.broadcast %mul3A_2 : i32 to vector<16xi32>
      %add3A_231 = arith.addi %get3A_229, %add3A_230 : vector<16xi32>
      %swap3A_232 = arith.index_cast %scan3A_193 : i32 to index
      %swap3A_233 = arith.constant 48 : index
      %swap3A_234 = tpu.vector_load %arg6[%swap3A_232, %swap3A_233] {strides = array<i32>} : memref<250x80xi32, #tpu.memory_space<vmem>>, vector<1x16xi32>,
      %swap3A_235 = vector.shape_cast %swap3A_234 : vector<1x16xi32> to vector<16xi32>
      %swap3A_236 = vector.shape_cast %add3A_231 : vector<16xi32> to vector<1x16xi32>
      tpu.vector_store %arg6[%swap3A_232, %swap3A_233], %swap3A_236 {strides = array<i32>} : memref<250x80xi32, #tpu.memory_space<vmem>>, vector<1x16xi32>,
      %get3A_237 = arith.index_cast %scan3A_193 : i32 to index
      %get3A_238 = arith.constant 64 : index
      %get3A_239 = tpu.vector_load %arg6[%get3A_237, %get3A_238] {strides = array<i32>} : memref<250x80xi32, #tpu.memory_space<vmem>>, vector<1x16xi32>,
      %get3A_240 = vector.shape_cast %get3A_239 : vector<1x16xi32> to vector<16xi32>
      %add3A_241 = vector.broadcast %mul3A_2 : i32 to vector<16xi32>
      %add3A_242 = arith.addi %get3A_240, %add3A_241 : vector<16xi32>
      %swap3A_243 = arith.index_cast %scan3A_193 : i32 to index
      %swap3A_244 = arith.constant 64 : index
      %swap3A_245 = tpu.vector_load %arg6[%swap3A_243, %swap3A_244] {strides = array<i32>} : memref<250x80xi32, #tpu.memory_space<vmem>>, vector<1x16xi32>,
      %swap3A_246 = vector.shape_cast %swap3A_245 : vector<1x16xi32> to vector<16xi32>
      %swap3A_247 = vector.shape_cast %add3A_242 : vector<16xi32> to vector<1x16xi32>
      tpu.vector_store %arg6[%swap3A_243, %swap3A_244], %swap3A_247 {strides = array<i32>} : memref<250x80xi32, #tpu.memory_space<vmem>>, vector<1x16xi32>,
      %scan3A_248 = arith.constant 0 : i32
      scf.yield %scan3A_248 : i32
    }
    %scan3A_8 = arith.constant 250 : i32
    %broadcast_in_dim3A = arith.constant 0.000000e+00 : f32
    %broadcast_in_dim3A_9 = vector.broadcast %broadcast_in_dim3A : f32 to vector<16xf32>
    %scan3A_10 = arith.constant 0 : i32
    %scan3A_11 = arith.constant 0 : i32
    %scan3A_12 = arith.constant 80 : i32
    %scan3A_13 = arith.addi %scan3A_11, %scan3A_12 : i32
    %scan3A_14 = arith.constant 1 : i32
    %scan3A_15 = scf.for %scan3A_193 = %scan3A_11 to %scan3A_13 step %scan3A_14 iter_args(%scan3A_194 = %scan3A_10) -> (i32)  : i32 {
      %swap3A = arith.constant 0 : i32
      %swap3A_195 = arith.constant 0 : i32
      %swap3A_196 = arith.index_cast %swap3A : i32 to index
      %swap3A_197 = arith.index_cast %swap3A_195 : i32 to index
      %swap3A_198 = arith.index_cast %scan3A_193 : i32 to index
      %swap3A_199 = arith.constant 0 : index
      %swap3A_200 = tpu.vector_load %arg17[%swap3A_196, %swap3A_197, %swap3A_198, %swap3A_199] {strides = array<i32>} : memref<2x5x80x64xf32, #tpu.memory_space<vmem>>, vector<1x1x1x16xf32>,
      %swap3A_201 = vector.shape_cast %swap3A_200 : vector<1x1x1x16xf32> to vector<16xf32>
      %swap3A_202 = vector.shape_cast %broadcast_in_dim3A_9 : vector<16xf32> to vector<1x1x1x16xf32>
      tpu.vector_store %arg17[%swap3A_196, %swap3A_197, %swap3A_198, %swap3A_199], %swap3A_202 {strides = array<i32>} : memref<2x5x80x64xf32, #tpu.memory_space<vmem>>, vector<1x1x1x16xf32>,
      %swap3A_203 = arith.constant 0 : i32
      %swap3A_204 = arith.constant 0 : i32
      %swap3A_205 = arith.index_cast %swap3A_203 : i32 to index
      %swap3A_206 = arith.index_cast %swap3A_204 : i32 to index
      %swap3A_207 = arith.index_cast %scan3A_193 : i32 to index
      %swap3A_208 = arith.constant 16 : index
      %swap3A_209 = tpu.vector_load %arg17[%swap3A_205, %swap3A_206, %swap3A_207, %swap3A_208] {strides = array<i32>} : memref<2x5x80x64xf32, #tpu.memory_space<vmem>>, vector<1x1x1x16xf32>,
      %swap3A_210 = vector.shape_cast %swap3A_209 : vector<1x1x1x16xf32> to vector<16xf32>
      %swap3A_211 = vector.shape_cast %broadcast_in_dim3A_9 : vector<16xf32> to vector<1x1x1x16xf32>
      tpu.vector_store %arg17[%swap3A_205, %swap3A_206, %swap3A_207, %swap3A_208], %swap3A_211 {strides = array<i32>} : memref<2x5x80x64xf32, #tpu.memory_space<vmem>>, vector<1x1x1x16xf32>,
      %swap3A_212 = arith.constant 0 : i32
      %swap3A_213 = arith.constant 0 : i32
      %swap3A_214 = arith.index_cast %swap3A_212 : i32 to index
      %swap3A_215 = arith.index_cast %swap3A_213 : i32 to index
      %swap3A_216 = arith.index_cast %scan3A_193 : i32 to index
      %swap3A_217 = arith.constant 32 : index
      %swap3A_218 = tpu.vector_load %arg17[%swap3A_214, %swap3A_215, %swap3A_216, %swap3A_217] {strides = array<i32>} : memref<2x5x80x64xf32, #tpu.memory_space<vmem>>, vector<1x1x1x16xf32>,
      %swap3A_219 = vector.shape_cast %swap3A_218 : vector<1x1x1x16xf32> to vector<16xf32>
      %swap3A_220 = vector.shape_cast %broadcast_in_dim3A_9 : vector<16xf32> to vector<1x1x1x16xf32>
      tpu.vector_store %arg17[%swap3A_214, %swap3A_215, %swap3A_216, %swap3A_217], %swap3A_220 {strides = array<i32>} : memref<2x5x80x64xf32, #tpu.memory_space<vmem>>, vector<1x1x1x16xf32>,
      %swap3A_221 = arith.constant 0 : i32
      %swap3A_222 = arith.constant 0 : i32
      %swap3A_223 = arith.index_cast %swap3A_221 : i32 to index
      %swap3A_224 = arith.index_cast %swap3A_222 : i32 to index
      %swap3A_225 = arith.index_cast %scan3A_193 : i32 to index
      %swap3A_226 = arith.constant 48 : index
      %swap3A_227 = tpu.vector_load %arg17[%swap3A_223, %swap3A_224, %swap3A_225, %swap3A_226] {strides = array<i32>} : memref<2x5x80x64xf32, #tpu.memory_space<vmem>>, vector<1x1x1x16xf32>,
      %swap3A_228 = vector.shape_cast %swap3A_227 : vector<1x1x1x16xf32> to vector<16xf32>
      %swap3A_229 = vector.shape_cast %broadcast_in_dim3A_9 : vector<16xf32> to vector<1x1x1x16xf32>
      tpu.vector_store %arg17[%swap3A_223, %swap3A_224, %swap3A_225, %swap3A_226], %swap3A_229 {strides = array<i32>} : memref<2x5x80x64xf32, #tpu.memory_space<vmem>>, vector<1x1x1x16xf32>,
      %scan3A_230 = arith.constant 0 : i32
      scf.yield %scan3A_230 : i32
    }
    %scan3A_16 = arith.constant 80 : i32
    %mul3A_17 = arith.constant 640 : i32
    %mul3A_18 = arith.muli %arg1, %mul3A_17 : i32
    %add3A_19 = arith.constant 0 : i32
    %add3A_20 = arith.addi %mul3A_18, %add3A_19 : i32
    %run_scoped3A = arith.constant 0 : i32
    %run_scoped3A_21 = arith.constant 0 : i32
    "tpu.region"() ({
      %run_scoped3A_193 = tpu.sem_alloc : memref<!tpu.dma_semaphore, #tpu.memory_space<semaphore_mem>>
      %dma_start3A_194 = arith.constant 0 : i32
      %dma_start3A_195 = arith.constant 0 : i32
      %dma_start3A_196 = tpu.memref_slice %arg17[%run_scoped3A, %run_scoped3A_21, %dma_start3A_194, %dma_start3A_195] : memref<2x5x80x64xf32, #tpu.memory_space<vmem>> -> memref<1x1x80x64xf32, #tpu.memory_space<vmem>>
      %dma_start3A_197 = tpu.memref_squeeze %dma_start3A_196 : memref<1x1x80x64xf32, #tpu.memory_space<vmem>> -> memref<80x64xf32, #tpu.memory_space<vmem>>
      %dma_start3A_198 = arith.constant 0 : i32
      %dma_start3A_199 = tpu.memref_slice %arg18[%add3A_20, %dma_start3A_198] : memref<10240x64xf32, #tpu.memory_space<vmem_shared>> -> memref<80x64xf32, #tpu.memory_space<vmem_shared>>
      %dma_start3A_200 = arith.constant 0 : i32
      %dma_start3A_201 = tpu.memref_slice %arg18[%add3A_20, %dma_start3A_200] : memref<10240x64xf32, #tpu.memory_space<vmem_shared>> -> memref<80x64xf32, #tpu.memory_space<vmem_shared>>
      %dma_start3A_202 = arith.constant 0 : i32
      %dma_start3A_203 = arith.constant 0 : i32
      %dma_start3A_204 = tpu.memref_slice %arg17[%run_scoped3A, %run_scoped3A_21, %dma_start3A_202, %dma_start3A_203] : memref<2x5x80x64xf32, #tpu.memory_space<vmem>> -> memref<1x1x80x64xf32, #tpu.memory_space<vmem>>
      %dma_start3A_205 = tpu.memref_squeeze %dma_start3A_204 : memref<1x1x80x64xf32, #tpu.memory_space<vmem>> -> memref<80x64xf32, #tpu.memory_space<vmem>>
      tpu.enqueue_dma source(%dma_start3A_205 : memref<80x64xf32, #tpu.memory_space<vmem>>) target(%dma_start3A_201 : memref<80x64xf32, #tpu.memory_space<vmem_shared>>) target_semaphore(%run_scoped3A_193 : memref<!tpu.dma_semaphore, #tpu.memory_space<semaphore_mem>>)
      %dma_wait3A = arith.constant 0 : i32
      %dma_wait3A_206 = arith.constant 0 : i32
      %dma_wait3A_207 = tpu.memref_slice %arg17[%run_scoped3A, %run_scoped3A_21, %dma_wait3A, %dma_wait3A_206] : memref<2x5x80x64xf32, #tpu.memory_space<vmem>> -> memref<1x1x80x64xf32, #tpu.memory_space<vmem>>
      %dma_wait3A_208 = tpu.memref_squeeze %dma_wait3A_207 : memref<1x1x80x64xf32, #tpu.memory_space<vmem>> -> memref<80x64xf32, #tpu.memory_space<vmem>>
      %dma_wait3A_209 = arith.constant 0 : i32
      %dma_wait3A_210 = tpu.memref_slice %arg18[%add3A_20, %dma_wait3A_209] : memref<10240x64xf32, #tpu.memory_space<vmem_shared>> -> memref<80x64xf32, #tpu.memory_space<vmem_shared>>
      %dma_wait3A_211 = arith.constant 0 : i32
      %dma_wait3A_212 = tpu.memref_slice %arg18[%add3A_20, %dma_wait3A_211] : memref<10240x64xf32, #tpu.memory_space<vmem_shared>> -> memref<80x64xf32, #tpu.memory_space<vmem_shared>>
      %dma_wait3A_213 = arith.constant 0 : i32
      %dma_wait3A_214 = arith.constant 0 : i32
      %dma_wait3A_215 = tpu.memref_slice %arg17[%run_scoped3A, %run_scoped3A_21, %dma_wait3A_213, %dma_wait3A_214] : memref<2x5x80x64xf32, #tpu.memory_space<vmem>> -> memref<1x1x80x64xf32, #tpu.memory_space<vmem>>
      %dma_wait3A_216 = tpu.memref_squeeze %dma_wait3A_215 : memref<1x1x80x64xf32, #tpu.memory_space<vmem>> -> memref<80x64xf32, #tpu.memory_space<vmem>>
      tpu.wait_dma2 semaphore(%run_scoped3A_193 : memref<!tpu.dma_semaphore, #tpu.memory_space<semaphore_mem>>) src(%dma_wait3A_216 : memref<80x64xf32, #tpu.memory_space<vmem>>) dst(%dma_wait3A_212 : memref<80x64xf32, #tpu.memory_space<vmem_shared>>)
      tpu.yield
    }) : () -> ()
    %mul3A_22 = arith.constant 640 : i32
    %mul3A_23 = arith.muli %arg1, %mul3A_22 : i32
    %add3A_24 = arith.constant 80 : i32
    %add3A_25 = arith.addi %mul3A_23, %add3A_24 : i32
    %run_scoped3A_26 = arith.constant 0 : i32
    %run_scoped3A_27 = arith.constant 0 : i32
    "tpu.region"() ({
      %run_scoped3A_193 = tpu.sem_alloc : memref<!tpu.dma_semaphore, #tpu.memory_space<semaphore_mem>>
      %dma_start3A_194 = arith.constant 0 : i32
      %dma_start3A_195 = arith.constant 0 : i32
      %dma_start3A_196 = tpu.memref_slice %arg17[%run_scoped3A_26, %run_scoped3A_27, %dma_start3A_194, %dma_start3A_195] : memref<2x5x80x64xf32, #tpu.memory_space<vmem>> -> memref<1x1x80x64xf32, #tpu.memory_space<vmem>>
      %dma_start3A_197 = tpu.memref_squeeze %dma_start3A_196 : memref<1x1x80x64xf32, #tpu.memory_space<vmem>> -> memref<80x64xf32, #tpu.memory_space<vmem>>
      %dma_start3A_198 = arith.constant 0 : i32
      %dma_start3A_199 = tpu.memref_slice %arg18[%add3A_25, %dma_start3A_198] : memref<10240x64xf32, #tpu.memory_space<vmem_shared>> -> memref<80x64xf32, #tpu.memory_space<vmem_shared>>
      %dma_start3A_200 = arith.constant 0 : i32
      %dma_start3A_201 = tpu.memref_slice %arg18[%add3A_25, %dma_start3A_200] : memref<10240x64xf32, #tpu.memory_space<vmem_shared>> -> memref<80x64xf32, #tpu.memory_space<vmem_shared>>
      %dma_start3A_202 = arith.constant 0 : i32
      %dma_start3A_203 = arith.constant 0 : i32
      %dma_start3A_204 = tpu.memref_slice %arg17[%run_scoped3A_26, %run_scoped3A_27, %dma_start3A_202, %dma_start3A_203] : memref<2x5x80x64xf32, #tpu.memory_space<vmem>> -> memref<1x1x80x64xf32, #tpu.memory_space<vmem>>
      %dma_start3A_205 = tpu.memref_squeeze %dma_start3A_204 : memref<1x1x80x64xf32, #tpu.memory_space<vmem>> -> memref<80x64xf32, #tpu.memory_space<vmem>>
      tpu.enqueue_dma source(%dma_start3A_205 : memref<80x64xf32, #tpu.memory_space<vmem>>) target(%dma_start3A_201 : memref<80x64xf32, #tpu.memory_space<vmem_shared>>) target_semaphore(%run_scoped3A_193 : memref<!tpu.dma_semaphore, #tpu.memory_space<semaphore_mem>>)
      %dma_wait3A = arith.constant 0 : i32
      %dma_wait3A_206 = arith.constant 0 : i32
      %dma_wait3A_207 = tpu.memref_slice %arg17[%run_scoped3A_26, %run_scoped3A_27, %dma_wait3A, %dma_wait3A_206] : memref<2x5x80x64xf32, #tpu.memory_space<vmem>> -> memref<1x1x80x64xf32, #tpu.memory_space<vmem>>
      %dma_wait3A_208 = tpu.memref_squeeze %dma_wait3A_207 : memref<1x1x80x64xf32, #tpu.memory_space<vmem>> -> memref<80x64xf32, #tpu.memory_space<vmem>>
      %dma_wait3A_209 = arith.constant 0 : i32
      %dma_wait3A_210 = tpu.memref_slice %arg18[%add3A_25, %dma_wait3A_209] : memref<10240x64xf32, #tpu.memory_space<vmem_shared>> -> memref<80x64xf32, #tpu.memory_space<vmem_shared>>
      %dma_wait3A_211 = arith.constant 0 : i32
      %dma_wait3A_212 = tpu.memref_slice %arg18[%add3A_25, %dma_wait3A_211] : memref<10240x64xf32, #tpu.memory_space<vmem_shared>> -> memref<80x64xf32, #tpu.memory_space<vmem_shared>>
      %dma_wait3A_213 = arith.constant 0 : i32
      %dma_wait3A_214 = arith.constant 0 : i32
      %dma_wait3A_215 = tpu.memref_slice %arg17[%run_scoped3A_26, %run_scoped3A_27, %dma_wait3A_213, %dma_wait3A_214] : memref<2x5x80x64xf32, #tpu.memory_space<vmem>> -> memref<1x1x80x64xf32, #tpu.memory_space<vmem>>
      %dma_wait3A_216 = tpu.memref_squeeze %dma_wait3A_215 : memref<1x1x80x64xf32, #tpu.memory_space<vmem>> -> memref<80x64xf32, #tpu.memory_space<vmem>>
      tpu.wait_dma2 semaphore(%run_scoped3A_193 : memref<!tpu.dma_semaphore, #tpu.memory_space<semaphore_mem>>) src(%dma_wait3A_216 : memref<80x64xf32, #tpu.memory_space<vmem>>) dst(%dma_wait3A_212 : memref<80x64xf32, #tpu.memory_space<vmem_shared>>)
      tpu.yield
    }) : () -> ()
    %mul3A_28 = arith.constant 640 : i32
    %mul3A_29 = arith.muli %arg1, %mul3A_28 : i32
    %add3A_30 = arith.constant 160 : i32
    %add3A_31 = arith.addi %mul3A_29, %add3A_30 : i32
    %run_scoped3A_32 = arith.constant 0 : i32
    %run_scoped3A_33 = arith.constant 0 : i32
    "tpu.region"() ({
      %run_scoped3A_193 = tpu.sem_alloc : memref<!tpu.dma_semaphore, #tpu.memory_space<semaphore_mem>>
      %dma_start3A_194 = arith.constant 0 : i32
      %dma_start3A_195 = arith.constant 0 : i32
      %dma_start3A_196 = tpu.memref_slice %arg17[%run_scoped3A_32, %run_scoped3A_33, %dma_start3A_194, %dma_start3A_195] : memref<2x5x80x64xf32, #tpu.memory_space<vmem>> -> memref<1x1x80x64xf32, #tpu.memory_space<vmem>>
      %dma_start3A_197 = tpu.memref_squeeze %dma_start3A_196 : memref<1x1x80x64xf32, #tpu.memory_space<vmem>> -> memref<80x64xf32, #tpu.memory_space<vmem>>
      %dma_start3A_198 = arith.constant 0 : i32
      %dma_start3A_199 = tpu.memref_slice %arg18[%add3A_31, %dma_start3A_198] : memref<10240x64xf32, #tpu.memory_space<vmem_shared>> -> memref<80x64xf32, #tpu.memory_space<vmem_shared>>
      %dma_start3A_200 = arith.constant 0 : i32
      %dma_start3A_201 = tpu.memref_slice %arg18[%add3A_31, %dma_start3A_200] : memref<10240x64xf32, #tpu.memory_space<vmem_shared>> -> memref<80x64xf32, #tpu.memory_space<vmem_shared>>
      %dma_start3A_202 = arith.constant 0 : i32
      %dma_start3A_203 = arith.constant 0 : i32
      %dma_start3A_204 = tpu.memref_slice %arg17[%run_scoped3A_32, %run_scoped3A_33, %dma_start3A_202, %dma_start3A_203] : memref<2x5x80x64xf32, #tpu.memory_space<vmem>> -> memref<1x1x80x64xf32, #tpu.memory_space<vmem>>
      %dma_start3A_205 = tpu.memref_squeeze %dma_start3A_204 : memref<1x1x80x64xf32, #tpu.memory_space<vmem>> -> memref<80x64xf32, #tpu.memory_space<vmem>>
      tpu.enqueue_dma source(%dma_start3A_205 : memref<80x64xf32, #tpu.memory_space<vmem>>) target(%dma_start3A_201 : memref<80x64xf32, #tpu.memory_space<vmem_shared>>) target_semaphore(%run_scoped3A_193 : memref<!tpu.dma_semaphore, #tpu.memory_space<semaphore_mem>>)
      %dma_wait3A = arith.constant 0 : i32
      %dma_wait3A_206 = arith.constant 0 : i32
      %dma_wait3A_207 = tpu.memref_slice %arg17[%run_scoped3A_32, %run_scoped3A_33, %dma_wait3A, %dma_wait3A_206] : memref<2x5x80x64xf32, #tpu.memory_space<vmem>> -> memref<1x1x80x64xf32, #tpu.memory_space<vmem>>
      %dma_wait3A_208 = tpu.memref_squeeze %dma_wait3A_207 : memref<1x1x80x64xf32, #tpu.memory_space<vmem>> -> memref<80x64xf32, #tpu.memory_space<vmem>>
      %dma_wait3A_209 = arith.constant 0 : i32
      %dma_wait3A_210 = tpu.memref_slice %arg18[%add3A_31, %dma_wait3A_209] : memref<10240x64xf32, #tpu.memory_space<vmem_shared>> -> memref<80x64xf32, #tpu.memory_space<vmem_shared>>
      %dma_wait3A_211 = arith.constant 0 : i32
      %dma_wait3A_212 = tpu.memref_slice %arg18[%add3A_31, %dma_wait3A_211] : memref<10240x64xf32, #tpu.memory_space<vmem_shared>> -> memref<80x64xf32, #tpu.memory_space<vmem_shared>>
      %dma_wait3A_213 = arith.constant 0 : i32
      %dma_wait3A_214 = arith.constant 0 : i32
      %dma_wait3A_215 = tpu.memref_slice %arg17[%run_scoped3A_32, %run_scoped3A_33, %dma_wait3A_213, %dma_wait3A_214] : memref<2x5x80x64xf32, #tpu.memory_space<vmem>> -> memref<1x1x80x64xf32, #tpu.memory_space<vmem>>
      %dma_wait3A_216 = tpu.memref_squeeze %dma_wait3A_215 : memref<1x1x80x64xf32, #tpu.memory_space<vmem>> -> memref<80x64xf32, #tpu.memory_space<vmem>>
      tpu.wait_dma2 semaphore(%run_scoped3A_193 : memref<!tpu.dma_semaphore, #tpu.memory_space<semaphore_mem>>) src(%dma_wait3A_216 : memref<80x64xf32, #tpu.memory_space<vmem>>) dst(%dma_wait3A_212 : memref<80x64xf32, #tpu.memory_space<vmem_shared>>)
      tpu.yield
    }) : () -> ()
    %mul3A_34 = arith.constant 640 : i32
    %mul3A_35 = arith.muli %arg1, %mul3A_34 : i32
    %add3A_36 = arith.constant 240 : i32
    %add3A_37 = arith.addi %mul3A_35, %add3A_36 : i32
    %run_scoped3A_38 = arith.constant 0 : i32
    %run_scoped3A_39 = arith.constant 0 : i32
    "tpu.region"() ({
      %run_scoped3A_193 = tpu.sem_alloc : memref<!tpu.dma_semaphore, #tpu.memory_space<semaphore_mem>>
      %dma_start3A_194 = arith.constant 0 : i32
      %dma_start3A_195 = arith.constant 0 : i32
      %dma_start3A_196 = tpu.memref_slice %arg17[%run_scoped3A_38, %run_scoped3A_39, %dma_start3A_194, %dma_start3A_195] : memref<2x5x80x64xf32, #tpu.memory_space<vmem>> -> memref<1x1x80x64xf32, #tpu.memory_space<vmem>>
      %dma_start3A_197 = tpu.memref_squeeze %dma_start3A_196 : memref<1x1x80x64xf32, #tpu.memory_space<vmem>> -> memref<80x64xf32, #tpu.memory_space<vmem>>
      %dma_start3A_198 = arith.constant 0 : i32
      %dma_start3A_199 = tpu.memref_slice %arg18[%add3A_37, %dma_start3A_198] : memref<10240x64xf32, #tpu.memory_space<vmem_shared>> -> memref<80x64xf32, #tpu.memory_space<vmem_shared>>
      %dma_start3A_200 = arith.constant 0 : i32
      %dma_start3A_201 = tpu.memref_slice %arg18[%add3A_37, %dma_start3A_200] : memref<10240x64xf32, #tpu.memory_space<vmem_shared>> -> memref<80x64xf32, #tpu.memory_space<vmem_shared>>
      %dma_start3A_202 = arith.constant 0 : i32
      %dma_start3A_203 = arith.constant 0 : i32
      %dma_start3A_204 = tpu.memref_slice %arg17[%run_scoped3A_38, %run_scoped3A_39, %dma_start3A_202, %dma_start3A_203] : memref<2x5x80x64xf32, #tpu.memory_space<vmem>> -> memref<1x1x80x64xf32, #tpu.memory_space<vmem>>
      %dma_start3A_205 = tpu.memref_squeeze %dma_start3A_204 : memref<1x1x80x64xf32, #tpu.memory_space<vmem>> -> memref<80x64xf32, #tpu.memory_space<vmem>>
      tpu.enqueue_dma source(%dma_start3A_205 : memref<80x64xf32, #tpu.memory_space<vmem>>) target(%dma_start3A_201 : memref<80x64xf32, #tpu.memory_space<vmem_shared>>) target_semaphore(%run_scoped3A_193 : memref<!tpu.dma_semaphore, #tpu.memory_space<semaphore_mem>>)
      %dma_wait3A = arith.constant 0 : i32
      %dma_wait3A_206 = arith.constant 0 : i32
      %dma_wait3A_207 = tpu.memref_slice %arg17[%run_scoped3A_38, %run_scoped3A_39, %dma_wait3A, %dma_wait3A_206] : memref<2x5x80x64xf32, #tpu.memory_space<vmem>> -> memref<1x1x80x64xf32, #tpu.memory_space<vmem>>
      %dma_wait3A_208 = tpu.memref_squeeze %dma_wait3A_207 : memref<1x1x80x64xf32, #tpu.memory_space<vmem>> -> memref<80x64xf32, #tpu.memory_space<vmem>>
      %dma_wait3A_209 = arith.constant 0 : i32
      %dma_wait3A_210 = tpu.memref_slice %arg18[%add3A_37, %dma_wait3A_209] : memref<10240x64xf32, #tpu.memory_space<vmem_shared>> -> memref<80x64xf32, #tpu.memory_space<vmem_shared>>
      %dma_wait3A_211 = arith.constant 0 : i32
      %dma_wait3A_212 = tpu.memref_slice %arg18[%add3A_37, %dma_wait3A_211] : memref<10240x64xf32, #tpu.memory_space<vmem_shared>> -> memref<80x64xf32, #tpu.memory_space<vmem_shared>>
      %dma_wait3A_213 = arith.constant 0 : i32
      %dma_wait3A_214 = arith.constant 0 : i32
      %dma_wait3A_215 = tpu.memref_slice %arg17[%run_scoped3A_38, %run_scoped3A_39, %dma_wait3A_213, %dma_wait3A_214] : memref<2x5x80x64xf32, #tpu.memory_space<vmem>> -> memref<1x1x80x64xf32, #tpu.memory_space<vmem>>
      %dma_wait3A_216 = tpu.memref_squeeze %dma_wait3A_215 : memref<1x1x80x64xf32, #tpu.memory_space<vmem>> -> memref<80x64xf32, #tpu.memory_space<vmem>>
      tpu.wait_dma2 semaphore(%run_scoped3A_193 : memref<!tpu.dma_semaphore, #tpu.memory_space<semaphore_mem>>) src(%dma_wait3A_216 : memref<80x64xf32, #tpu.memory_space<vmem>>) dst(%dma_wait3A_212 : memref<80x64xf32, #tpu.memory_space<vmem_shared>>)
      tpu.yield
    }) : () -> ()
    %mul3A_40 = arith.constant 640 : i32
    %mul3A_41 = arith.muli %arg1, %mul3A_40 : i32
    %add3A_42 = arith.constant 320 : i32
    %add3A_43 = arith.addi %mul3A_41, %add3A_42 : i32
    %run_scoped3A_44 = arith.constant 0 : i32
    %run_scoped3A_45 = arith.constant 0 : i32
    "tpu.region"() ({
      %run_scoped3A_193 = tpu.sem_alloc : memref<!tpu.dma_semaphore, #tpu.memory_space<semaphore_mem>>
      %dma_start3A_194 = arith.constant 0 : i32
      %dma_start3A_195 = arith.constant 0 : i32
      %dma_start3A_196 = tpu.memref_slice %arg17[%run_scoped3A_44, %run_scoped3A_45, %dma_start3A_194, %dma_start3A_195] : memref<2x5x80x64xf32, #tpu.memory_space<vmem>> -> memref<1x1x80x64xf32, #tpu.memory_space<vmem>>
      %dma_start3A_197 = tpu.memref_squeeze %dma_start3A_196 : memref<1x1x80x64xf32, #tpu.memory_space<vmem>> -> memref<80x64xf32, #tpu.memory_space<vmem>>
      %dma_start3A_198 = arith.constant 0 : i32
      %dma_start3A_199 = tpu.memref_slice %arg18[%add3A_43, %dma_start3A_198] : memref<10240x64xf32, #tpu.memory_space<vmem_shared>> -> memref<80x64xf32, #tpu.memory_space<vmem_shared>>
      %dma_start3A_200 = arith.constant 0 : i32
      %dma_start3A_201 = tpu.memref_slice %arg18[%add3A_43, %dma_start3A_200] : memref<10240x64xf32, #tpu.memory_space<vmem_shared>> -> memref<80x64xf32, #tpu.memory_space<vmem_shared>>
      %dma_start3A_202 = arith.constant 0 : i32
      %dma_start3A_203 = arith.constant 0 : i32
      %dma_start3A_204 = tpu.memref_slice %arg17[%run_scoped3A_44, %run_scoped3A_45, %dma_start3A_202, %dma_start3A_203] : memref<2x5x80x64xf32, #tpu.memory_space<vmem>> -> memref<1x1x80x64xf32, #tpu.memory_space<vmem>>
      %dma_start3A_205 = tpu.memref_squeeze %dma_start3A_204 : memref<1x1x80x64xf32, #tpu.memory_space<vmem>> -> memref<80x64xf32, #tpu.memory_space<vmem>>
      tpu.enqueue_dma source(%dma_start3A_205 : memref<80x64xf32, #tpu.memory_space<vmem>>) target(%dma_start3A_201 : memref<80x64xf32, #tpu.memory_space<vmem_shared>>) target_semaphore(%run_scoped3A_193 : memref<!tpu.dma_semaphore, #tpu.memory_space<semaphore_mem>>)
      %dma_wait3A = arith.constant 0 : i32
      %dma_wait3A_206 = arith.constant 0 : i32
      %dma_wait3A_207 = tpu.memref_slice %arg17[%run_scoped3A_44, %run_scoped3A_45, %dma_wait3A, %dma_wait3A_206] : memref<2x5x80x64xf32, #tpu.memory_space<vmem>> -> memref<1x1x80x64xf32, #tpu.memory_space<vmem>>
      %dma_wait3A_208 = tpu.memref_squeeze %dma_wait3A_207 : memref<1x1x80x64xf32, #tpu.memory_space<vmem>> -> memref<80x64xf32, #tpu.memory_space<vmem>>
      %dma_wait3A_209 = arith.constant 0 : i32
      %dma_wait3A_210 = tpu.memref_slice %arg18[%add3A_43, %dma_wait3A_209] : memref<10240x64xf32, #tpu.memory_space<vmem_shared>> -> memref<80x64xf32, #tpu.memory_space<vmem_shared>>
      %dma_wait3A_211 = arith.constant 0 : i32
      %dma_wait3A_212 = tpu.memref_slice %arg18[%add3A_43, %dma_wait3A_211] : memref<10240x64xf32, #tpu.memory_space<vmem_shared>> -> memref<80x64xf32, #tpu.memory_space<vmem_shared>>
      %dma_wait3A_213 = arith.constant 0 : i32
      %dma_wait3A_214 = arith.constant 0 : i32
      %dma_wait3A_215 = tpu.memref_slice %arg17[%run_scoped3A_44, %run_scoped3A_45, %dma_wait3A_213, %dma_wait3A_214] : memref<2x5x80x64xf32, #tpu.memory_space<vmem>> -> memref<1x1x80x64xf32, #tpu.memory_space<vmem>>
      %dma_wait3A_216 = tpu.memref_squeeze %dma_wait3A_215 : memref<1x1x80x64xf32, #tpu.memory_space<vmem>> -> memref<80x64xf32, #tpu.memory_space<vmem>>
      tpu.wait_dma2 semaphore(%run_scoped3A_193 : memref<!tpu.dma_semaphore, #tpu.memory_space<semaphore_mem>>) src(%dma_wait3A_216 : memref<80x64xf32, #tpu.memory_space<vmem>>) dst(%dma_wait3A_212 : memref<80x64xf32, #tpu.memory_space<vmem_shared>>)
      tpu.yield
    }) : () -> ()
    %mul3A_46 = arith.constant 640 : i32
    %mul3A_47 = arith.muli %arg1, %mul3A_46 : i32
    %add3A_48 = arith.constant 400 : i32
    %add3A_49 = arith.addi %mul3A_47, %add3A_48 : i32
    %run_scoped3A_50 = arith.constant 0 : i32
    %run_scoped3A_51 = arith.constant 0 : i32
    "tpu.region"() ({
      %run_scoped3A_193 = tpu.sem_alloc : memref<!tpu.dma_semaphore, #tpu.memory_space<semaphore_mem>>
      %dma_start3A_194 = arith.constant 0 : i32
      %dma_start3A_195 = arith.constant 0 : i32
      %dma_start3A_196 = tpu.memref_slice %arg17[%run_scoped3A_50, %run_scoped3A_51, %dma_start3A_194, %dma_start3A_195] : memref<2x5x80x64xf32, #tpu.memory_space<vmem>> -> memref<1x1x80x64xf32, #tpu.memory_space<vmem>>
      %dma_start3A_197 = tpu.memref_squeeze %dma_start3A_196 : memref<1x1x80x64xf32, #tpu.memory_space<vmem>> -> memref<80x64xf32, #tpu.memory_space<vmem>>
      %dma_start3A_198 = arith.constant 0 : i32
      %dma_start3A_199 = tpu.memref_slice %arg18[%add3A_49, %dma_start3A_198] : memref<10240x64xf32, #tpu.memory_space<vmem_shared>> -> memref<80x64xf32, #tpu.memory_space<vmem_shared>>
      %dma_start3A_200 = arith.constant 0 : i32
      %dma_start3A_201 = tpu.memref_slice %arg18[%add3A_49, %dma_start3A_200] : memref<10240x64xf32, #tpu.memory_space<vmem_shared>> -> memref<80x64xf32, #tpu.memory_space<vmem_shared>>
      %dma_start3A_202 = arith.constant 0 : i32
      %dma_start3A_203 = arith.constant 0 : i32
      %dma_start3A_204 = tpu.memref_slice %arg17[%run_scoped3A_50, %run_scoped3A_51, %dma_start3A_202, %dma_start3A_203] : memref<2x5x80x64xf32, #tpu.memory_space<vmem>> -> memref<1x1x80x64xf32, #tpu.memory_space<vmem>>
      %dma_start3A_205 = tpu.memref_squeeze %dma_start3A_204 : memref<1x1x80x64xf32, #tpu.memory_space<vmem>> -> memref<80x64xf32, #tpu.memory_space<vmem>>
      tpu.enqueue_dma source(%dma_start3A_205 : memref<80x64xf32, #tpu.memory_space<vmem>>) target(%dma_start3A_201 : memref<80x64xf32, #tpu.memory_space<vmem_shared>>) target_semaphore(%run_scoped3A_193 : memref<!tpu.dma_semaphore, #tpu.memory_space<semaphore_mem>>)
      %dma_wait3A = arith.constant 0 : i32
      %dma_wait3A_206 = arith.constant 0 : i32
      %dma_wait3A_207 = tpu.memref_slice %arg17[%run_scoped3A_50, %run_scoped3A_51, %dma_wait3A, %dma_wait3A_206] : memref<2x5x80x64xf32, #tpu.memory_space<vmem>> -> memref<1x1x80x64xf32, #tpu.memory_space<vmem>>
      %dma_wait3A_208 = tpu.memref_squeeze %dma_wait3A_207 : memref<1x1x80x64xf32, #tpu.memory_space<vmem>> -> memref<80x64xf32, #tpu.memory_space<vmem>>
      %dma_wait3A_209 = arith.constant 0 : i32
      %dma_wait3A_210 = tpu.memref_slice %arg18[%add3A_49, %dma_wait3A_209] : memref<10240x64xf32, #tpu.memory_space<vmem_shared>> -> memref<80x64xf32, #tpu.memory_space<vmem_shared>>
      %dma_wait3A_211 = arith.constant 0 : i32
      %dma_wait3A_212 = tpu.memref_slice %arg18[%add3A_49, %dma_wait3A_211] : memref<10240x64xf32, #tpu.memory_space<vmem_shared>> -> memref<80x64xf32, #tpu.memory_space<vmem_shared>>
      %dma_wait3A_213 = arith.constant 0 : i32
      %dma_wait3A_214 = arith.constant 0 : i32
      %dma_wait3A_215 = tpu.memref_slice %arg17[%run_scoped3A_50, %run_scoped3A_51, %dma_wait3A_213, %dma_wait3A_214] : memref<2x5x80x64xf32, #tpu.memory_space<vmem>> -> memref<1x1x80x64xf32, #tpu.memory_space<vmem>>
      %dma_wait3A_216 = tpu.memref_squeeze %dma_wait3A_215 : memref<1x1x80x64xf32, #tpu.memory_space<vmem>> -> memref<80x64xf32, #tpu.memory_space<vmem>>
      tpu.wait_dma2 semaphore(%run_scoped3A_193 : memref<!tpu.dma_semaphore, #tpu.memory_space<semaphore_mem>>) src(%dma_wait3A_216 : memref<80x64xf32, #tpu.memory_space<vmem>>) dst(%dma_wait3A_212 : memref<80x64xf32, #tpu.memory_space<vmem_shared>>)
      tpu.yield
    }) : () -> ()
    %mul3A_52 = arith.constant 640 : i32
    %mul3A_53 = arith.muli %arg1, %mul3A_52 : i32
    %add3A_54 = arith.constant 480 : i32
    %add3A_55 = arith.addi %mul3A_53, %add3A_54 : i32
    %run_scoped3A_56 = arith.constant 0 : i32
    %run_scoped3A_57 = arith.constant 0 : i32
    "tpu.region"() ({
      %run_scoped3A_193 = tpu.sem_alloc : memref<!tpu.dma_semaphore, #tpu.memory_space<semaphore_mem>>
      %dma_start3A_194 = arith.constant 0 : i32
      %dma_start3A_195 = arith.constant 0 : i32
      %dma_start3A_196 = tpu.memref_slice %arg17[%run_scoped3A_56, %run_scoped3A_57, %dma_start3A_194, %dma_start3A_195] : memref<2x5x80x64xf32, #tpu.memory_space<vmem>> -> memref<1x1x80x64xf32, #tpu.memory_space<vmem>>
      %dma_start3A_197 = tpu.memref_squeeze %dma_start3A_196 : memref<1x1x80x64xf32, #tpu.memory_space<vmem>> -> memref<80x64xf32, #tpu.memory_space<vmem>>
      %dma_start3A_198 = arith.constant 0 : i32
      %dma_start3A_199 = tpu.memref_slice %arg18[%add3A_55, %dma_start3A_198] : memref<10240x64xf32, #tpu.memory_space<vmem_shared>> -> memref<80x64xf32, #tpu.memory_space<vmem_shared>>
      %dma_start3A_200 = arith.constant 0 : i32
      %dma_start3A_201 = tpu.memref_slice %arg18[%add3A_55, %dma_start3A_200] : memref<10240x64xf32, #tpu.memory_space<vmem_shared>> -> memref<80x64xf32, #tpu.memory_space<vmem_shared>>
      %dma_start3A_202 = arith.constant 0 : i32
      %dma_start3A_203 = arith.constant 0 : i32
      %dma_start3A_204 = tpu.memref_slice %arg17[%run_scoped3A_56, %run_scoped3A_57, %dma_start3A_202, %dma_start3A_203] : memref<2x5x80x64xf32, #tpu.memory_space<vmem>> -> memref<1x1x80x64xf32, #tpu.memory_space<vmem>>
      %dma_start3A_205 = tpu.memref_squeeze %dma_start3A_204 : memref<1x1x80x64xf32, #tpu.memory_space<vmem>> -> memref<80x64xf32, #tpu.memory_space<vmem>>
      tpu.enqueue_dma source(%dma_start3A_205 : memref<80x64xf32, #tpu.memory_space<vmem>>) target(%dma_start3A_201 : memref<80x64xf32, #tpu.memory_space<vmem_shared>>) target_semaphore(%run_scoped3A_193 : memref<!tpu.dma_semaphore, #tpu.memory_space<semaphore_mem>>)
      %dma_wait3A = arith.constant 0 : i32
      %dma_wait3A_206 = arith.constant 0 : i32
      %dma_wait3A_207 = tpu.memref_slice %arg17[%run_scoped3A_56, %run_scoped3A_57, %dma_wait3A, %dma_wait3A_206] : memref<2x5x80x64xf32, #tpu.memory_space<vmem>> -> memref<1x1x80x64xf32, #tpu.memory_space<vmem>>
      %dma_wait3A_208 = tpu.memref_squeeze %dma_wait3A_207 : memref<1x1x80x64xf32, #tpu.memory_space<vmem>> -> memref<80x64xf32, #tpu.memory_space<vmem>>
      %dma_wait3A_209 = arith.constant 0 : i32
      %dma_wait3A_210 = tpu.memref_slice %arg18[%add3A_55, %dma_wait3A_209] : memref<10240x64xf32, #tpu.memory_space<vmem_shared>> -> memref<80x64xf32, #tpu.memory_space<vmem_shared>>
      %dma_wait3A_211 = arith.constant 0 : i32
      %dma_wait3A_212 = tpu.memref_slice %arg18[%add3A_55, %dma_wait3A_211] : memref<10240x64xf32, #tpu.memory_space<vmem_shared>> -> memref<80x64xf32, #tpu.memory_space<vmem_shared>>
      %dma_wait3A_213 = arith.constant 0 : i32
      %dma_wait3A_214 = arith.constant 0 : i32
      %dma_wait3A_215 = tpu.memref_slice %arg17[%run_scoped3A_56, %run_scoped3A_57, %dma_wait3A_213, %dma_wait3A_214] : memref<2x5x80x64xf32, #tpu.memory_space<vmem>> -> memref<1x1x80x64xf32, #tpu.memory_space<vmem>>
      %dma_wait3A_216 = tpu.memref_squeeze %dma_wait3A_215 : memref<1x1x80x64xf32, #tpu.memory_space<vmem>> -> memref<80x64xf32, #tpu.memory_space<vmem>>
      tpu.wait_dma2 semaphore(%run_scoped3A_193 : memref<!tpu.dma_semaphore, #tpu.memory_space<semaphore_mem>>) src(%dma_wait3A_216 : memref<80x64xf32, #tpu.memory_space<vmem>>) dst(%dma_wait3A_212 : memref<80x64xf32, #tpu.memory_space<vmem_shared>>)
      tpu.yield
    }) : () -> ()
    %mul3A_58 = arith.constant 640 : i32
    %mul3A_59 = arith.muli %arg1, %mul3A_58 : i32
    %add3A_60 = arith.constant 560 : i32
    %add3A_61 = arith.addi %mul3A_59, %add3A_60 : i32
    %run_scoped3A_62 = arith.constant 0 : i32
    %run_scoped3A_63 = arith.constant 0 : i32
    "tpu.region"() ({
      %run_scoped3A_193 = tpu.sem_alloc : memref<!tpu.dma_semaphore, #tpu.memory_space<semaphore_mem>>
      %dma_start3A_194 = arith.constant 0 : i32
      %dma_start3A_195 = arith.constant 0 : i32
      %dma_start3A_196 = tpu.memref_slice %arg17[%run_scoped3A_62, %run_scoped3A_63, %dma_start3A_194, %dma_start3A_195] : memref<2x5x80x64xf32, #tpu.memory_space<vmem>> -> memref<1x1x80x64xf32, #tpu.memory_space<vmem>>
      %dma_start3A_197 = tpu.memref_squeeze %dma_start3A_196 : memref<1x1x80x64xf32, #tpu.memory_space<vmem>> -> memref<80x64xf32, #tpu.memory_space<vmem>>
      %dma_start3A_198 = arith.constant 0 : i32
      %dma_start3A_199 = tpu.memref_slice %arg18[%add3A_61, %dma_start3A_198] : memref<10240x64xf32, #tpu.memory_space<vmem_shared>> -> memref<80x64xf32, #tpu.memory_space<vmem_shared>>
      %dma_start3A_200 = arith.constant 0 : i32
      %dma_start3A_201 = tpu.memref_slice %arg18[%add3A_61, %dma_start3A_200] : memref<10240x64xf32, #tpu.memory_space<vmem_shared>> -> memref<80x64xf32, #tpu.memory_space<vmem_shared>>
      %dma_start3A_202 = arith.constant 0 : i32
      %dma_start3A_203 = arith.constant 0 : i32
      %dma_start3A_204 = tpu.memref_slice %arg17[%run_scoped3A_62, %run_scoped3A_63, %dma_start3A_202, %dma_start3A_203] : memref<2x5x80x64xf32, #tpu.memory_space<vmem>> -> memref<1x1x80x64xf32, #tpu.memory_space<vmem>>
      %dma_start3A_205 = tpu.memref_squeeze %dma_start3A_204 : memref<1x1x80x64xf32, #tpu.memory_space<vmem>> -> memref<80x64xf32, #tpu.memory_space<vmem>>
      tpu.enqueue_dma source(%dma_start3A_205 : memref<80x64xf32, #tpu.memory_space<vmem>>) target(%dma_start3A_201 : memref<80x64xf32, #tpu.memory_space<vmem_shared>>) target_semaphore(%run_scoped3A_193 : memref<!tpu.dma_semaphore, #tpu.memory_space<semaphore_mem>>)
      %dma_wait3A = arith.constant 0 : i32
      %dma_wait3A_206 = arith.constant 0 : i32
      %dma_wait3A_207 = tpu.memref_slice %arg17[%run_scoped3A_62, %run_scoped3A_63, %dma_wait3A, %dma_wait3A_206] : memref<2x5x80x64xf32, #tpu.memory_space<vmem>> -> memref<1x1x80x64xf32, #tpu.memory_space<vmem>>
      %dma_wait3A_208 = tpu.memref_squeeze %dma_wait3A_207 : memref<1x1x80x64xf32, #tpu.memory_space<vmem>> -> memref<80x64xf32, #tpu.memory_space<vmem>>
      %dma_wait3A_209 = arith.constant 0 : i32
      %dma_wait3A_210 = tpu.memref_slice %arg18[%add3A_61, %dma_wait3A_209] : memref<10240x64xf32, #tpu.memory_space<vmem_shared>> -> memref<80x64xf32, #tpu.memory_space<vmem_shared>>
      %dma_wait3A_211 = arith.constant 0 : i32
      %dma_wait3A_212 = tpu.memref_slice %arg18[%add3A_61, %dma_wait3A_211] : memref<10240x64xf32, #tpu.memory_space<vmem_shared>> -> memref<80x64xf32, #tpu.memory_space<vmem_shared>>
      %dma_wait3A_213 = arith.constant 0 : i32
      %dma_wait3A_214 = arith.constant 0 : i32
      %dma_wait3A_215 = tpu.memref_slice %arg17[%run_scoped3A_62, %run_scoped3A_63, %dma_wait3A_213, %dma_wait3A_214] : memref<2x5x80x64xf32, #tpu.memory_space<vmem>> -> memref<1x1x80x64xf32, #tpu.memory_space<vmem>>
      %dma_wait3A_216 = tpu.memref_squeeze %dma_wait3A_215 : memref<1x1x80x64xf32, #tpu.memory_space<vmem>> -> memref<80x64xf32, #tpu.memory_space<vmem>>
      tpu.wait_dma2 semaphore(%run_scoped3A_193 : memref<!tpu.dma_semaphore, #tpu.memory_space<semaphore_mem>>) src(%dma_wait3A_216 : memref<80x64xf32, #tpu.memory_space<vmem>>) dst(%dma_wait3A_212 : memref<80x64xf32, #tpu.memory_space<vmem_shared>>)
      tpu.yield
    }) : () -> ()
    %barrier3A = arith.constant 0 : index
    tpu.barrier barrier_id(%barrier3A)
    %mul3A_64 = arith.constant 250 : i32
    %mul3A_65 = arith.muli %arg1, %mul3A_64 : i32
    %add3A_66 = arith.constant 0 : i32
    %add3A_67 = arith.addi %mul3A_65, %add3A_66 : i32
    %dma_start3A = arith.constant 0 : i32
    %dma_start3A_68 = tpu.memref_slice %arg4[%add3A_67, %dma_start3A] : memref<4000x80xi32, #tpu.memory_space<hbm>> -> memref<1x80xi32, #tpu.memory_space<hbm>>
    %dma_start3A_69 = tpu.memref_squeeze %dma_start3A_68 : memref<1x80xi32, #tpu.memory_space<hbm>> -> memref<80xi32, #tpu.memory_space<hbm>>
    %dma_start3A_70 = arith.constant 0 : i32
    %dma_start3A_71 = tpu.memref_slice %arg4[%add3A_67, %dma_start3A_70] : memref<4000x80xi32, #tpu.memory_space<hbm>> -> memref<1x80xi32, #tpu.memory_space<hbm>>
    %dma_start3A_72 = tpu.memref_squeeze %dma_start3A_71 : memref<1x80xi32, #tpu.memory_space<hbm>> -> memref<80xi32, #tpu.memory_space<hbm>>
    tpu.enqueue_dma source(%dma_start3A_72 : memref<80xi32, #tpu.memory_space<hbm>>) target(%arg7 : memref<80xi32, #tpu.memory_space<vmem>>) target_semaphore(%arg20 : memref<!tpu.dma_semaphore, #tpu.memory_space<semaphore_mem>>)
    %dma_start3A_73 = arith.constant 0 : i32
    %dma_start3A_74 = arith.constant 0 : i32
    %dma_start3A_75 = arith.constant 0 : i32
    %dma_start3A_76 = arith.constant 0 : i32
    %dma_start3A_77 = arith.constant 0 : i32
    %dma_start3A_78 = tpu.memref_slice %arg17[%dma_start3A_74, %dma_start3A_75, %dma_start3A_76, %dma_start3A_77] : memref<2x5x80x64xf32, #tpu.memory_space<vmem>> -> memref<1x1x80x64xf32, #tpu.memory_space<vmem>>
    %dma_start3A_79 = tpu.memref_squeeze %dma_start3A_78 : memref<1x1x80x64xf32, #tpu.memory_space<vmem>> -> memref<80x64xf32, #tpu.memory_space<vmem>>
    %dma_start3A_80 = arith.constant 0 : i32
    %dma_start3A_81 = tpu.memref_slice %arg6[%dma_start3A_73, %dma_start3A_80] : memref<250x80xi32, #tpu.memory_space<vmem>> -> memref<1x80xi32, #tpu.memory_space<vmem>>
    %dma_start3A_82 = tpu.memref_squeeze %dma_start3A_81 : memref<1x80xi32, #tpu.memory_space<vmem>> -> memref<80xi32, #tpu.memory_space<vmem>>
    %dma_start3A_83 = arith.constant 0 : i32
    %dma_start3A_84 = arith.constant 0 : i32
    %dma_start3A_85 = tpu.memref_slice %arg2[%dma_start3A_83, %dma_start3A_84] : memref<20000x64xf32, #tpu.memory_space<hbm>> -> memref<20000x64xf32, #tpu.memory_space<hbm>>
    tpu.enqueue_indirect_dma source(%dma_start3A_85 : memref<20000x64xf32, #tpu.memory_space<hbm>>) target(%dma_start3A_79 : memref<80x64xf32, #tpu.memory_space<vmem>>) offsets(%dma_start3A_82 : memref<80xi32, #tpu.memory_space<vmem>>) semaphore(%arg19 : memref<!tpu.dma_semaphore, #tpu.memory_space<semaphore_mem>>)
    %mul3A_86 = arith.constant 250 : i32
    %mul3A_87 = arith.muli %arg1, %mul3A_86 : i32
    %add3A_88 = arith.constant 1 : i32
    %add3A_89 = arith.addi %mul3A_87, %add3A_88 : i32
    %dma_start3A_90 = arith.constant 0 : i32
    %dma_start3A_91 = tpu.memref_slice %arg4[%add3A_89, %dma_start3A_90] : memref<4000x80xi32, #tpu.memory_space<hbm>> -> memref<1x80xi32, #tpu.memory_space<hbm>>
    %dma_start3A_92 = tpu.memref_squeeze %dma_start3A_91 : memref<1x80xi32, #tpu.memory_space<hbm>> -> memref<80xi32, #tpu.memory_space<hbm>>
    %dma_start3A_93 = arith.constant 0 : i32
    %dma_start3A_94 = tpu.memref_slice %arg4[%add3A_89, %dma_start3A_93] : memref<4000x80xi32, #tpu.memory_space<hbm>> -> memref<1x80xi32, #tpu.memory_space<hbm>>
    %dma_start3A_95 = tpu.memref_squeeze %dma_start3A_94 : memref<1x80xi32, #tpu.memory_space<hbm>> -> memref<80xi32, #tpu.memory_space<hbm>>
    tpu.enqueue_dma source(%dma_start3A_95 : memref<80xi32, #tpu.memory_space<hbm>>) target(%arg8 : memref<80xi32, #tpu.memory_space<vmem>>) target_semaphore(%arg20 : memref<!tpu.dma_semaphore, #tpu.memory_space<semaphore_mem>>)
    %dma_start3A_96 = arith.constant 1 : i32
    %dma_start3A_97 = arith.constant 0 : i32
    %dma_start3A_98 = arith.constant 1 : i32
    %dma_start3A_99 = arith.constant 0 : i32
    %dma_start3A_100 = arith.constant 0 : i32
    %dma_start3A_101 = tpu.memref_slice %arg17[%dma_start3A_97, %dma_start3A_98, %dma_start3A_99, %dma_start3A_100] : memref<2x5x80x64xf32, #tpu.memory_space<vmem>> -> memref<1x1x80x64xf32, #tpu.memory_space<vmem>>
    %dma_start3A_102 = tpu.memref_squeeze %dma_start3A_101 : memref<1x1x80x64xf32, #tpu.memory_space<vmem>> -> memref<80x64xf32, #tpu.memory_space<vmem>>
    %dma_start3A_103 = arith.constant 0 : i32
    %dma_start3A_104 = tpu.memref_slice %arg6[%dma_start3A_96, %dma_start3A_103] : memref<250x80xi32, #tpu.memory_space<vmem>> -> memref<1x80xi32, #tpu.memory_space<vmem>>
    %dma_start3A_105 = tpu.memref_squeeze %dma_start3A_104 : memref<1x80xi32, #tpu.memory_space<vmem>> -> memref<80xi32, #tpu.memory_space<vmem>>
    %dma_start3A_106 = arith.constant 0 : i32
    %dma_start3A_107 = arith.constant 0 : i32
    %dma_start3A_108 = tpu.memref_slice %arg2[%dma_start3A_106, %dma_start3A_107] : memref<20000x64xf32, #tpu.memory_space<hbm>> -> memref<20000x64xf32, #tpu.memory_space<hbm>>
    tpu.enqueue_indirect_dma source(%dma_start3A_108 : memref<20000x64xf32, #tpu.memory_space<hbm>>) target(%dma_start3A_102 : memref<80x64xf32, #tpu.memory_space<vmem>>) offsets(%dma_start3A_105 : memref<80xi32, #tpu.memory_space<vmem>>) semaphore(%arg19 : memref<!tpu.dma_semaphore, #tpu.memory_space<semaphore_mem>>)
    %mul3A_109 = arith.constant 250 : i32
    %mul3A_110 = arith.muli %arg1, %mul3A_109 : i32
    %add3A_111 = arith.constant 2 : i32
    %add3A_112 = arith.addi %mul3A_110, %add3A_111 : i32
    %dma_start3A_113 = arith.constant 0 : i32
    %dma_start3A_114 = tpu.memref_slice %arg4[%add3A_112, %dma_start3A_113] : memref<4000x80xi32, #tpu.memory_space<hbm>> -> memref<1x80xi32, #tpu.memory_space<hbm>>
    %dma_start3A_115 = tpu.memref_squeeze %dma_start3A_114 : memref<1x80xi32, #tpu.memory_space<hbm>> -> memref<80xi32, #tpu.memory_space<hbm>>
    %dma_start3A_116 = arith.constant 0 : i32
    %dma_start3A_117 = tpu.memref_slice %arg4[%add3A_112, %dma_start3A_116] : memref<4000x80xi32, #tpu.memory_space<hbm>> -> memref<1x80xi32, #tpu.memory_space<hbm>>
    %dma_start3A_118 = tpu.memref_squeeze %dma_start3A_117 : memref<1x80xi32, #tpu.memory_space<hbm>> -> memref<80xi32, #tpu.memory_space<hbm>>
    tpu.enqueue_dma source(%dma_start3A_118 : memref<80xi32, #tpu.memory_space<hbm>>) target(%arg9 : memref<80xi32, #tpu.memory_space<vmem>>) target_semaphore(%arg20 : memref<!tpu.dma_semaphore, #tpu.memory_space<semaphore_mem>>)
    %dma_start3A_119 = arith.constant 2 : i32
    %dma_start3A_120 = arith.constant 0 : i32
    %dma_start3A_121 = arith.constant 2 : i32
    %dma_start3A_122 = arith.constant 0 : i32
    %dma_start3A_123 = arith.constant 0 : i32
    %dma_start3A_124 = tpu.memref_slice %arg17[%dma_start3A_120, %dma_start3A_121, %dma_start3A_122, %dma_start3A_123] : memref<2x5x80x64xf32, #tpu.memory_space<vmem>> -> memref<1x1x80x64xf32, #tpu.memory_space<vmem>>
    %dma_start3A_125 = tpu.memref_squeeze %dma_start3A_124 : memref<1x1x80x64xf32, #tpu.memory_space<vmem>> -> memref<80x64xf32, #tpu.memory_space<vmem>>
    %dma_start3A_126 = arith.constant 0 : i32
    %dma_start3A_127 = tpu.memref_slice %arg6[%dma_start3A_119, %dma_start3A_126] : memref<250x80xi32, #tpu.memory_space<vmem>> -> memref<1x80xi32, #tpu.memory_space<vmem>>
    %dma_start3A_128 = tpu.memref_squeeze %dma_start3A_127 : memref<1x80xi32, #tpu.memory_space<vmem>> -> memref<80xi32, #tpu.memory_space<vmem>>
    %dma_start3A_129 = arith.constant 0 : i32
    %dma_start3A_130 = arith.constant 0 : i32
    %dma_start3A_131 = tpu.memref_slice %arg2[%dma_start3A_129, %dma_start3A_130] : memref<20000x64xf32, #tpu.memory_space<hbm>> -> memref<20000x64xf32, #tpu.memory_space<hbm>>
    tpu.enqueue_indirect_dma source(%dma_start3A_131 : memref<20000x64xf32, #tpu.memory_space<hbm>>) target(%dma_start3A_125 : memref<80x64xf32, #tpu.memory_space<vmem>>) offsets(%dma_start3A_128 : memref<80xi32, #tpu.memory_space<vmem>>) semaphore(%arg19 : memref<!tpu.dma_semaphore, #tpu.memory_space<semaphore_mem>>)
    %mul3A_132 = arith.constant 250 : i32
    %mul3A_133 = arith.muli %arg1, %mul3A_132 : i32
    %add3A_134 = arith.constant 3 : i32
    %add3A_135 = arith.addi %mul3A_133, %add3A_134 : i32
    %dma_start3A_136 = arith.constant 0 : i32
    %dma_start3A_137 = tpu.memref_slice %arg4[%add3A_135, %dma_start3A_136] : memref<4000x80xi32, #tpu.memory_space<hbm>> -> memref<1x80xi32, #tpu.memory_space<hbm>>
    %dma_start3A_138 = tpu.memref_squeeze %dma_start3A_137 : memref<1x80xi32, #tpu.memory_space<hbm>> -> memref<80xi32, #tpu.memory_space<hbm>>
    %dma_start3A_139 = arith.constant 0 : i32
    %dma_start3A_140 = tpu.memref_slice %arg4[%add3A_135, %dma_start3A_139] : memref<4000x80xi32, #tpu.memory_space<hbm>> -> memref<1x80xi32, #tpu.memory_space<hbm>>
    %dma_start3A_141 = tpu.memref_squeeze %dma_start3A_140 : memref<1x80xi32, #tpu.memory_space<hbm>> -> memref<80xi32, #tpu.memory_space<hbm>>
    tpu.enqueue_dma source(%dma_start3A_141 : memref<80xi32, #tpu.memory_space<hbm>>) target(%arg10 : memref<80xi32, #tpu.memory_space<vmem>>) target_semaphore(%arg20 : memref<!tpu.dma_semaphore, #tpu.memory_space<semaphore_mem>>)
    %dma_start3A_142 = arith.constant 3 : i32
    %dma_start3A_143 = arith.constant 0 : i32
    %dma_start3A_144 = arith.constant 3 : i32
    %dma_start3A_145 = arith.constant 0 : i32
    %dma_start3A_146 = arith.constant 0 : i32
    %dma_start3A_147 = tpu.memref_slice %arg17[%dma_start3A_143, %dma_start3A_144, %dma_start3A_145, %dma_start3A_146] : memref<2x5x80x64xf32, #tpu.memory_space<vmem>> -> memref<1x1x80x64xf32, #tpu.memory_space<vmem>>
    %dma_start3A_148 = tpu.memref_squeeze %dma_start3A_147 : memref<1x1x80x64xf32, #tpu.memory_space<vmem>> -> memref<80x64xf32, #tpu.memory_space<vmem>>
    %dma_start3A_149 = arith.constant 0 : i32
    %dma_start3A_150 = tpu.memref_slice %arg6[%dma_start3A_142, %dma_start3A_149] : memref<250x80xi32, #tpu.memory_space<vmem>> -> memref<1x80xi32, #tpu.memory_space<vmem>>
    %dma_start3A_151 = tpu.memref_squeeze %dma_start3A_150 : memref<1x80xi32, #tpu.memory_space<vmem>> -> memref<80xi32, #tpu.memory_space<vmem>>
    %dma_start3A_152 = arith.constant 0 : i32
    %dma_start3A_153 = arith.constant 0 : i32
    %dma_start3A_154 = tpu.memref_slice %arg2[%dma_start3A_152, %dma_start3A_153] : memref<20000x64xf32, #tpu.memory_space<hbm>> -> memref<20000x64xf32, #tpu.memory_space<hbm>>
    tpu.enqueue_indirect_dma source(%dma_start3A_154 : memref<20000x64xf32, #tpu.memory_space<hbm>>) target(%dma_start3A_148 : memref<80x64xf32, #tpu.memory_space<vmem>>) offsets(%dma_start3A_151 : memref<80xi32, #tpu.memory_space<vmem>>) semaphore(%arg19 : memref<!tpu.dma_semaphore, #tpu.memory_space<semaphore_mem>>)
    %mul3A_155 = arith.constant 250 : i32
    %mul3A_156 = arith.muli %arg1, %mul3A_155 : i32
    %add3A_157 = arith.constant 4 : i32
    %add3A_158 = arith.addi %mul3A_156, %add3A_157 : i32
    %dma_start3A_159 = arith.constant 0 : i32
    %dma_start3A_160 = tpu.memref_slice %arg4[%add3A_158, %dma_start3A_159] : memref<4000x80xi32, #tpu.memory_space<hbm>> -> memref<1x80xi32, #tpu.memory_space<hbm>>
    %dma_start3A_161 = tpu.memref_squeeze %dma_start3A_160 : memref<1x80xi32, #tpu.memory_space<hbm>> -> memref<80xi32, #tpu.memory_space<hbm>>
    %dma_start3A_162 = arith.constant 0 : i32
    %dma_start3A_163 = tpu.memref_slice %arg4[%add3A_158, %dma_start3A_162] : memref<4000x80xi32, #tpu.memory_space<hbm>> -> memref<1x80xi32, #tpu.memory_space<hbm>>
    %dma_start3A_164 = tpu.memref_squeeze %dma_start3A_163 : memref<1x80xi32, #tpu.memory_space<hbm>> -> memref<80xi32, #tpu.memory_space<hbm>>
    tpu.enqueue_dma source(%dma_start3A_164 : memref<80xi32, #tpu.memory_space<hbm>>) target(%arg11 : memref<80xi32, #tpu.memory_space<vmem>>) target_semaphore(%arg20 : memref<!tpu.dma_semaphore, #tpu.memory_space<semaphore_mem>>)
    %dma_start3A_165 = arith.constant 4 : i32
    %dma_start3A_166 = arith.constant 0 : i32
    %dma_start3A_167 = arith.constant 4 : i32
    %dma_start3A_168 = arith.constant 0 : i32
    %dma_start3A_169 = arith.constant 0 : i32
    %dma_start3A_170 = tpu.memref_slice %arg17[%dma_start3A_166, %dma_start3A_167, %dma_start3A_168, %dma_start3A_169] : memref<2x5x80x64xf32, #tpu.memory_space<vmem>> -> memref<1x1x80x64xf32, #tpu.memory_space<vmem>>
    %dma_start3A_171 = tpu.memref_squeeze %dma_start3A_170 : memref<1x1x80x64xf32, #tpu.memory_space<vmem>> -> memref<80x64xf32, #tpu.memory_space<vmem>>
    %dma_start3A_172 = arith.constant 0 : i32
    %dma_start3A_173 = tpu.memref_slice %arg6[%dma_start3A_165, %dma_start3A_172] : memref<250x80xi32, #tpu.memory_space<vmem>> -> memref<1x80xi32, #tpu.memory_space<vmem>>
    %dma_start3A_174 = tpu.memref_squeeze %dma_start3A_173 : memref<1x80xi32, #tpu.memory_space<vmem>> -> memref<80xi32, #tpu.memory_space<vmem>>
    %dma_start3A_175 = arith.constant 0 : i32
    %dma_start3A_176 = arith.constant 0 : i32
    %dma_start3A_177 = tpu.memref_slice %arg2[%dma_start3A_175, %dma_start3A_176] : memref<20000x64xf32, #tpu.memory_space<hbm>> -> memref<20000x64xf32, #tpu.memory_space<hbm>>
    tpu.enqueue_indirect_dma source(%dma_start3A_177 : memref<20000x64xf32, #tpu.memory_space<hbm>>) target(%dma_start3A_171 : memref<80x64xf32, #tpu.memory_space<vmem>>) offsets(%dma_start3A_174 : memref<80xi32, #tpu.memory_space<vmem>>) semaphore(%arg19 : memref<!tpu.dma_semaphore, #tpu.memory_space<semaphore_mem>>)
    %scan3A_178 = arith.constant 0 : i32
    %scan3A_179 = arith.constant 0 : i32
    %scan3A_180 = arith.constant 25 : i32
    %scan3A_181 = arith.addi %scan3A_179, %scan3A_180 : i32
    %scan3A_182 = arith.constant 1 : i32
    %scan3A_183 = scf.for %scan3A_193 = %scan3A_179 to %scan3A_181 step %scan3A_182 iter_args(%scan3A_194 = %scan3A_178) -> (i32)  : i32 {
      %mul3A_195 = arith.constant 2 : i32
      %mul3A_196 = arith.muli %mul3A_195, %scan3A_193 : i32
      %add3A_197 = arith.constant 1 : i32
      %add3A_198 = arith.addi %mul3A_196, %add3A_197 : i32
      %mul3A_199 = arith.constant 5 : i32
      %mul3A_200 = arith.muli %add3A_198, %mul3A_199 : i32
      %add3A_201 = arith.constant 0 : i32
      %add3A_202 = arith.addi %mul3A_200, %add3A_201 : i32
      %mul3A_203 = arith.constant 250 : i32
      %mul3A_204 = arith.muli %arg1, %mul3A_203 : i32
      %add3A_205 = arith.addi %mul3A_204, %add3A_202 : i32
      %dma_start3A_206 = arith.constant 0 : i32
      %dma_start3A_207 = tpu.memref_slice %arg4[%add3A_205, %dma_start3A_206] : memref<4000x80xi32, #tpu.memory_space<hbm>> -> memref<1x80xi32, #tpu.memory_space<hbm>>
      %dma_start3A_208 = tpu.memref_squeeze %dma_start3A_207 : memref<1x80xi32, #tpu.memory_space<hbm>> -> memref<80xi32, #tpu.memory_space<hbm>>
      %dma_start3A_209 = arith.constant 0 : i32
      %dma_start3A_210 = tpu.memref_slice %arg4[%add3A_205, %dma_start3A_209] : memref<4000x80xi32, #tpu.memory_space<hbm>> -> memref<1x80xi32, #tpu.memory_space<hbm>>
      %dma_start3A_211 = tpu.memref_squeeze %dma_start3A_210 : memref<1x80xi32, #tpu.memory_space<hbm>> -> memref<80xi32, #tpu.memory_space<hbm>>
      tpu.enqueue_dma source(%dma_start3A_211 : memref<80xi32, #tpu.memory_space<hbm>>) target(%arg12 : memref<80xi32, #tpu.memory_space<vmem>>) target_semaphore(%arg20 : memref<!tpu.dma_semaphore, #tpu.memory_space<semaphore_mem>>)
      %dma_start3A_212 = arith.constant 1 : i32
      %dma_start3A_213 = arith.constant 0 : i32
      %dma_start3A_214 = arith.constant 0 : i32
      %dma_start3A_215 = arith.constant 0 : i32
      %dma_start3A_216 = tpu.memref_slice %arg17[%dma_start3A_212, %dma_start3A_213, %dma_start3A_214, %dma_start3A_215] : memref<2x5x80x64xf32, #tpu.memory_space<vmem>> -> memref<1x1x80x64xf32, #tpu.memory_space<vmem>>
      %dma_start3A_217 = tpu.memref_squeeze %dma_start3A_216 : memref<1x1x80x64xf32, #tpu.memory_space<vmem>> -> memref<80x64xf32, #tpu.memory_space<vmem>>
      %dma_start3A_218 = arith.constant 0 : i32
      %dma_start3A_219 = tpu.memref_slice %arg6[%add3A_202, %dma_start3A_218] : memref<250x80xi32, #tpu.memory_space<vmem>> -> memref<1x80xi32, #tpu.memory_space<vmem>>
      %dma_start3A_220 = tpu.memref_squeeze %dma_start3A_219 : memref<1x80xi32, #tpu.memory_space<vmem>> -> memref<80xi32, #tpu.memory_space<vmem>>
      %dma_start3A_221 = arith.constant 0 : i32
      %dma_start3A_222 = arith.constant 0 : i32
      %dma_start3A_223 = tpu.memref_slice %arg2[%dma_start3A_221, %dma_start3A_222] : memref<20000x64xf32, #tpu.memory_space<hbm>> -> memref<20000x64xf32, #tpu.memory_space<hbm>>
      tpu.enqueue_indirect_dma source(%dma_start3A_223 : memref<20000x64xf32, #tpu.memory_space<hbm>>) target(%dma_start3A_217 : memref<80x64xf32, #tpu.memory_space<vmem>>) offsets(%dma_start3A_220 : memref<80xi32, #tpu.memory_space<vmem>>) semaphore(%arg19 : memref<!tpu.dma_semaphore, #tpu.memory_space<semaphore_mem>>)
      %mul3A_224 = arith.constant 5 : i32
      %mul3A_225 = arith.muli %add3A_198, %mul3A_224 : i32
      %add3A_226 = arith.constant 1 : i32
      %add3A_227 = arith.addi %mul3A_225, %add3A_226 : i32
      %mul3A_228 = arith.constant 250 : i32
      %mul3A_229 = arith.muli %arg1, %mul3A_228 : i32
      %add3A_230 = arith.addi %mul3A_229, %add3A_227 : i32
      %dma_start3A_231 = arith.constant 0 : i32
      %dma_start3A_232 = tpu.memref_slice %arg4[%add3A_230, %dma_start3A_231] : memref<4000x80xi32, #tpu.memory_space<hbm>> -> memref<1x80xi32, #tpu.memory_space<hbm>>
      %dma_start3A_233 = tpu.memref_squeeze %dma_start3A_232 : memref<1x80xi32, #tpu.memory_space<hbm>> -> memref<80xi32, #tpu.memory_space<hbm>>
      %dma_start3A_234 = arith.constant 0 : i32
      %dma_start3A_235 = tpu.memref_slice %arg4[%add3A_230, %dma_start3A_234] : memref<4000x80xi32, #tpu.memory_space<hbm>> -> memref<1x80xi32, #tpu.memory_space<hbm>>
      %dma_start3A_236 = tpu.memref_squeeze %dma_start3A_235 : memref<1x80xi32, #tpu.memory_space<hbm>> -> memref<80xi32, #tpu.memory_space<hbm>>
      tpu.enqueue_dma source(%dma_start3A_236 : memref<80xi32, #tpu.memory_space<hbm>>) target(%arg13 : memref<80xi32, #tpu.memory_space<vmem>>) target_semaphore(%arg20 : memref<!tpu.dma_semaphore, #tpu.memory_space<semaphore_mem>>)
      %dma_start3A_237 = arith.constant 1 : i32
      %dma_start3A_238 = arith.constant 1 : i32
      %dma_start3A_239 = arith.constant 0 : i32
      %dma_start3A_240 = arith.constant 0 : i32
      %dma_start3A_241 = tpu.memref_slice %arg17[%dma_start3A_237, %dma_start3A_238, %dma_start3A_239, %dma_start3A_240] : memref<2x5x80x64xf32, #tpu.memory_space<vmem>> -> memref<1x1x80x64xf32, #tpu.memory_space<vmem>>
      %dma_start3A_242 = tpu.memref_squeeze %dma_start3A_241 : memref<1x1x80x64xf32, #tpu.memory_space<vmem>> -> memref<80x64xf32, #tpu.memory_space<vmem>>
      %dma_start3A_243 = arith.constant 0 : i32
      %dma_start3A_244 = tpu.memref_slice %arg6[%add3A_227, %dma_start3A_243] : memref<250x80xi32, #tpu.memory_space<vmem>> -> memref<1x80xi32, #tpu.memory_space<vmem>>
      %dma_start3A_245 = tpu.memref_squeeze %dma_start3A_244 : memref<1x80xi32, #tpu.memory_space<vmem>> -> memref<80xi32, #tpu.memory_space<vmem>>
      %dma_start3A_246 = arith.constant 0 : i32
      %dma_start3A_247 = arith.constant 0 : i32
      %dma_start3A_248 = tpu.memref_slice %arg2[%dma_start3A_246, %dma_start3A_247] : memref<20000x64xf32, #tpu.memory_space<hbm>> -> memref<20000x64xf32, #tpu.memory_space<hbm>>
      tpu.enqueue_indirect_dma source(%dma_start3A_248 : memref<20000x64xf32, #tpu.memory_space<hbm>>) target(%dma_start3A_242 : memref<80x64xf32, #tpu.memory_space<vmem>>) offsets(%dma_start3A_245 : memref<80xi32, #tpu.memory_space<vmem>>) semaphore(%arg19 : memref<!tpu.dma_semaphore, #tpu.memory_space<semaphore_mem>>)
      %mul3A_249 = arith.constant 5 : i32
      %mul3A_250 = arith.muli %add3A_198, %mul3A_249 : i32
      %add3A_251 = arith.constant 2 : i32
      %add3A_252 = arith.addi %mul3A_250, %add3A_251 : i32
      %mul3A_253 = arith.constant 250 : i32
      %mul3A_254 = arith.muli %arg1, %mul3A_253 : i32
      %add3A_255 = arith.addi %mul3A_254, %add3A_252 : i32
      %dma_start3A_256 = arith.constant 0 : i32
      %dma_start3A_257 = tpu.memref_slice %arg4[%add3A_255, %dma_start3A_256] : memref<4000x80xi32, #tpu.memory_space<hbm>> -> memref<1x80xi32, #tpu.memory_space<hbm>>
      %dma_start3A_258 = tpu.memref_squeeze %dma_start3A_257 : memref<1x80xi32, #tpu.memory_space<hbm>> -> memref<80xi32, #tpu.memory_space<hbm>>
      %dma_start3A_259 = arith.constant 0 : i32
      %dma_start3A_260 = tpu.memref_slice %arg4[%add3A_255, %dma_start3A_259] : memref<4000x80xi32, #tpu.memory_space<hbm>> -> memref<1x80xi32, #tpu.memory_space<hbm>>
      %dma_start3A_261 = tpu.memref_squeeze %dma_start3A_260 : memref<1x80xi32, #tpu.memory_space<hbm>> -> memref<80xi32, #tpu.memory_space<hbm>>
      tpu.enqueue_dma source(%dma_start3A_261 : memref<80xi32, #tpu.memory_space<hbm>>) target(%arg14 : memref<80xi32, #tpu.memory_space<vmem>>) target_semaphore(%arg20 : memref<!tpu.dma_semaphore, #tpu.memory_space<semaphore_mem>>)
      %dma_start3A_262 = arith.constant 1 : i32
      %dma_start3A_263 = arith.constant 2 : i32
      %dma_start3A_264 = arith.constant 0 : i32
      %dma_start3A_265 = arith.constant 0 : i32
      %dma_start3A_266 = tpu.memref_slice %arg17[%dma_start3A_262, %dma_start3A_263, %dma_start3A_264, %dma_start3A_265] : memref<2x5x80x64xf32, #tpu.memory_space<vmem>> -> memref<1x1x80x64xf32, #tpu.memory_space<vmem>>
      %dma_start3A_267 = tpu.memref_squeeze %dma_start3A_266 : memref<1x1x80x64xf32, #tpu.memory_space<vmem>> -> memref<80x64xf32, #tpu.memory_space<vmem>>
      %dma_start3A_268 = arith.constant 0 : i32
      %dma_start3A_269 = tpu.memref_slice %arg6[%add3A_252, %dma_start3A_268] : memref<250x80xi32, #tpu.memory_space<vmem>> -> memref<1x80xi32, #tpu.memory_space<vmem>>
      %dma_start3A_270 = tpu.memref_squeeze %dma_start3A_269 : memref<1x80xi32, #tpu.memory_space<vmem>> -> memref<80xi32, #tpu.memory_space<vmem>>
      %dma_start3A_271 = arith.constant 0 : i32
      %dma_start3A_272 = arith.constant 0 : i32
      %dma_start3A_273 = tpu.memref_slice %arg2[%dma_start3A_271, %dma_start3A_272] : memref<20000x64xf32, #tpu.memory_space<hbm>> -> memref<20000x64xf32, #tpu.memory_space<hbm>>
      tpu.enqueue_indirect_dma source(%dma_start3A_273 : memref<20000x64xf32, #tpu.memory_space<hbm>>) target(%dma_start3A_267 : memref<80x64xf32, #tpu.memory_space<vmem>>) offsets(%dma_start3A_270 : memref<80xi32, #tpu.memory_space<vmem>>) semaphore(%arg19 : memref<!tpu.dma_semaphore, #tpu.memory_space<semaphore_mem>>)
      %mul3A_274 = arith.constant 5 : i32
      %mul3A_275 = arith.muli %add3A_198, %mul3A_274 : i32
      %add3A_276 = arith.constant 3 : i32
      %add3A_277 = arith.addi %mul3A_275, %add3A_276 : i32
      %mul3A_278 = arith.constant 250 : i32
      %mul3A_279 = arith.muli %arg1, %mul3A_278 : i32
      %add3A_280 = arith.addi %mul3A_279, %add3A_277 : i32
      %dma_start3A_281 = arith.constant 0 : i32
      %dma_start3A_282 = tpu.memref_slice %arg4[%add3A_280, %dma_start3A_281] : memref<4000x80xi32, #tpu.memory_space<hbm>> -> memref<1x80xi32, #tpu.memory_space<hbm>>
      %dma_start3A_283 = tpu.memref_squeeze %dma_start3A_282 : memref<1x80xi32, #tpu.memory_space<hbm>> -> memref<80xi32, #tpu.memory_space<hbm>>
      %dma_start3A_284 = arith.constant 0 : i32
      %dma_start3A_285 = tpu.memref_slice %arg4[%add3A_280, %dma_start3A_284] : memref<4000x80xi32, #tpu.memory_space<hbm>> -> memref<1x80xi32, #tpu.memory_space<hbm>>
      %dma_start3A_286 = tpu.memref_squeeze %dma_start3A_285 : memref<1x80xi32, #tpu.memory_space<hbm>> -> memref<80xi32, #tpu.memory_space<hbm>>
      tpu.enqueue_dma source(%dma_start3A_286 : memref<80xi32, #tpu.memory_space<hbm>>) target(%arg15 : memref<80xi32, #tpu.memory_space<vmem>>) target_semaphore(%arg20 : memref<!tpu.dma_semaphore, #tpu.memory_space<semaphore_mem>>)
      %dma_start3A_287 = arith.constant 1 : i32
      %dma_start3A_288 = arith.constant 3 : i32
      %dma_start3A_289 = arith.constant 0 : i32
      %dma_start3A_290 = arith.constant 0 : i32
      %dma_start3A_291 = tpu.memref_slice %arg17[%dma_start3A_287, %dma_start3A_288, %dma_start3A_289, %dma_start3A_290] : memref<2x5x80x64xf32, #tpu.memory_space<vmem>> -> memref<1x1x80x64xf32, #tpu.memory_space<vmem>>
      %dma_start3A_292 = tpu.memref_squeeze %dma_start3A_291 : memref<1x1x80x64xf32, #tpu.memory_space<vmem>> -> memref<80x64xf32, #tpu.memory_space<vmem>>
      %dma_start3A_293 = arith.constant 0 : i32
      %dma_start3A_294 = tpu.memref_slice %arg6[%add3A_277, %dma_start3A_293] : memref<250x80xi32, #tpu.memory_space<vmem>> -> memref<1x80xi32, #tpu.memory_space<vmem>>
      %dma_start3A_295 = tpu.memref_squeeze %dma_start3A_294 : memref<1x80xi32, #tpu.memory_space<vmem>> -> memref<80xi32, #tpu.memory_space<vmem>>
      %dma_start3A_296 = arith.constant 0 : i32
      %dma_start3A_297 = arith.constant 0 : i32
      %dma_start3A_298 = tpu.memref_slice %arg2[%dma_start3A_296, %dma_start3A_297] : memref<20000x64xf32, #tpu.memory_space<hbm>> -> memref<20000x64xf32, #tpu.memory_space<hbm>>
      tpu.enqueue_indirect_dma source(%dma_start3A_298 : memref<20000x64xf32, #tpu.memory_space<hbm>>) target(%dma_start3A_292 : memref<80x64xf32, #tpu.memory_space<vmem>>) offsets(%dma_start3A_295 : memref<80xi32, #tpu.memory_space<vmem>>) semaphore(%arg19 : memref<!tpu.dma_semaphore, #tpu.memory_space<semaphore_mem>>)
      %mul3A_299 = arith.constant 5 : i32
      %mul3A_300 = arith.muli %add3A_198, %mul3A_299 : i32
      %add3A_301 = arith.constant 4 : i32
      %add3A_302 = arith.addi %mul3A_300, %add3A_301 : i32
      %mul3A_303 = arith.constant 250 : i32
      %mul3A_304 = arith.muli %arg1, %mul3A_303 : i32
      %add3A_305 = arith.addi %mul3A_304, %add3A_302 : i32
      %dma_start3A_306 = arith.constant 0 : i32
      %dma_start3A_307 = tpu.memref_slice %arg4[%add3A_305, %dma_start3A_306] : memref<4000x80xi32, #tpu.memory_space<hbm>> -> memref<1x80xi32, #tpu.memory_space<hbm>>
      %dma_start3A_308 = tpu.memref_squeeze %dma_start3A_307 : memref<1x80xi32, #tpu.memory_space<hbm>> -> memref<80xi32, #tpu.memory_space<hbm>>
      %dma_start3A_309 = arith.constant 0 : i32
      %dma_start3A_310 = tpu.memref_slice %arg4[%add3A_305, %dma_start3A_309] : memref<4000x80xi32, #tpu.memory_space<hbm>> -> memref<1x80xi32, #tpu.memory_space<hbm>>
      %dma_start3A_311 = tpu.memref_squeeze %dma_start3A_310 : memref<1x80xi32, #tpu.memory_space<hbm>> -> memref<80xi32, #tpu.memory_space<hbm>>
      tpu.enqueue_dma source(%dma_start3A_311 : memref<80xi32, #tpu.memory_space<hbm>>) target(%arg16 : memref<80xi32, #tpu.memory_space<vmem>>) target_semaphore(%arg20 : memref<!tpu.dma_semaphore, #tpu.memory_space<semaphore_mem>>)
      %dma_start3A_312 = arith.constant 1 : i32
      %dma_start3A_313 = arith.constant 4 : i32
      %dma_start3A_314 = arith.constant 0 : i32
      %dma_start3A_315 = arith.constant 0 : i32
      %dma_start3A_316 = tpu.memref_slice %arg17[%dma_start3A_312, %dma_start3A_313, %dma_start3A_314, %dma_start3A_315] : memref<2x5x80x64xf32, #tpu.memory_space<vmem>> -> memref<1x1x80x64xf32, #tpu.memory_space<vmem>>
      %dma_start3A_317 = tpu.memref_squeeze %dma_start3A_316 : memref<1x1x80x64xf32, #tpu.memory_space<vmem>> -> memref<80x64xf32, #tpu.memory_space<vmem>>
      %dma_start3A_318 = arith.constant 0 : i32
      %dma_start3A_319 = tpu.memref_slice %arg6[%add3A_302, %dma_start3A_318] : memref<250x80xi32, #tpu.memory_space<vmem>> -> memref<1x80xi32, #tpu.memory_space<vmem>>
      %dma_start3A_320 = tpu.memref_squeeze %dma_start3A_319 : memref<1x80xi32, #tpu.memory_space<vmem>> -> memref<80xi32, #tpu.memory_space<vmem>>
      %dma_start3A_321 = arith.constant 0 : i32
      %dma_start3A_322 = arith.constant 0 : i32
      %dma_start3A_323 = tpu.memref_slice %arg2[%dma_start3A_321, %dma_start3A_322] : memref<20000x64xf32, #tpu.memory_space<hbm>> -> memref<20000x64xf32, #tpu.memory_space<hbm>>
      tpu.enqueue_indirect_dma source(%dma_start3A_323 : memref<20000x64xf32, #tpu.memory_space<hbm>>) target(%dma_start3A_317 : memref<80x64xf32, #tpu.memory_space<vmem>>) offsets(%dma_start3A_320 : memref<80xi32, #tpu.memory_space<vmem>>) semaphore(%arg19 : memref<!tpu.dma_semaphore, #tpu.memory_space<semaphore_mem>>)
      %mul3A_324 = arith.constant 2 : i32
      %mul3A_325 = arith.muli %mul3A_324, %scan3A_193 : i32
      %mul3A_326 = arith.constant 5 : i32
      %mul3A_327 = arith.muli %mul3A_325, %mul3A_326 : i32
      %add3A_328 = arith.constant 0 : i32
      %add3A_329 = arith.addi %mul3A_327, %add3A_328 : i32
      %mul3A_330 = arith.constant 250 : i32
      %mul3A_331 = arith.muli %arg1, %mul3A_330 : i32
      %add3A_332 = arith.addi %mul3A_331, %add3A_329 : i32
      %dma_wait3A = arith.constant 0 : i32
      %dma_wait3A_333 = tpu.memref_slice %arg4[%add3A_332, %dma_wait3A] : memref<4000x80xi32, #tpu.memory_space<hbm>> -> memref<1x80xi32, #tpu.memory_space<hbm>>
      %dma_wait3A_334 = tpu.memref_squeeze %dma_wait3A_333 : memref<1x80xi32, #tpu.memory_space<hbm>> -> memref<80xi32, #tpu.memory_space<hbm>>
      %dma_wait3A_335 = arith.constant 0 : i32
      %dma_wait3A_336 = tpu.memref_slice %arg4[%add3A_332, %dma_wait3A_335] : memref<4000x80xi32, #tpu.memory_space<hbm>> -> memref<1x80xi32, #tpu.memory_space<hbm>>
      %dma_wait3A_337 = tpu.memref_squeeze %dma_wait3A_336 : memref<1x80xi32, #tpu.memory_space<hbm>> -> memref<80xi32, #tpu.memory_space<hbm>>
      tpu.wait_dma2 semaphore(%arg20 : memref<!tpu.dma_semaphore, #tpu.memory_space<semaphore_mem>>) src(%dma_wait3A_337 : memref<80xi32, #tpu.memory_space<hbm>>) dst(%arg7 : memref<80xi32, #tpu.memory_space<vmem>>)
      %dma_wait3A_338 = arith.constant 0 : i32
      %dma_wait3A_339 = arith.constant 0 : i32
      %dma_wait3A_340 = arith.constant 0 : i32
      %dma_wait3A_341 = arith.constant 0 : i32
      %dma_wait3A_342 = tpu.memref_slice %arg17[%dma_wait3A_338, %dma_wait3A_339, %dma_wait3A_340, %dma_wait3A_341] : memref<2x5x80x64xf32, #tpu.memory_space<vmem>> -> memref<1x1x80x64xf32, #tpu.memory_space<vmem>>
      %dma_wait3A_343 = tpu.memref_squeeze %dma_wait3A_342 : memref<1x1x80x64xf32, #tpu.memory_space<vmem>> -> memref<80x64xf32, #tpu.memory_space<vmem>>
      %dma_wait3A_344 = arith.constant 0 : i32
      %dma_wait3A_345 = tpu.memref_slice %arg6[%add3A_329, %dma_wait3A_344] : memref<250x80xi32, #tpu.memory_space<vmem>> -> memref<1x80xi32, #tpu.memory_space<vmem>>
      %dma_wait3A_346 = tpu.memref_squeeze %dma_wait3A_345 : memref<1x80xi32, #tpu.memory_space<vmem>> -> memref<80xi32, #tpu.memory_space<vmem>>
      %dma_wait3A_347 = arith.constant 0 : i32
      %dma_wait3A_348 = arith.constant 0 : i32
      %dma_wait3A_349 = tpu.memref_slice %arg2[%dma_wait3A_347, %dma_wait3A_348] : memref<20000x64xf32, #tpu.memory_space<hbm>> -> memref<20000x64xf32, #tpu.memory_space<hbm>>
      tpu.wait_indirect_dma semaphore(%arg19 : memref<!tpu.dma_semaphore, #tpu.memory_space<semaphore_mem>>) src(%dma_wait3A_349 : memref<20000x64xf32, #tpu.memory_space<hbm>>) dst(%dma_wait3A_343 : memref<80x64xf32, #tpu.memory_space<vmem>>)
      %mul3A_350 = arith.constant 5 : i32
      %mul3A_351 = arith.muli %mul3A_325, %mul3A_350 : i32
      %add3A_352 = arith.constant 1 : i32
      %add3A_353 = arith.addi %mul3A_351, %add3A_352 : i32
      %mul3A_354 = arith.constant 250 : i32
      %mul3A_355 = arith.muli %arg1, %mul3A_354 : i32
      %add3A_356 = arith.addi %mul3A_355, %add3A_353 : i32
      %dma_wait3A_357 = arith.constant 0 : i32
      %dma_wait3A_358 = tpu.memref_slice %arg4[%add3A_356, %dma_wait3A_357] : memref<4000x80xi32, #tpu.memory_space<hbm>> -> memref<1x80xi32, #tpu.memory_space<hbm>>
      %dma_wait3A_359 = tpu.memref_squeeze %dma_wait3A_358 : memref<1x80xi32, #tpu.memory_space<hbm>> -> memref<80xi32, #tpu.memory_space<hbm>>
      %dma_wait3A_360 = arith.constant 0 : i32
      %dma_wait3A_361 = tpu.memref_slice %arg4[%add3A_356, %dma_wait3A_360] : memref<4000x80xi32, #tpu.memory_space<hbm>> -> memref<1x80xi32, #tpu.memory_space<hbm>>
      %dma_wait3A_362 = tpu.memref_squeeze %dma_wait3A_361 : memref<1x80xi32, #tpu.memory_space<hbm>> -> memref<80xi32, #tpu.memory_space<hbm>>
      tpu.wait_dma2 semaphore(%arg20 : memref<!tpu.dma_semaphore, #tpu.memory_space<semaphore_mem>>) src(%dma_wait3A_362 : memref<80xi32, #tpu.memory_space<hbm>>) dst(%arg8 : memref<80xi32, #tpu.memory_space<vmem>>)
      %dma_wait3A_363 = arith.constant 0 : i32
      %dma_wait3A_364 = arith.constant 1 : i32
      %dma_wait3A_365 = arith.constant 0 : i32
      %dma_wait3A_366 = arith.constant 0 : i32
      %dma_wait3A_367 = tpu.memref_slice %arg17[%dma_wait3A_363, %dma_wait3A_364, %dma_wait3A_365, %dma_wait3A_366] : memref<2x5x80x64xf32, #tpu.memory_space<vmem>> -> memref<1x1x80x64xf32, #tpu.memory_space<vmem>>
      %dma_wait3A_368 = tpu.memref_squeeze %dma_wait3A_367 : memref<1x1x80x64xf32, #tpu.memory_space<vmem>> -> memref<80x64xf32, #tpu.memory_space<vmem>>
      %dma_wait3A_369 = arith.constant 0 : i32
      %dma_wait3A_370 = tpu.memref_slice %arg6[%add3A_353, %dma_wait3A_369] : memref<250x80xi32, #tpu.memory_space<vmem>> -> memref<1x80xi32, #tpu.memory_space<vmem>>
      %dma_wait3A_371 = tpu.memref_squeeze %dma_wait3A_370 : memref<1x80xi32, #tpu.memory_space<vmem>> -> memref<80xi32, #tpu.memory_space<vmem>>
      %dma_wait3A_372 = arith.constant 0 : i32
      %dma_wait3A_373 = arith.constant 0 : i32
      %dma_wait3A_374 = tpu.memref_slice %arg2[%dma_wait3A_372, %dma_wait3A_373] : memref<20000x64xf32, #tpu.memory_space<hbm>> -> memref<20000x64xf32, #tpu.memory_space<hbm>>
      tpu.wait_indirect_dma semaphore(%arg19 : memref<!tpu.dma_semaphore, #tpu.memory_space<semaphore_mem>>) src(%dma_wait3A_374 : memref<20000x64xf32, #tpu.memory_space<hbm>>) dst(%dma_wait3A_368 : memref<80x64xf32, #tpu.memory_space<vmem>>)
      %mul3A_375 = arith.constant 5 : i32
      %mul3A_376 = arith.muli %mul3A_325, %mul3A_375 : i32
      %add3A_377 = arith.constant 2 : i32
      %add3A_378 = arith.addi %mul3A_376, %add3A_377 : i32
      %mul3A_379 = arith.constant 250 : i32
      %mul3A_380 = arith.muli %arg1, %mul3A_379 : i32
      %add3A_381 = arith.addi %mul3A_380, %add3A_378 : i32
      %dma_wait3A_382 = arith.constant 0 : i32
      %dma_wait3A_383 = tpu.memref_slice %arg4[%add3A_381, %dma_wait3A_382] : memref<4000x80xi32, #tpu.memory_space<hbm>> -> memref<1x80xi32, #tpu.memory_space<hbm>>
      %dma_wait3A_384 = tpu.memref_squeeze %dma_wait3A_383 : memref<1x80xi32, #tpu.memory_space<hbm>> -> memref<80xi32, #tpu.memory_space<hbm>>
      %dma_wait3A_385 = arith.constant 0 : i32
      %dma_wait3A_386 = tpu.memref_slice %arg4[%add3A_381, %dma_wait3A_385] : memref<4000x80xi32, #tpu.memory_space<hbm>> -> memref<1x80xi32, #tpu.memory_space<hbm>>
      %dma_wait3A_387 = tpu.memref_squeeze %dma_wait3A_386 : memref<1x80xi32, #tpu.memory_space<hbm>> -> memref<80xi32, #tpu.memory_space<hbm>>
      tpu.wait_dma2 semaphore(%arg20 : memref<!tpu.dma_semaphore, #tpu.memory_space<semaphore_mem>>) src(%dma_wait3A_387 : memref<80xi32, #tpu.memory_space<hbm>>) dst(%arg9 : memref<80xi32, #tpu.memory_space<vmem>>)
      %dma_wait3A_388 = arith.constant 0 : i32
      %dma_wait3A_389 = arith.constant 2 : i32
      %dma_wait3A_390 = arith.constant 0 : i32
      %dma_wait3A_391 = arith.constant 0 : i32
      %dma_wait3A_392 = tpu.memref_slice %arg17[%dma_wait3A_388, %dma_wait3A_389, %dma_wait3A_390, %dma_wait3A_391] : memref<2x5x80x64xf32, #tpu.memory_space<vmem>> -> memref<1x1x80x64xf32, #tpu.memory_space<vmem>>
      %dma_wait3A_393 = tpu.memref_squeeze %dma_wait3A_392 : memref<1x1x80x64xf32, #tpu.memory_space<vmem>> -> memref<80x64xf32, #tpu.memory_space<vmem>>
      %dma_wait3A_394 = arith.constant 0 : i32
      %dma_wait3A_395 = tpu.memref_slice %arg6[%add3A_378, %dma_wait3A_394] : memref<250x80xi32, #tpu.memory_space<vmem>> -> memref<1x80xi32, #tpu.memory_space<vmem>>
      %dma_wait3A_396 = tpu.memref_squeeze %dma_wait3A_395 : memref<1x80xi32, #tpu.memory_space<vmem>> -> memref<80xi32, #tpu.memory_space<vmem>>
      %dma_wait3A_397 = arith.constant 0 : i32
      %dma_wait3A_398 = arith.constant 0 : i32
      %dma_wait3A_399 = tpu.memref_slice %arg2[%dma_wait3A_397, %dma_wait3A_398] : memref<20000x64xf32, #tpu.memory_space<hbm>> -> memref<20000x64xf32, #tpu.memory_space<hbm>>
      tpu.wait_indirect_dma semaphore(%arg19 : memref<!tpu.dma_semaphore, #tpu.memory_space<semaphore_mem>>) src(%dma_wait3A_399 : memref<20000x64xf32, #tpu.memory_space<hbm>>) dst(%dma_wait3A_393 : memref<80x64xf32, #tpu.memory_space<vmem>>)
      %mul3A_400 = arith.constant 5 : i32
      %mul3A_401 = arith.muli %mul3A_325, %mul3A_400 : i32
      %add3A_402 = arith.constant 3 : i32
      %add3A_403 = arith.addi %mul3A_401, %add3A_402 : i32
      %mul3A_404 = arith.constant 250 : i32
      %mul3A_405 = arith.muli %arg1, %mul3A_404 : i32
      %add3A_406 = arith.addi %mul3A_405, %add3A_403 : i32
      %dma_wait3A_407 = arith.constant 0 : i32
      %dma_wait3A_408 = tpu.memref_slice %arg4[%add3A_406, %dma_wait3A_407] : memref<4000x80xi32, #tpu.memory_space<hbm>> -> memref<1x80xi32, #tpu.memory_space<hbm>>
      %dma_wait3A_409 = tpu.memref_squeeze %dma_wait3A_408 : memref<1x80xi32, #tpu.memory_space<hbm>> -> memref<80xi32, #tpu.memory_space<hbm>>
      %dma_wait3A_410 = arith.constant 0 : i32
      %dma_wait3A_411 = tpu.memref_slice %arg4[%add3A_406, %dma_wait3A_410] : memref<4000x80xi32, #tpu.memory_space<hbm>> -> memref<1x80xi32, #tpu.memory_space<hbm>>
      %dma_wait3A_412 = tpu.memref_squeeze %dma_wait3A_411 : memref<1x80xi32, #tpu.memory_space<hbm>> -> memref<80xi32, #tpu.memory_space<hbm>>
      tpu.wait_dma2 semaphore(%arg20 : memref<!tpu.dma_semaphore, #tpu.memory_space<semaphore_mem>>) src(%dma_wait3A_412 : memref<80xi32, #tpu.memory_space<hbm>>) dst(%arg10 : memref<80xi32, #tpu.memory_space<vmem>>)
      %dma_wait3A_413 = arith.constant 0 : i32
      %dma_wait3A_414 = arith.constant 3 : i32
      %dma_wait3A_415 = arith.constant 0 : i32
      %dma_wait3A_416 = arith.constant 0 : i32
      %dma_wait3A_417 = tpu.memref_slice %arg17[%dma_wait3A_413, %dma_wait3A_414, %dma_wait3A_415, %dma_wait3A_416] : memref<2x5x80x64xf32, #tpu.memory_space<vmem>> -> memref<1x1x80x64xf32, #tpu.memory_space<vmem>>
      %dma_wait3A_418 = tpu.memref_squeeze %dma_wait3A_417 : memref<1x1x80x64xf32, #tpu.memory_space<vmem>> -> memref<80x64xf32, #tpu.memory_space<vmem>>
      %dma_wait3A_419 = arith.constant 0 : i32
      %dma_wait3A_420 = tpu.memref_slice %arg6[%add3A_403, %dma_wait3A_419] : memref<250x80xi32, #tpu.memory_space<vmem>> -> memref<1x80xi32, #tpu.memory_space<vmem>>
      %dma_wait3A_421 = tpu.memref_squeeze %dma_wait3A_420 : memref<1x80xi32, #tpu.memory_space<vmem>> -> memref<80xi32, #tpu.memory_space<vmem>>
      %dma_wait3A_422 = arith.constant 0 : i32
      %dma_wait3A_423 = arith.constant 0 : i32
      %dma_wait3A_424 = tpu.memref_slice %arg2[%dma_wait3A_422, %dma_wait3A_423] : memref<20000x64xf32, #tpu.memory_space<hbm>> -> memref<20000x64xf32, #tpu.memory_space<hbm>>
      tpu.wait_indirect_dma semaphore(%arg19 : memref<!tpu.dma_semaphore, #tpu.memory_space<semaphore_mem>>) src(%dma_wait3A_424 : memref<20000x64xf32, #tpu.memory_space<hbm>>) dst(%dma_wait3A_418 : memref<80x64xf32, #tpu.memory_space<vmem>>)
      %mul3A_425 = arith.constant 5 : i32
      %mul3A_426 = arith.muli %mul3A_325, %mul3A_425 : i32
      %add3A_427 = arith.constant 4 : i32
      %add3A_428 = arith.addi %mul3A_426, %add3A_427 : i32
      %mul3A_429 = arith.constant 250 : i32
      %mul3A_430 = arith.muli %arg1, %mul3A_429 : i32
      %add3A_431 = arith.addi %mul3A_430, %add3A_428 : i32
      %dma_wait3A_432 = arith.constant 0 : i32
      %dma_wait3A_433 = tpu.memref_slice %arg4[%add3A_431, %dma_wait3A_432] : memref<4000x80xi32, #tpu.memory_space<hbm>> -> memref<1x80xi32, #tpu.memory_space<hbm>>
      %dma_wait3A_434 = tpu.memref_squeeze %dma_wait3A_433 : memref<1x80xi32, #tpu.memory_space<hbm>> -> memref<80xi32, #tpu.memory_space<hbm>>
      %dma_wait3A_435 = arith.constant 0 : i32
      %dma_wait3A_436 = tpu.memref_slice %arg4[%add3A_431, %dma_wait3A_435] : memref<4000x80xi32, #tpu.memory_space<hbm>> -> memref<1x80xi32, #tpu.memory_space<hbm>>
      %dma_wait3A_437 = tpu.memref_squeeze %dma_wait3A_436 : memref<1x80xi32, #tpu.memory_space<hbm>> -> memref<80xi32, #tpu.memory_space<hbm>>
      tpu.wait_dma2 semaphore(%arg20 : memref<!tpu.dma_semaphore, #tpu.memory_space<semaphore_mem>>) src(%dma_wait3A_437 : memref<80xi32, #tpu.memory_space<hbm>>) dst(%arg11 : memref<80xi32, #tpu.memory_space<vmem>>)
      %dma_wait3A_438 = arith.constant 0 : i32
      %dma_wait3A_439 = arith.constant 4 : i32
      %dma_wait3A_440 = arith.constant 0 : i32
      %dma_wait3A_441 = arith.constant 0 : i32
      %dma_wait3A_442 = tpu.memref_slice %arg17[%dma_wait3A_438, %dma_wait3A_439, %dma_wait3A_440, %dma_wait3A_441] : memref<2x5x80x64xf32, #tpu.memory_space<vmem>> -> memref<1x1x80x64xf32, #tpu.memory_space<vmem>>
      %dma_wait3A_443 = tpu.memref_squeeze %dma_wait3A_442 : memref<1x1x80x64xf32, #tpu.memory_space<vmem>> -> memref<80x64xf32, #tpu.memory_space<vmem>>
      %dma_wait3A_444 = arith.constant 0 : i32
      %dma_wait3A_445 = tpu.memref_slice %arg6[%add3A_428, %dma_wait3A_444] : memref<250x80xi32, #tpu.memory_space<vmem>> -> memref<1x80xi32, #tpu.memory_space<vmem>>
      %dma_wait3A_446 = tpu.memref_squeeze %dma_wait3A_445 : memref<1x80xi32, #tpu.memory_space<vmem>> -> memref<80xi32, #tpu.memory_space<vmem>>
      %dma_wait3A_447 = arith.constant 0 : i32
      %dma_wait3A_448 = arith.constant 0 : i32
      %dma_wait3A_449 = tpu.memref_slice %arg2[%dma_wait3A_447, %dma_wait3A_448] : memref<20000x64xf32, #tpu.memory_space<hbm>> -> memref<20000x64xf32, #tpu.memory_space<hbm>>
      tpu.wait_indirect_dma semaphore(%arg19 : memref<!tpu.dma_semaphore, #tpu.memory_space<semaphore_mem>>) src(%dma_wait3A_449 : memref<20000x64xf32, #tpu.memory_space<hbm>>) dst(%dma_wait3A_443 : memref<80x64xf32, #tpu.memory_space<vmem>>)
      %run_scoped3A_450 = arith.constant 0 : i32
      %run_scoped3A_451 = arith.constant 0 : i32
      "tpu.region"() ({
        %run_scoped3A_602 = tpu.sem_alloc : memref<!tpu.dma_semaphore, #tpu.memory_space<semaphore_mem>>
        %dma_start3A_603 = arith.constant 0 : i32
        %dma_start3A_604 = arith.constant 0 : i32
        %dma_start3A_605 = tpu.memref_slice %arg17[%run_scoped3A_450, %run_scoped3A_451, %dma_start3A_603, %dma_start3A_604] : memref<2x5x80x64xf32, #tpu.memory_space<vmem>> -> memref<1x1x80x64xf32, #tpu.memory_space<vmem>>
        %dma_start3A_606 = tpu.memref_squeeze %dma_start3A_605 : memref<1x1x80x64xf32, #tpu.memory_space<vmem>> -> memref<80x64xf32, #tpu.memory_space<vmem>>
        %dma_start3A_607 = arith.constant 0 : i32
        %dma_start3A_608 = arith.constant 0 : i32
        %dma_start3A_609 = tpu.memref_slice %arg18[%dma_start3A_607, %dma_start3A_608] : memref<10240x64xf32, #tpu.memory_space<vmem_shared>> -> memref<10240x64xf32, #tpu.memory_space<vmem_shared>>
        tpu.enqueue_indirect_dma source(%dma_start3A_606 : memref<80x64xf32, #tpu.memory_space<vmem>>) target(%dma_start3A_609 : memref<10240x64xf32, #tpu.memory_space<vmem_shared>>) offsets(%arg7 : memref<80xi32, #tpu.memory_space<vmem>>) semaphore(%run_scoped3A_602 : memref<!tpu.dma_semaphore, #tpu.memory_space<semaphore_mem>>) {add = true}
        %dma_wait3A_610 = arith.constant 0 : i32
        %dma_wait3A_611 = arith.constant 0 : i32
        %dma_wait3A_612 = tpu.memref_slice %arg17[%run_scoped3A_450, %run_scoped3A_451, %dma_wait3A_610, %dma_wait3A_611] : memref<2x5x80x64xf32, #tpu.memory_space<vmem>> -> memref<1x1x80x64xf32, #tpu.memory_space<vmem>>
        %dma_wait3A_613 = tpu.memref_squeeze %dma_wait3A_612 : memref<1x1x80x64xf32, #tpu.memory_space<vmem>> -> memref<80x64xf32, #tpu.memory_space<vmem>>
        %dma_wait3A_614 = arith.constant 0 : i32
        %dma_wait3A_615 = arith.constant 0 : i32
        %dma_wait3A_616 = tpu.memref_slice %arg18[%dma_wait3A_614, %dma_wait3A_615] : memref<10240x64xf32, #tpu.memory_space<vmem_shared>> -> memref<10240x64xf32, #tpu.memory_space<vmem_shared>>
        tpu.wait_indirect_dma semaphore(%run_scoped3A_602 : memref<!tpu.dma_semaphore, #tpu.memory_space<semaphore_mem>>) src(%dma_wait3A_613 : memref<80x64xf32, #tpu.memory_space<vmem>>) dst(%dma_wait3A_616 : memref<10240x64xf32, #tpu.memory_space<vmem_shared>>)
        tpu.yield
      }) : () -> ()
      %run_scoped3A_452 = arith.constant 0 : i32
      %run_scoped3A_453 = arith.constant 1 : i32
      "tpu.region"() ({
        %run_scoped3A_602 = tpu.sem_alloc : memref<!tpu.dma_semaphore, #tpu.memory_space<semaphore_mem>>
        %dma_start3A_603 = arith.constant 0 : i32
        %dma_start3A_604 = arith.constant 0 : i32
        %dma_start3A_605 = tpu.memref_slice %arg17[%run_scoped3A_452, %run_scoped3A_453, %dma_start3A_603, %dma_start3A_604] : memref<2x5x80x64xf32, #tpu.memory_space<vmem>> -> memref<1x1x80x64xf32, #tpu.memory_space<vmem>>
        %dma_start3A_606 = tpu.memref_squeeze %dma_start3A_605 : memref<1x1x80x64xf32, #tpu.memory_space<vmem>> -> memref<80x64xf32, #tpu.memory_space<vmem>>
        %dma_start3A_607 = arith.constant 0 : i32
        %dma_start3A_608 = arith.constant 0 : i32
        %dma_start3A_609 = tpu.memref_slice %arg18[%dma_start3A_607, %dma_start3A_608] : memref<10240x64xf32, #tpu.memory_space<vmem_shared>> -> memref<10240x64xf32, #tpu.memory_space<vmem_shared>>
        tpu.enqueue_indirect_dma source(%dma_start3A_606 : memref<80x64xf32, #tpu.memory_space<vmem>>) target(%dma_start3A_609 : memref<10240x64xf32, #tpu.memory_space<vmem_shared>>) offsets(%arg8 : memref<80xi32, #tpu.memory_space<vmem>>) semaphore(%run_scoped3A_602 : memref<!tpu.dma_semaphore, #tpu.memory_space<semaphore_mem>>) {add = true}
        %dma_wait3A_610 = arith.constant 0 : i32
        %dma_wait3A_611 = arith.constant 0 : i32
        %dma_wait3A_612 = tpu.memref_slice %arg17[%run_scoped3A_452, %run_scoped3A_453, %dma_wait3A_610, %dma_wait3A_611] : memref<2x5x80x64xf32, #tpu.memory_space<vmem>> -> memref<1x1x80x64xf32, #tpu.memory_space<vmem>>
        %dma_wait3A_613 = tpu.memref_squeeze %dma_wait3A_612 : memref<1x1x80x64xf32, #tpu.memory_space<vmem>> -> memref<80x64xf32, #tpu.memory_space<vmem>>
        %dma_wait3A_614 = arith.constant 0 : i32
        %dma_wait3A_615 = arith.constant 0 : i32
        %dma_wait3A_616 = tpu.memref_slice %arg18[%dma_wait3A_614, %dma_wait3A_615] : memref<10240x64xf32, #tpu.memory_space<vmem_shared>> -> memref<10240x64xf32, #tpu.memory_space<vmem_shared>>
        tpu.wait_indirect_dma semaphore(%run_scoped3A_602 : memref<!tpu.dma_semaphore, #tpu.memory_space<semaphore_mem>>) src(%dma_wait3A_613 : memref<80x64xf32, #tpu.memory_space<vmem>>) dst(%dma_wait3A_616 : memref<10240x64xf32, #tpu.memory_space<vmem_shared>>)
        tpu.yield
      }) : () -> ()
      %run_scoped3A_454 = arith.constant 0 : i32
      %run_scoped3A_455 = arith.constant 2 : i32
      "tpu.region"() ({
        %run_scoped3A_602 = tpu.sem_alloc : memref<!tpu.dma_semaphore, #tpu.memory_space<semaphore_mem>>
        %dma_start3A_603 = arith.constant 0 : i32
        %dma_start3A_604 = arith.constant 0 : i32
        %dma_start3A_605 = tpu.memref_slice %arg17[%run_scoped3A_454, %run_scoped3A_455, %dma_start3A_603, %dma_start3A_604] : memref<2x5x80x64xf32, #tpu.memory_space<vmem>> -> memref<1x1x80x64xf32, #tpu.memory_space<vmem>>
        %dma_start3A_606 = tpu.memref_squeeze %dma_start3A_605 : memref<1x1x80x64xf32, #tpu.memory_space<vmem>> -> memref<80x64xf32, #tpu.memory_space<vmem>>
        %dma_start3A_607 = arith.constant 0 : i32
        %dma_start3A_608 = arith.constant 0 : i32
        %dma_start3A_609 = tpu.memref_slice %arg18[%dma_start3A_607, %dma_start3A_608] : memref<10240x64xf32, #tpu.memory_space<vmem_shared>> -> memref<10240x64xf32, #tpu.memory_space<vmem_shared>>
        tpu.enqueue_indirect_dma source(%dma_start3A_606 : memref<80x64xf32, #tpu.memory_space<vmem>>) target(%dma_start3A_609 : memref<10240x64xf32, #tpu.memory_space<vmem_shared>>) offsets(%arg9 : memref<80xi32, #tpu.memory_space<vmem>>) semaphore(%run_scoped3A_602 : memref<!tpu.dma_semaphore, #tpu.memory_space<semaphore_mem>>) {add = true}
        %dma_wait3A_610 = arith.constant 0 : i32
        %dma_wait3A_611 = arith.constant 0 : i32
        %dma_wait3A_612 = tpu.memref_slice %arg17[%run_scoped3A_454, %run_scoped3A_455, %dma_wait3A_610, %dma_wait3A_611] : memref<2x5x80x64xf32, #tpu.memory_space<vmem>> -> memref<1x1x80x64xf32, #tpu.memory_space<vmem>>
        %dma_wait3A_613 = tpu.memref_squeeze %dma_wait3A_612 : memref<1x1x80x64xf32, #tpu.memory_space<vmem>> -> memref<80x64xf32, #tpu.memory_space<vmem>>
        %dma_wait3A_614 = arith.constant 0 : i32
        %dma_wait3A_615 = arith.constant 0 : i32
        %dma_wait3A_616 = tpu.memref_slice %arg18[%dma_wait3A_614, %dma_wait3A_615] : memref<10240x64xf32, #tpu.memory_space<vmem_shared>> -> memref<10240x64xf32, #tpu.memory_space<vmem_shared>>
        tpu.wait_indirect_dma semaphore(%run_scoped3A_602 : memref<!tpu.dma_semaphore, #tpu.memory_space<semaphore_mem>>) src(%dma_wait3A_613 : memref<80x64xf32, #tpu.memory_space<vmem>>) dst(%dma_wait3A_616 : memref<10240x64xf32, #tpu.memory_space<vmem_shared>>)
        tpu.yield
      }) : () -> ()
      %run_scoped3A_456 = arith.constant 0 : i32
      %run_scoped3A_457 = arith.constant 3 : i32
      "tpu.region"() ({
        %run_scoped3A_602 = tpu.sem_alloc : memref<!tpu.dma_semaphore, #tpu.memory_space<semaphore_mem>>
        %dma_start3A_603 = arith.constant 0 : i32
        %dma_start3A_604 = arith.constant 0 : i32
        %dma_start3A_605 = tpu.memref_slice %arg17[%run_scoped3A_456, %run_scoped3A_457, %dma_start3A_603, %dma_start3A_604] : memref<2x5x80x64xf32, #tpu.memory_space<vmem>> -> memref<1x1x80x64xf32, #tpu.memory_space<vmem>>
        %dma_start3A_606 = tpu.memref_squeeze %dma_start3A_605 : memref<1x1x80x64xf32, #tpu.memory_space<vmem>> -> memref<80x64xf32, #tpu.memory_space<vmem>>
        %dma_start3A_607 = arith.constant 0 : i32
        %dma_start3A_608 = arith.constant 0 : i32
        %dma_start3A_609 = tpu.memref_slice %arg18[%dma_start3A_607, %dma_start3A_608] : memref<10240x64xf32, #tpu.memory_space<vmem_shared>> -> memref<10240x64xf32, #tpu.memory_space<vmem_shared>>
        tpu.enqueue_indirect_dma source(%dma_start3A_606 : memref<80x64xf32, #tpu.memory_space<vmem>>) target(%dma_start3A_609 : memref<10240x64xf32, #tpu.memory_space<vmem_shared>>) offsets(%arg10 : memref<80xi32, #tpu.memory_space<vmem>>) semaphore(%run_scoped3A_602 : memref<!tpu.dma_semaphore, #tpu.memory_space<semaphore_mem>>) {add = true}
        %dma_wait3A_610 = arith.constant 0 : i32
        %dma_wait3A_611 = arith.constant 0 : i32
        %dma_wait3A_612 = tpu.memref_slice %arg17[%run_scoped3A_456, %run_scoped3A_457, %dma_wait3A_610, %dma_wait3A_611] : memref<2x5x80x64xf32, #tpu.memory_space<vmem>> -> memref<1x1x80x64xf32, #tpu.memory_space<vmem>>
        %dma_wait3A_613 = tpu.memref_squeeze %dma_wait3A_612 : memref<1x1x80x64xf32, #tpu.memory_space<vmem>> -> memref<80x64xf32, #tpu.memory_space<vmem>>
        %dma_wait3A_614 = arith.constant 0 : i32
        %dma_wait3A_615 = arith.constant 0 : i32
        %dma_wait3A_616 = tpu.memref_slice %arg18[%dma_wait3A_614, %dma_wait3A_615] : memref<10240x64xf32, #tpu.memory_space<vmem_shared>> -> memref<10240x64xf32, #tpu.memory_space<vmem_shared>>
        tpu.wait_indirect_dma semaphore(%run_scoped3A_602 : memref<!tpu.dma_semaphore, #tpu.memory_space<semaphore_mem>>) src(%dma_wait3A_613 : memref<80x64xf32, #tpu.memory_space<vmem>>) dst(%dma_wait3A_616 : memref<10240x64xf32, #tpu.memory_space<vmem_shared>>)
        tpu.yield
      }) : () -> ()
      %run_scoped3A_458 = arith.constant 0 : i32
      %run_scoped3A_459 = arith.constant 4 : i32
      "tpu.region"() ({
        %run_scoped3A_602 = tpu.sem_alloc : memref<!tpu.dma_semaphore, #tpu.memory_space<semaphore_mem>>
        %dma_start3A_603 = arith.constant 0 : i32
        %dma_start3A_604 = arith.constant 0 : i32
        %dma_start3A_605 = tpu.memref_slice %arg17[%run_scoped3A_458, %run_scoped3A_459, %dma_start3A_603, %dma_start3A_604] : memref<2x5x80x64xf32, #tpu.memory_space<vmem>> -> memref<1x1x80x64xf32, #tpu.memory_space<vmem>>
        %dma_start3A_606 = tpu.memref_squeeze %dma_start3A_605 : memref<1x1x80x64xf32, #tpu.memory_space<vmem>> -> memref<80x64xf32, #tpu.memory_space<vmem>>
        %dma_start3A_607 = arith.constant 0 : i32
        %dma_start3A_608 = arith.constant 0 : i32
        %dma_start3A_609 = tpu.memref_slice %arg18[%dma_start3A_607, %dma_start3A_608] : memref<10240x64xf32, #tpu.memory_space<vmem_shared>> -> memref<10240x64xf32, #tpu.memory_space<vmem_shared>>
        tpu.enqueue_indirect_dma source(%dma_start3A_606 : memref<80x64xf32, #tpu.memory_space<vmem>>) target(%dma_start3A_609 : memref<10240x64xf32, #tpu.memory_space<vmem_shared>>) offsets(%arg11 : memref<80xi32, #tpu.memory_space<vmem>>) semaphore(%run_scoped3A_602 : memref<!tpu.dma_semaphore, #tpu.memory_space<semaphore_mem>>) {add = true}
        %dma_wait3A_610 = arith.constant 0 : i32
        %dma_wait3A_611 = arith.constant 0 : i32
        %dma_wait3A_612 = tpu.memref_slice %arg17[%run_scoped3A_458, %run_scoped3A_459, %dma_wait3A_610, %dma_wait3A_611] : memref<2x5x80x64xf32, #tpu.memory_space<vmem>> -> memref<1x1x80x64xf32, #tpu.memory_space<vmem>>
        %dma_wait3A_613 = tpu.memref_squeeze %dma_wait3A_612 : memref<1x1x80x64xf32, #tpu.memory_space<vmem>> -> memref<80x64xf32, #tpu.memory_space<vmem>>
        %dma_wait3A_614 = arith.constant 0 : i32
        %dma_wait3A_615 = arith.constant 0 : i32
        %dma_wait3A_616 = tpu.memref_slice %arg18[%dma_wait3A_614, %dma_wait3A_615] : memref<10240x64xf32, #tpu.memory_space<vmem_shared>> -> memref<10240x64xf32, #tpu.memory_space<vmem_shared>>
        tpu.wait_indirect_dma semaphore(%run_scoped3A_602 : memref<!tpu.dma_semaphore, #tpu.memory_space<semaphore_mem>>) src(%dma_wait3A_613 : memref<80x64xf32, #tpu.memory_space<vmem>>) dst(%dma_wait3A_616 : memref<10240x64xf32, #tpu.memory_space<vmem_shared>>)
        tpu.yield
      }) : () -> ()
      %lt3A = arith.constant 24 : i32
      %lt3A_460 = arith.cmpi slt, %scan3A_193, %lt3A : i32
      %convert_element_type3A = arith.extui %lt3A_460 : i1 to i32
      %cond3A = arith.constant 0 : i32
      %cond3A_461 = arith.cmpi ne, %convert_element_type3A, %cond3A : i32
      scf.if %cond3A_461 {
        %mul3A_602 = arith.constant 2 : i32
        %mul3A_603 = arith.muli %mul3A_602, %scan3A_193 : i32
        %add3A_604 = arith.constant 2 : i32
        %add3A_605 = arith.addi %mul3A_603, %add3A_604 : i32
        %mul3A_606 = arith.constant 5 : i32
        %mul3A_607 = arith.muli %add3A_605, %mul3A_606 : i32
        %add3A_608 = arith.constant 0 : i32
        %add3A_609 = arith.addi %mul3A_607, %add3A_608 : i32
        %mul3A_610 = arith.constant 250 : i32
        %mul3A_611 = arith.muli %arg1, %mul3A_610 : i32
        %add3A_612 = arith.addi %mul3A_611, %add3A_609 : i32
        %dma_start3A_613 = arith.constant 0 : i32
        %dma_start3A_614 = tpu.memref_slice %arg4[%add3A_612, %dma_start3A_613] : memref<4000x80xi32, #tpu.memory_space<hbm>> -> memref<1x80xi32, #tpu.memory_space<hbm>>
        %dma_start3A_615 = tpu.memref_squeeze %dma_start3A_614 : memref<1x80xi32, #tpu.memory_space<hbm>> -> memref<80xi32, #tpu.memory_space<hbm>>
        %dma_start3A_616 = arith.constant 0 : i32
        %dma_start3A_617 = tpu.memref_slice %arg4[%add3A_612, %dma_start3A_616] : memref<4000x80xi32, #tpu.memory_space<hbm>> -> memref<1x80xi32, #tpu.memory_space<hbm>>
        %dma_start3A_618 = tpu.memref_squeeze %dma_start3A_617 : memref<1x80xi32, #tpu.memory_space<hbm>> -> memref<80xi32, #tpu.memory_space<hbm>>
        tpu.enqueue_dma source(%dma_start3A_618 : memref<80xi32, #tpu.memory_space<hbm>>) target(%arg7 : memref<80xi32, #tpu.memory_space<vmem>>) target_semaphore(%arg20 : memref<!tpu.dma_semaphore, #tpu.memory_space<semaphore_mem>>)
        %dma_start3A_619 = arith.constant 0 : i32
        %dma_start3A_620 = arith.constant 0 : i32
        %dma_start3A_621 = arith.constant 0 : i32
        %dma_start3A_622 = arith.constant 0 : i32
        %dma_start3A_623 = tpu.memref_slice %arg17[%dma_start3A_619, %dma_start3A_620, %dma_start3A_621, %dma_start3A_622] : memref<2x5x80x64xf32, #tpu.memory_space<vmem>> -> memref<1x1x80x64xf32, #tpu.memory_space<vmem>>
        %dma_start3A_624 = tpu.memref_squeeze %dma_start3A_623 : memref<1x1x80x64xf32, #tpu.memory_space<vmem>> -> memref<80x64xf32, #tpu.memory_space<vmem>>
        %dma_start3A_625 = arith.constant 0 : i32
        %dma_start3A_626 = tpu.memref_slice %arg6[%add3A_609, %dma_start3A_625] : memref<250x80xi32, #tpu.memory_space<vmem>> -> memref<1x80xi32, #tpu.memory_space<vmem>>
        %dma_start3A_627 = tpu.memref_squeeze %dma_start3A_626 : memref<1x80xi32, #tpu.memory_space<vmem>> -> memref<80xi32, #tpu.memory_space<vmem>>
        %dma_start3A_628 = arith.constant 0 : i32
        %dma_start3A_629 = arith.constant 0 : i32
        %dma_start3A_630 = tpu.memref_slice %arg2[%dma_start3A_628, %dma_start3A_629] : memref<20000x64xf32, #tpu.memory_space<hbm>> -> memref<20000x64xf32, #tpu.memory_space<hbm>>
        tpu.enqueue_indirect_dma source(%dma_start3A_630 : memref<20000x64xf32, #tpu.memory_space<hbm>>) target(%dma_start3A_624 : memref<80x64xf32, #tpu.memory_space<vmem>>) offsets(%dma_start3A_627 : memref<80xi32, #tpu.memory_space<vmem>>) semaphore(%arg19 : memref<!tpu.dma_semaphore, #tpu.memory_space<semaphore_mem>>)
        %mul3A_631 = arith.constant 5 : i32
        %mul3A_632 = arith.muli %add3A_605, %mul3A_631 : i32
        %add3A_633 = arith.constant 1 : i32
        %add3A_634 = arith.addi %mul3A_632, %add3A_633 : i32
        %mul3A_635 = arith.constant 250 : i32
        %mul3A_636 = arith.muli %arg1, %mul3A_635 : i32
        %add3A_637 = arith.addi %mul3A_636, %add3A_634 : i32
        %dma_start3A_638 = arith.constant 0 : i32
        %dma_start3A_639 = tpu.memref_slice %arg4[%add3A_637, %dma_start3A_638] : memref<4000x80xi32, #tpu.memory_space<hbm>> -> memref<1x80xi32, #tpu.memory_space<hbm>>
        %dma_start3A_640 = tpu.memref_squeeze %dma_start3A_639 : memref<1x80xi32, #tpu.memory_space<hbm>> -> memref<80xi32, #tpu.memory_space<hbm>>
        %dma_start3A_641 = arith.constant 0 : i32
        %dma_start3A_642 = tpu.memref_slice %arg4[%add3A_637, %dma_start3A_641] : memref<4000x80xi32, #tpu.memory_space<hbm>> -> memref<1x80xi32, #tpu.memory_space<hbm>>
        %dma_start3A_643 = tpu.memref_squeeze %dma_start3A_642 : memref<1x80xi32, #tpu.memory_space<hbm>> -> memref<80xi32, #tpu.memory_space<hbm>>
        tpu.enqueue_dma source(%dma_start3A_643 : memref<80xi32, #tpu.memory_space<hbm>>) target(%arg8 : memref<80xi32, #tpu.memory_space<vmem>>) target_semaphore(%arg20 : memref<!tpu.dma_semaphore, #tpu.memory_space<semaphore_mem>>)
        %dma_start3A_644 = arith.constant 0 : i32
        %dma_start3A_645 = arith.constant 1 : i32
        %dma_start3A_646 = arith.constant 0 : i32
        %dma_start3A_647 = arith.constant 0 : i32
        %dma_start3A_648 = tpu.memref_slice %arg17[%dma_start3A_644, %dma_start3A_645, %dma_start3A_646, %dma_start3A_647] : memref<2x5x80x64xf32, #tpu.memory_space<vmem>> -> memref<1x1x80x64xf32, #tpu.memory_space<vmem>>
        %dma_start3A_649 = tpu.memref_squeeze %dma_start3A_648 : memref<1x1x80x64xf32, #tpu.memory_space<vmem>> -> memref<80x64xf32, #tpu.memory_space<vmem>>
        %dma_start3A_650 = arith.constant 0 : i32
        %dma_start3A_651 = tpu.memref_slice %arg6[%add3A_634, %dma_start3A_650] : memref<250x80xi32, #tpu.memory_space<vmem>> -> memref<1x80xi32, #tpu.memory_space<vmem>>
        %dma_start3A_652 = tpu.memref_squeeze %dma_start3A_651 : memref<1x80xi32, #tpu.memory_space<vmem>> -> memref<80xi32, #tpu.memory_space<vmem>>
        %dma_start3A_653 = arith.constant 0 : i32
        %dma_start3A_654 = arith.constant 0 : i32
        %dma_start3A_655 = tpu.memref_slice %arg2[%dma_start3A_653, %dma_start3A_654] : memref<20000x64xf32, #tpu.memory_space<hbm>> -> memref<20000x64xf32, #tpu.memory_space<hbm>>
        tpu.enqueue_indirect_dma source(%dma_start3A_655 : memref<20000x64xf32, #tpu.memory_space<hbm>>) target(%dma_start3A_649 : memref<80x64xf32, #tpu.memory_space<vmem>>) offsets(%dma_start3A_652 : memref<80xi32, #tpu.memory_space<vmem>>) semaphore(%arg19 : memref<!tpu.dma_semaphore, #tpu.memory_space<semaphore_mem>>)
        %mul3A_656 = arith.constant 5 : i32
        %mul3A_657 = arith.muli %add3A_605, %mul3A_656 : i32
        %add3A_658 = arith.constant 2 : i32
        %add3A_659 = arith.addi %mul3A_657, %add3A_658 : i32
        %mul3A_660 = arith.constant 250 : i32
        %mul3A_661 = arith.muli %arg1, %mul3A_660 : i32
        %add3A_662 = arith.addi %mul3A_661, %add3A_659 : i32
        %dma_start3A_663 = arith.constant 0 : i32
        %dma_start3A_664 = tpu.memref_slice %arg4[%add3A_662, %dma_start3A_663] : memref<4000x80xi32, #tpu.memory_space<hbm>> -> memref<1x80xi32, #tpu.memory_space<hbm>>
        %dma_start3A_665 = tpu.memref_squeeze %dma_start3A_664 : memref<1x80xi32, #tpu.memory_space<hbm>> -> memref<80xi32, #tpu.memory_space<hbm>>
        %dma_start3A_666 = arith.constant 0 : i32
        %dma_start3A_667 = tpu.memref_slice %arg4[%add3A_662, %dma_start3A_666] : memref<4000x80xi32, #tpu.memory_space<hbm>> -> memref<1x80xi32, #tpu.memory_space<hbm>>
        %dma_start3A_668 = tpu.memref_squeeze %dma_start3A_667 : memref<1x80xi32, #tpu.memory_space<hbm>> -> memref<80xi32, #tpu.memory_space<hbm>>
        tpu.enqueue_dma source(%dma_start3A_668 : memref<80xi32, #tpu.memory_space<hbm>>) target(%arg9 : memref<80xi32, #tpu.memory_space<vmem>>) target_semaphore(%arg20 : memref<!tpu.dma_semaphore, #tpu.memory_space<semaphore_mem>>)
        %dma_start3A_669 = arith.constant 0 : i32
        %dma_start3A_670 = arith.constant 2 : i32
        %dma_start3A_671 = arith.constant 0 : i32
        %dma_start3A_672 = arith.constant 0 : i32
        %dma_start3A_673 = tpu.memref_slice %arg17[%dma_start3A_669, %dma_start3A_670, %dma_start3A_671, %dma_start3A_672] : memref<2x5x80x64xf32, #tpu.memory_space<vmem>> -> memref<1x1x80x64xf32, #tpu.memory_space<vmem>>
        %dma_start3A_674 = tpu.memref_squeeze %dma_start3A_673 : memref<1x1x80x64xf32, #tpu.memory_space<vmem>> -> memref<80x64xf32, #tpu.memory_space<vmem>>
        %dma_start3A_675 = arith.constant 0 : i32
        %dma_start3A_676 = tpu.memref_slice %arg6[%add3A_659, %dma_start3A_675] : memref<250x80xi32, #tpu.memory_space<vmem>> -> memref<1x80xi32, #tpu.memory_space<vmem>>
        %dma_start3A_677 = tpu.memref_squeeze %dma_start3A_676 : memref<1x80xi32, #tpu.memory_space<vmem>> -> memref<80xi32, #tpu.memory_space<vmem>>
        %dma_start3A_678 = arith.constant 0 : i32
        %dma_start3A_679 = arith.constant 0 : i32
        %dma_start3A_680 = tpu.memref_slice %arg2[%dma_start3A_678, %dma_start3A_679] : memref<20000x64xf32, #tpu.memory_space<hbm>> -> memref<20000x64xf32, #tpu.memory_space<hbm>>
        tpu.enqueue_indirect_dma source(%dma_start3A_680 : memref<20000x64xf32, #tpu.memory_space<hbm>>) target(%dma_start3A_674 : memref<80x64xf32, #tpu.memory_space<vmem>>) offsets(%dma_start3A_677 : memref<80xi32, #tpu.memory_space<vmem>>) semaphore(%arg19 : memref<!tpu.dma_semaphore, #tpu.memory_space<semaphore_mem>>)
        %mul3A_681 = arith.constant 5 : i32
        %mul3A_682 = arith.muli %add3A_605, %mul3A_681 : i32
        %add3A_683 = arith.constant 3 : i32
        %add3A_684 = arith.addi %mul3A_682, %add3A_683 : i32
        %mul3A_685 = arith.constant 250 : i32
        %mul3A_686 = arith.muli %arg1, %mul3A_685 : i32
        %add3A_687 = arith.addi %mul3A_686, %add3A_684 : i32
        %dma_start3A_688 = arith.constant 0 : i32
        %dma_start3A_689 = tpu.memref_slice %arg4[%add3A_687, %dma_start3A_688] : memref<4000x80xi32, #tpu.memory_space<hbm>> -> memref<1x80xi32, #tpu.memory_space<hbm>>
        %dma_start3A_690 = tpu.memref_squeeze %dma_start3A_689 : memref<1x80xi32, #tpu.memory_space<hbm>> -> memref<80xi32, #tpu.memory_space<hbm>>
        %dma_start3A_691 = arith.constant 0 : i32
        %dma_start3A_692 = tpu.memref_slice %arg4[%add3A_687, %dma_start3A_691] : memref<4000x80xi32, #tpu.memory_space<hbm>> -> memref<1x80xi32, #tpu.memory_space<hbm>>
        %dma_start3A_693 = tpu.memref_squeeze %dma_start3A_692 : memref<1x80xi32, #tpu.memory_space<hbm>> -> memref<80xi32, #tpu.memory_space<hbm>>
        tpu.enqueue_dma source(%dma_start3A_693 : memref<80xi32, #tpu.memory_space<hbm>>) target(%arg10 : memref<80xi32, #tpu.memory_space<vmem>>) target_semaphore(%arg20 : memref<!tpu.dma_semaphore, #tpu.memory_space<semaphore_mem>>)
        %dma_start3A_694 = arith.constant 0 : i32
        %dma_start3A_695 = arith.constant 3 : i32
        %dma_start3A_696 = arith.constant 0 : i32
        %dma_start3A_697 = arith.constant 0 : i32
        %dma_start3A_698 = tpu.memref_slice %arg17[%dma_start3A_694, %dma_start3A_695, %dma_start3A_696, %dma_start3A_697] : memref<2x5x80x64xf32, #tpu.memory_space<vmem>> -> memref<1x1x80x64xf32, #tpu.memory_space<vmem>>
        %dma_start3A_699 = tpu.memref_squeeze %dma_start3A_698 : memref<1x1x80x64xf32, #tpu.memory_space<vmem>> -> memref<80x64xf32, #tpu.memory_space<vmem>>
        %dma_start3A_700 = arith.constant 0 : i32
        %dma_start3A_701 = tpu.memref_slice %arg6[%add3A_684, %dma_start3A_700] : memref<250x80xi32, #tpu.memory_space<vmem>> -> memref<1x80xi32, #tpu.memory_space<vmem>>
        %dma_start3A_702 = tpu.memref_squeeze %dma_start3A_701 : memref<1x80xi32, #tpu.memory_space<vmem>> -> memref<80xi32, #tpu.memory_space<vmem>>
        %dma_start3A_703 = arith.constant 0 : i32
        %dma_start3A_704 = arith.constant 0 : i32
        %dma_start3A_705 = tpu.memref_slice %arg2[%dma_start3A_703, %dma_start3A_704] : memref<20000x64xf32, #tpu.memory_space<hbm>> -> memref<20000x64xf32, #tpu.memory_space<hbm>>
        tpu.enqueue_indirect_dma source(%dma_start3A_705 : memref<20000x64xf32, #tpu.memory_space<hbm>>) target(%dma_start3A_699 : memref<80x64xf32, #tpu.memory_space<vmem>>) offsets(%dma_start3A_702 : memref<80xi32, #tpu.memory_space<vmem>>) semaphore(%arg19 : memref<!tpu.dma_semaphore, #tpu.memory_space<semaphore_mem>>)
        %mul3A_706 = arith.constant 5 : i32
        %mul3A_707 = arith.muli %add3A_605, %mul3A_706 : i32
        %add3A_708 = arith.constant 4 : i32
        %add3A_709 = arith.addi %mul3A_707, %add3A_708 : i32
        %mul3A_710 = arith.constant 250 : i32
        %mul3A_711 = arith.muli %arg1, %mul3A_710 : i32
        %add3A_712 = arith.addi %mul3A_711, %add3A_709 : i32
        %dma_start3A_713 = arith.constant 0 : i32
        %dma_start3A_714 = tpu.memref_slice %arg4[%add3A_712, %dma_start3A_713] : memref<4000x80xi32, #tpu.memory_space<hbm>> -> memref<1x80xi32, #tpu.memory_space<hbm>>
        %dma_start3A_715 = tpu.memref_squeeze %dma_start3A_714 : memref<1x80xi32, #tpu.memory_space<hbm>> -> memref<80xi32, #tpu.memory_space<hbm>>
        %dma_start3A_716 = arith.constant 0 : i32
        %dma_start3A_717 = tpu.memref_slice %arg4[%add3A_712, %dma_start3A_716] : memref<4000x80xi32, #tpu.memory_space<hbm>> -> memref<1x80xi32, #tpu.memory_space<hbm>>
        %dma_start3A_718 = tpu.memref_squeeze %dma_start3A_717 : memref<1x80xi32, #tpu.memory_space<hbm>> -> memref<80xi32, #tpu.memory_space<hbm>>
        tpu.enqueue_dma source(%dma_start3A_718 : memref<80xi32, #tpu.memory_space<hbm>>) target(%arg11 : memref<80xi32, #tpu.memory_space<vmem>>) target_semaphore(%arg20 : memref<!tpu.dma_semaphore, #tpu.memory_space<semaphore_mem>>)
        %dma_start3A_719 = arith.constant 0 : i32
        %dma_start3A_720 = arith.constant 4 : i32
        %dma_start3A_721 = arith.constant 0 : i32
        %dma_start3A_722 = arith.constant 0 : i32
        %dma_start3A_723 = tpu.memref_slice %arg17[%dma_start3A_719, %dma_start3A_720, %dma_start3A_721, %dma_start3A_722] : memref<2x5x80x64xf32, #tpu.memory_space<vmem>> -> memref<1x1x80x64xf32, #tpu.memory_space<vmem>>
        %dma_start3A_724 = tpu.memref_squeeze %dma_start3A_723 : memref<1x1x80x64xf32, #tpu.memory_space<vmem>> -> memref<80x64xf32, #tpu.memory_space<vmem>>
        %dma_start3A_725 = arith.constant 0 : i32
        %dma_start3A_726 = tpu.memref_slice %arg6[%add3A_709, %dma_start3A_725] : memref<250x80xi32, #tpu.memory_space<vmem>> -> memref<1x80xi32, #tpu.memory_space<vmem>>
        %dma_start3A_727 = tpu.memref_squeeze %dma_start3A_726 : memref<1x80xi32, #tpu.memory_space<vmem>> -> memref<80xi32, #tpu.memory_space<vmem>>
        %dma_start3A_728 = arith.constant 0 : i32
        %dma_start3A_729 = arith.constant 0 : i32
        %dma_start3A_730 = tpu.memref_slice %arg2[%dma_start3A_728, %dma_start3A_729] : memref<20000x64xf32, #tpu.memory_space<hbm>> -> memref<20000x64xf32, #tpu.memory_space<hbm>>
        tpu.enqueue_indirect_dma source(%dma_start3A_730 : memref<20000x64xf32, #tpu.memory_space<hbm>>) target(%dma_start3A_724 : memref<80x64xf32, #tpu.memory_space<vmem>>) offsets(%dma_start3A_727 : memref<80xi32, #tpu.memory_space<vmem>>) semaphore(%arg19 : memref<!tpu.dma_semaphore, #tpu.memory_space<semaphore_mem>>)
      } else {
      }
      %mul3A_462 = arith.constant 2 : i32
      %mul3A_463 = arith.muli %mul3A_462, %scan3A_193 : i32
      %add3A_464 = arith.constant 1 : i32
      %add3A_465 = arith.addi %mul3A_463, %add3A_464 : i32
      %mul3A_466 = arith.constant 5 : i32
      %mul3A_467 = arith.muli %add3A_465, %mul3A_466 : i32
      %add3A_468 = arith.constant 0 : i32
      %add3A_469 = arith.addi %mul3A_467, %add3A_468 : i32
      %mul3A_470 = arith.constant 250 : i32
      %mul3A_471 = arith.muli %arg1, %mul3A_470 : i32
      %add3A_472 = arith.addi %mul3A_471, %add3A_469 : i32
      %dma_wait3A_473 = arith.constant 0 : i32
      %dma_wait3A_474 = tpu.memref_slice %arg4[%add3A_472, %dma_wait3A_473] : memref<4000x80xi32, #tpu.memory_space<hbm>> -> memref<1x80xi32, #tpu.memory_space<hbm>>
      %dma_wait3A_475 = tpu.memref_squeeze %dma_wait3A_474 : memref<1x80xi32, #tpu.memory_space<hbm>> -> memref<80xi32, #tpu.memory_space<hbm>>
      %dma_wait3A_476 = arith.constant 0 : i32
      %dma_wait3A_477 = tpu.memref_slice %arg4[%add3A_472, %dma_wait3A_476] : memref<4000x80xi32, #tpu.memory_space<hbm>> -> memref<1x80xi32, #tpu.memory_space<hbm>>
      %dma_wait3A_478 = tpu.memref_squeeze %dma_wait3A_477 : memref<1x80xi32, #tpu.memory_space<hbm>> -> memref<80xi32, #tpu.memory_space<hbm>>
      tpu.wait_dma2 semaphore(%arg20 : memref<!tpu.dma_semaphore, #tpu.memory_space<semaphore_mem>>) src(%dma_wait3A_478 : memref<80xi32, #tpu.memory_space<hbm>>) dst(%arg12 : memref<80xi32, #tpu.memory_space<vmem>>)
      %dma_wait3A_479 = arith.constant 1 : i32
      %dma_wait3A_480 = arith.constant 0 : i32
      %dma_wait3A_481 = arith.constant 0 : i32
      %dma_wait3A_482 = arith.constant 0 : i32
      %dma_wait3A_483 = tpu.memref_slice %arg17[%dma_wait3A_479, %dma_wait3A_480, %dma_wait3A_481, %dma_wait3A_482] : memref<2x5x80x64xf32, #tpu.memory_space<vmem>> -> memref<1x1x80x64xf32, #tpu.memory_space<vmem>>
      %dma_wait3A_484 = tpu.memref_squeeze %dma_wait3A_483 : memref<1x1x80x64xf32, #tpu.memory_space<vmem>> -> memref<80x64xf32, #tpu.memory_space<vmem>>
      %dma_wait3A_485 = arith.constant 0 : i32
      %dma_wait3A_486 = tpu.memref_slice %arg6[%add3A_469, %dma_wait3A_485] : memref<250x80xi32, #tpu.memory_space<vmem>> -> memref<1x80xi32, #tpu.memory_space<vmem>>
      %dma_wait3A_487 = tpu.memref_squeeze %dma_wait3A_486 : memref<1x80xi32, #tpu.memory_space<vmem>> -> memref<80xi32, #tpu.memory_space<vmem>>
      %dma_wait3A_488 = arith.constant 0 : i32
      %dma_wait3A_489 = arith.constant 0 : i32
      %dma_wait3A_490 = tpu.memref_slice %arg2[%dma_wait3A_488, %dma_wait3A_489] : memref<20000x64xf32, #tpu.memory_space<hbm>> -> memref<20000x64xf32, #tpu.memory_space<hbm>>
      tpu.wait_indirect_dma semaphore(%arg19 : memref<!tpu.dma_semaphore, #tpu.memory_space<semaphore_mem>>) src(%dma_wait3A_490 : memref<20000x64xf32, #tpu.memory_space<hbm>>) dst(%dma_wait3A_484 : memref<80x64xf32, #tpu.memory_space<vmem>>)
      %mul3A_491 = arith.constant 5 : i32
      %mul3A_492 = arith.muli %add3A_465, %mul3A_491 : i32
      %add3A_493 = arith.constant 1 : i32
      %add3A_494 = arith.addi %mul3A_492, %add3A_493 : i32
      %mul3A_495 = arith.constant 250 : i32
      %mul3A_496 = arith.muli %arg1, %mul3A_495 : i32
      %add3A_497 = arith.addi %mul3A_496, %add3A_494 : i32
      %dma_wait3A_498 = arith.constant 0 : i32
      %dma_wait3A_499 = tpu.memref_slice %arg4[%add3A_497, %dma_wait3A_498] : memref<4000x80xi32, #tpu.memory_space<hbm>> -> memref<1x80xi32, #tpu.memory_space<hbm>>
      %dma_wait3A_500 = tpu.memref_squeeze %dma_wait3A_499 : memref<1x80xi32, #tpu.memory_space<hbm>> -> memref<80xi32, #tpu.memory_space<hbm>>
      %dma_wait3A_501 = arith.constant 0 : i32
      %dma_wait3A_502 = tpu.memref_slice %arg4[%add3A_497, %dma_wait3A_501] : memref<4000x80xi32, #tpu.memory_space<hbm>> -> memref<1x80xi32, #tpu.memory_space<hbm>>
      %dma_wait3A_503 = tpu.memref_squeeze %dma_wait3A_502 : memref<1x80xi32, #tpu.memory_space<hbm>> -> memref<80xi32, #tpu.memory_space<hbm>>
      tpu.wait_dma2 semaphore(%arg20 : memref<!tpu.dma_semaphore, #tpu.memory_space<semaphore_mem>>) src(%dma_wait3A_503 : memref<80xi32, #tpu.memory_space<hbm>>) dst(%arg13 : memref<80xi32, #tpu.memory_space<vmem>>)
      %dma_wait3A_504 = arith.constant 1 : i32
      %dma_wait3A_505 = arith.constant 1 : i32
      %dma_wait3A_506 = arith.constant 0 : i32
      %dma_wait3A_507 = arith.constant 0 : i32
      %dma_wait3A_508 = tpu.memref_slice %arg17[%dma_wait3A_504, %dma_wait3A_505, %dma_wait3A_506, %dma_wait3A_507] : memref<2x5x80x64xf32, #tpu.memory_space<vmem>> -> memref<1x1x80x64xf32, #tpu.memory_space<vmem>>
      %dma_wait3A_509 = tpu.memref_squeeze %dma_wait3A_508 : memref<1x1x80x64xf32, #tpu.memory_space<vmem>> -> memref<80x64xf32, #tpu.memory_space<vmem>>
      %dma_wait3A_510 = arith.constant 0 : i32
      %dma_wait3A_511 = tpu.memref_slice %arg6[%add3A_494, %dma_wait3A_510] : memref<250x80xi32, #tpu.memory_space<vmem>> -> memref<1x80xi32, #tpu.memory_space<vmem>>
      %dma_wait3A_512 = tpu.memref_squeeze %dma_wait3A_511 : memref<1x80xi32, #tpu.memory_space<vmem>> -> memref<80xi32, #tpu.memory_space<vmem>>
      %dma_wait3A_513 = arith.constant 0 : i32
      %dma_wait3A_514 = arith.constant 0 : i32
      %dma_wait3A_515 = tpu.memref_slice %arg2[%dma_wait3A_513, %dma_wait3A_514] : memref<20000x64xf32, #tpu.memory_space<hbm>> -> memref<20000x64xf32, #tpu.memory_space<hbm>>
      tpu.wait_indirect_dma semaphore(%arg19 : memref<!tpu.dma_semaphore, #tpu.memory_space<semaphore_mem>>) src(%dma_wait3A_515 : memref<20000x64xf32, #tpu.memory_space<hbm>>) dst(%dma_wait3A_509 : memref<80x64xf32, #tpu.memory_space<vmem>>)
      %mul3A_516 = arith.constant 5 : i32
      %mul3A_517 = arith.muli %add3A_465, %mul3A_516 : i32
      %add3A_518 = arith.constant 2 : i32
      %add3A_519 = arith.addi %mul3A_517, %add3A_518 : i32
      %mul3A_520 = arith.constant 250 : i32
      %mul3A_521 = arith.muli %arg1, %mul3A_520 : i32
      %add3A_522 = arith.addi %mul3A_521, %add3A_519 : i32
      %dma_wait3A_523 = arith.constant 0 : i32
      %dma_wait3A_524 = tpu.memref_slice %arg4[%add3A_522, %dma_wait3A_523] : memref<4000x80xi32, #tpu.memory_space<hbm>> -> memref<1x80xi32, #tpu.memory_space<hbm>>
      %dma_wait3A_525 = tpu.memref_squeeze %dma_wait3A_524 : memref<1x80xi32, #tpu.memory_space<hbm>> -> memref<80xi32, #tpu.memory_space<hbm>>
      %dma_wait3A_526 = arith.constant 0 : i32
      %dma_wait3A_527 = tpu.memref_slice %arg4[%add3A_522, %dma_wait3A_526] : memref<4000x80xi32, #tpu.memory_space<hbm>> -> memref<1x80xi32, #tpu.memory_space<hbm>>
      %dma_wait3A_528 = tpu.memref_squeeze %dma_wait3A_527 : memref<1x80xi32, #tpu.memory_space<hbm>> -> memref<80xi32, #tpu.memory_space<hbm>>
      tpu.wait_dma2 semaphore(%arg20 : memref<!tpu.dma_semaphore, #tpu.memory_space<semaphore_mem>>) src(%dma_wait3A_528 : memref<80xi32, #tpu.memory_space<hbm>>) dst(%arg14 : memref<80xi32, #tpu.memory_space<vmem>>)
      %dma_wait3A_529 = arith.constant 1 : i32
      %dma_wait3A_530 = arith.constant 2 : i32
      %dma_wait3A_531 = arith.constant 0 : i32
      %dma_wait3A_532 = arith.constant 0 : i32
      %dma_wait3A_533 = tpu.memref_slice %arg17[%dma_wait3A_529, %dma_wait3A_530, %dma_wait3A_531, %dma_wait3A_532] : memref<2x5x80x64xf32, #tpu.memory_space<vmem>> -> memref<1x1x80x64xf32, #tpu.memory_space<vmem>>
      %dma_wait3A_534 = tpu.memref_squeeze %dma_wait3A_533 : memref<1x1x80x64xf32, #tpu.memory_space<vmem>> -> memref<80x64xf32, #tpu.memory_space<vmem>>
      %dma_wait3A_535 = arith.constant 0 : i32
      %dma_wait3A_536 = tpu.memref_slice %arg6[%add3A_519, %dma_wait3A_535] : memref<250x80xi32, #tpu.memory_space<vmem>> -> memref<1x80xi32, #tpu.memory_space<vmem>>
      %dma_wait3A_537 = tpu.memref_squeeze %dma_wait3A_536 : memref<1x80xi32, #tpu.memory_space<vmem>> -> memref<80xi32, #tpu.memory_space<vmem>>
      %dma_wait3A_538 = arith.constant 0 : i32
      %dma_wait3A_539 = arith.constant 0 : i32
      %dma_wait3A_540 = tpu.memref_slice %arg2[%dma_wait3A_538, %dma_wait3A_539] : memref<20000x64xf32, #tpu.memory_space<hbm>> -> memref<20000x64xf32, #tpu.memory_space<hbm>>
      tpu.wait_indirect_dma semaphore(%arg19 : memref<!tpu.dma_semaphore, #tpu.memory_space<semaphore_mem>>) src(%dma_wait3A_540 : memref<20000x64xf32, #tpu.memory_space<hbm>>) dst(%dma_wait3A_534 : memref<80x64xf32, #tpu.memory_space<vmem>>)
      %mul3A_541 = arith.constant 5 : i32
      %mul3A_542 = arith.muli %add3A_465, %mul3A_541 : i32
      %add3A_543 = arith.constant 3 : i32
      %add3A_544 = arith.addi %mul3A_542, %add3A_543 : i32
      %mul3A_545 = arith.constant 250 : i32
      %mul3A_546 = arith.muli %arg1, %mul3A_545 : i32
      %add3A_547 = arith.addi %mul3A_546, %add3A_544 : i32
      %dma_wait3A_548 = arith.constant 0 : i32
      %dma_wait3A_549 = tpu.memref_slice %arg4[%add3A_547, %dma_wait3A_548] : memref<4000x80xi32, #tpu.memory_space<hbm>> -> memref<1x80xi32, #tpu.memory_space<hbm>>
      %dma_wait3A_550 = tpu.memref_squeeze %dma_wait3A_549 : memref<1x80xi32, #tpu.memory_space<hbm>> -> memref<80xi32, #tpu.memory_space<hbm>>
      %dma_wait3A_551 = arith.constant 0 : i32
      %dma_wait3A_552 = tpu.memref_slice %arg4[%add3A_547, %dma_wait3A_551] : memref<4000x80xi32, #tpu.memory_space<hbm>> -> memref<1x80xi32, #tpu.memory_space<hbm>>
      %dma_wait3A_553 = tpu.memref_squeeze %dma_wait3A_552 : memref<1x80xi32, #tpu.memory_space<hbm>> -> memref<80xi32, #tpu.memory_space<hbm>>
      tpu.wait_dma2 semaphore(%arg20 : memref<!tpu.dma_semaphore, #tpu.memory_space<semaphore_mem>>) src(%dma_wait3A_553 : memref<80xi32, #tpu.memory_space<hbm>>) dst(%arg15 : memref<80xi32, #tpu.memory_space<vmem>>)
      %dma_wait3A_554 = arith.constant 1 : i32
      %dma_wait3A_555 = arith.constant 3 : i32
      %dma_wait3A_556 = arith.constant 0 : i32
      %dma_wait3A_557 = arith.constant 0 : i32
      %dma_wait3A_558 = tpu.memref_slice %arg17[%dma_wait3A_554, %dma_wait3A_555, %dma_wait3A_556, %dma_wait3A_557] : memref<2x5x80x64xf32, #tpu.memory_space<vmem>> -> memref<1x1x80x64xf32, #tpu.memory_space<vmem>>
      %dma_wait3A_559 = tpu.memref_squeeze %dma_wait3A_558 : memref<1x1x80x64xf32, #tpu.memory_space<vmem>> -> memref<80x64xf32, #tpu.memory_space<vmem>>
      %dma_wait3A_560 = arith.constant 0 : i32
      %dma_wait3A_561 = tpu.memref_slice %arg6[%add3A_544, %dma_wait3A_560] : memref<250x80xi32, #tpu.memory_space<vmem>> -> memref<1x80xi32, #tpu.memory_space<vmem>>
      %dma_wait3A_562 = tpu.memref_squeeze %dma_wait3A_561 : memref<1x80xi32, #tpu.memory_space<vmem>> -> memref<80xi32, #tpu.memory_space<vmem>>
      %dma_wait3A_563 = arith.constant 0 : i32
      %dma_wait3A_564 = arith.constant 0 : i32
      %dma_wait3A_565 = tpu.memref_slice %arg2[%dma_wait3A_563, %dma_wait3A_564] : memref<20000x64xf32, #tpu.memory_space<hbm>> -> memref<20000x64xf32, #tpu.memory_space<hbm>>
      tpu.wait_indirect_dma semaphore(%arg19 : memref<!tpu.dma_semaphore, #tpu.memory_space<semaphore_mem>>) src(%dma_wait3A_565 : memref<20000x64xf32, #tpu.memory_space<hbm>>) dst(%dma_wait3A_559 : memref<80x64xf32, #tpu.memory_space<vmem>>)
      %mul3A_566 = arith.constant 5 : i32
      %mul3A_567 = arith.muli %add3A_465, %mul3A_566 : i32
      %add3A_568 = arith.constant 4 : i32
      %add3A_569 = arith.addi %mul3A_567, %add3A_568 : i32
      %mul3A_570 = arith.constant 250 : i32
      %mul3A_571 = arith.muli %arg1, %mul3A_570 : i32
      %add3A_572 = arith.addi %mul3A_571, %add3A_569 : i32
      %dma_wait3A_573 = arith.constant 0 : i32
      %dma_wait3A_574 = tpu.memref_slice %arg4[%add3A_572, %dma_wait3A_573] : memref<4000x80xi32, #tpu.memory_space<hbm>> -> memref<1x80xi32, #tpu.memory_space<hbm>>
      %dma_wait3A_575 = tpu.memref_squeeze %dma_wait3A_574 : memref<1x80xi32, #tpu.memory_space<hbm>> -> memref<80xi32, #tpu.memory_space<hbm>>
      %dma_wait3A_576 = arith.constant 0 : i32
      %dma_wait3A_577 = tpu.memref_slice %arg4[%add3A_572, %dma_wait3A_576] : memref<4000x80xi32, #tpu.memory_space<hbm>> -> memref<1x80xi32, #tpu.memory_space<hbm>>
      %dma_wait3A_578 = tpu.memref_squeeze %dma_wait3A_577 : memref<1x80xi32, #tpu.memory_space<hbm>> -> memref<80xi32, #tpu.memory_space<hbm>>
      tpu.wait_dma2 semaphore(%arg20 : memref<!tpu.dma_semaphore, #tpu.memory_space<semaphore_mem>>) src(%dma_wait3A_578 : memref<80xi32, #tpu.memory_space<hbm>>) dst(%arg16 : memref<80xi32, #tpu.memory_space<vmem>>)
      %dma_wait3A_579 = arith.constant 1 : i32
      %dma_wait3A_580 = arith.constant 4 : i32
      %dma_wait3A_581 = arith.constant 0 : i32
      %dma_wait3A_582 = arith.constant 0 : i32
      %dma_wait3A_583 = tpu.memref_slice %arg17[%dma_wait3A_579, %dma_wait3A_580, %dma_wait3A_581, %dma_wait3A_582] : memref<2x5x80x64xf32, #tpu.memory_space<vmem>> -> memref<1x1x80x64xf32, #tpu.memory_space<vmem>>
      %dma_wait3A_584 = tpu.memref_squeeze %dma_wait3A_583 : memref<1x1x80x64xf32, #tpu.memory_space<vmem>> -> memref<80x64xf32, #tpu.memory_space<vmem>>
      %dma_wait3A_585 = arith.constant 0 : i32
      %dma_wait3A_586 = tpu.memref_slice %arg6[%add3A_569, %dma_wait3A_585] : memref<250x80xi32, #tpu.memory_space<vmem>> -> memref<1x80xi32, #tpu.memory_space<vmem>>
      %dma_wait3A_587 = tpu.memref_squeeze %dma_wait3A_586 : memref<1x80xi32, #tpu.memory_space<vmem>> -> memref<80xi32, #tpu.memory_space<vmem>>
      %dma_wait3A_588 = arith.constant 0 : i32
      %dma_wait3A_589 = arith.constant 0 : i32
      %dma_wait3A_590 = tpu.memref_slice %arg2[%dma_wait3A_588, %dma_wait3A_589] : memref<20000x64xf32, #tpu.memory_space<hbm>> -> memref<20000x64xf32, #tpu.memory_space<hbm>>
      tpu.wait_indirect_dma semaphore(%arg19 : memref<!tpu.dma_semaphore, #tpu.memory_space<semaphore_mem>>) src(%dma_wait3A_590 : memref<20000x64xf32, #tpu.memory_space<hbm>>) dst(%dma_wait3A_584 : memref<80x64xf32, #tpu.memory_space<vmem>>)
      %run_scoped3A_591 = arith.constant 1 : i32
      %run_scoped3A_592 = arith.constant 0 : i32
      "tpu.region"() ({
        %run_scoped3A_602 = tpu.sem_alloc : memref<!tpu.dma_semaphore, #tpu.memory_space<semaphore_mem>>
        %dma_start3A_603 = arith.constant 0 : i32
        %dma_start3A_604 = arith.constant 0 : i32
        %dma_start3A_605 = tpu.memref_slice %arg17[%run_scoped3A_591, %run_scoped3A_592, %dma_start3A_603, %dma_start3A_604] : memref<2x5x80x64xf32, #tpu.memory_space<vmem>> -> memref<1x1x80x64xf32, #tpu.memory_space<vmem>>
        %dma_start3A_606 = tpu.memref_squeeze %dma_start3A_605 : memref<1x1x80x64xf32, #tpu.memory_space<vmem>> -> memref<80x64xf32, #tpu.memory_space<vmem>>
        %dma_start3A_607 = arith.constant 0 : i32
        %dma_start3A_608 = arith.constant 0 : i32
        %dma_start3A_609 = tpu.memref_slice %arg18[%dma_start3A_607, %dma_start3A_608] : memref<10240x64xf32, #tpu.memory_space<vmem_shared>> -> memref<10240x64xf32, #tpu.memory_space<vmem_shared>>
        tpu.enqueue_indirect_dma source(%dma_start3A_606 : memref<80x64xf32, #tpu.memory_space<vmem>>) target(%dma_start3A_609 : memref<10240x64xf32, #tpu.memory_space<vmem_shared>>) offsets(%arg12 : memref<80xi32, #tpu.memory_space<vmem>>) semaphore(%run_scoped3A_602 : memref<!tpu.dma_semaphore, #tpu.memory_space<semaphore_mem>>) {add = true}
        %dma_wait3A_610 = arith.constant 0 : i32
        %dma_wait3A_611 = arith.constant 0 : i32
        %dma_wait3A_612 = tpu.memref_slice %arg17[%run_scoped3A_591, %run_scoped3A_592, %dma_wait3A_610, %dma_wait3A_611] : memref<2x5x80x64xf32, #tpu.memory_space<vmem>> -> memref<1x1x80x64xf32, #tpu.memory_space<vmem>>
        %dma_wait3A_613 = tpu.memref_squeeze %dma_wait3A_612 : memref<1x1x80x64xf32, #tpu.memory_space<vmem>> -> memref<80x64xf32, #tpu.memory_space<vmem>>
        %dma_wait3A_614 = arith.constant 0 : i32
        %dma_wait3A_615 = arith.constant 0 : i32
        %dma_wait3A_616 = tpu.memref_slice %arg18[%dma_wait3A_614, %dma_wait3A_615] : memref<10240x64xf32, #tpu.memory_space<vmem_shared>> -> memref<10240x64xf32, #tpu.memory_space<vmem_shared>>
        tpu.wait_indirect_dma semaphore(%run_scoped3A_602 : memref<!tpu.dma_semaphore, #tpu.memory_space<semaphore_mem>>) src(%dma_wait3A_613 : memref<80x64xf32, #tpu.memory_space<vmem>>) dst(%dma_wait3A_616 : memref<10240x64xf32, #tpu.memory_space<vmem_shared>>)
        tpu.yield
      }) : () -> ()
      %run_scoped3A_593 = arith.constant 1 : i32
      %run_scoped3A_594 = arith.constant 1 : i32
      "tpu.region"() ({
        %run_scoped3A_602 = tpu.sem_alloc : memref<!tpu.dma_semaphore, #tpu.memory_space<semaphore_mem>>
        %dma_start3A_603 = arith.constant 0 : i32
        %dma_start3A_604 = arith.constant 0 : i32
        %dma_start3A_605 = tpu.memref_slice %arg17[%run_scoped3A_593, %run_scoped3A_594, %dma_start3A_603, %dma_start3A_604] : memref<2x5x80x64xf32, #tpu.memory_space<vmem>> -> memref<1x1x80x64xf32, #tpu.memory_space<vmem>>
        %dma_start3A_606 = tpu.memref_squeeze %dma_start3A_605 : memref<1x1x80x64xf32, #tpu.memory_space<vmem>> -> memref<80x64xf32, #tpu.memory_space<vmem>>
        %dma_start3A_607 = arith.constant 0 : i32
        %dma_start3A_608 = arith.constant 0 : i32
        %dma_start3A_609 = tpu.memref_slice %arg18[%dma_start3A_607, %dma_start3A_608] : memref<10240x64xf32, #tpu.memory_space<vmem_shared>> -> memref<10240x64xf32, #tpu.memory_space<vmem_shared>>
        tpu.enqueue_indirect_dma source(%dma_start3A_606 : memref<80x64xf32, #tpu.memory_space<vmem>>) target(%dma_start3A_609 : memref<10240x64xf32, #tpu.memory_space<vmem_shared>>) offsets(%arg13 : memref<80xi32, #tpu.memory_space<vmem>>) semaphore(%run_scoped3A_602 : memref<!tpu.dma_semaphore, #tpu.memory_space<semaphore_mem>>) {add = true}
        %dma_wait3A_610 = arith.constant 0 : i32
        %dma_wait3A_611 = arith.constant 0 : i32
        %dma_wait3A_612 = tpu.memref_slice %arg17[%run_scoped3A_593, %run_scoped3A_594, %dma_wait3A_610, %dma_wait3A_611] : memref<2x5x80x64xf32, #tpu.memory_space<vmem>> -> memref<1x1x80x64xf32, #tpu.memory_space<vmem>>
        %dma_wait3A_613 = tpu.memref_squeeze %dma_wait3A_612 : memref<1x1x80x64xf32, #tpu.memory_space<vmem>> -> memref<80x64xf32, #tpu.memory_space<vmem>>
        %dma_wait3A_614 = arith.constant 0 : i32
        %dma_wait3A_615 = arith.constant 0 : i32
        %dma_wait3A_616 = tpu.memref_slice %arg18[%dma_wait3A_614, %dma_wait3A_615] : memref<10240x64xf32, #tpu.memory_space<vmem_shared>> -> memref<10240x64xf32, #tpu.memory_space<vmem_shared>>
        tpu.wait_indirect_dma semaphore(%run_scoped3A_602 : memref<!tpu.dma_semaphore, #tpu.memory_space<semaphore_mem>>) src(%dma_wait3A_613 : memref<80x64xf32, #tpu.memory_space<vmem>>) dst(%dma_wait3A_616 : memref<10240x64xf32, #tpu.memory_space<vmem_shared>>)
        tpu.yield
      }) : () -> ()
      %run_scoped3A_595 = arith.constant 1 : i32
      %run_scoped3A_596 = arith.constant 2 : i32
      "tpu.region"() ({
        %run_scoped3A_602 = tpu.sem_alloc : memref<!tpu.dma_semaphore, #tpu.memory_space<semaphore_mem>>
        %dma_start3A_603 = arith.constant 0 : i32
        %dma_start3A_604 = arith.constant 0 : i32
        %dma_start3A_605 = tpu.memref_slice %arg17[%run_scoped3A_595, %run_scoped3A_596, %dma_start3A_603, %dma_start3A_604] : memref<2x5x80x64xf32, #tpu.memory_space<vmem>> -> memref<1x1x80x64xf32, #tpu.memory_space<vmem>>
        %dma_start3A_606 = tpu.memref_squeeze %dma_start3A_605 : memref<1x1x80x64xf32, #tpu.memory_space<vmem>> -> memref<80x64xf32, #tpu.memory_space<vmem>>
        %dma_start3A_607 = arith.constant 0 : i32
        %dma_start3A_608 = arith.constant 0 : i32
        %dma_start3A_609 = tpu.memref_slice %arg18[%dma_start3A_607, %dma_start3A_608] : memref<10240x64xf32, #tpu.memory_space<vmem_shared>> -> memref<10240x64xf32, #tpu.memory_space<vmem_shared>>
        tpu.enqueue_indirect_dma source(%dma_start3A_606 : memref<80x64xf32, #tpu.memory_space<vmem>>) target(%dma_start3A_609 : memref<10240x64xf32, #tpu.memory_space<vmem_shared>>) offsets(%arg14 : memref<80xi32, #tpu.memory_space<vmem>>) semaphore(%run_scoped3A_602 : memref<!tpu.dma_semaphore, #tpu.memory_space<semaphore_mem>>) {add = true}
        %dma_wait3A_610 = arith.constant 0 : i32
        %dma_wait3A_611 = arith.constant 0 : i32
        %dma_wait3A_612 = tpu.memref_slice %arg17[%run_scoped3A_595, %run_scoped3A_596, %dma_wait3A_610, %dma_wait3A_611] : memref<2x5x80x64xf32, #tpu.memory_space<vmem>> -> memref<1x1x80x64xf32, #tpu.memory_space<vmem>>
        %dma_wait3A_613 = tpu.memref_squeeze %dma_wait3A_612 : memref<1x1x80x64xf32, #tpu.memory_space<vmem>> -> memref<80x64xf32, #tpu.memory_space<vmem>>
        %dma_wait3A_614 = arith.constant 0 : i32
        %dma_wait3A_615 = arith.constant 0 : i32
        %dma_wait3A_616 = tpu.memref_slice %arg18[%dma_wait3A_614, %dma_wait3A_615] : memref<10240x64xf32, #tpu.memory_space<vmem_shared>> -> memref<10240x64xf32, #tpu.memory_space<vmem_shared>>
        tpu.wait_indirect_dma semaphore(%run_scoped3A_602 : memref<!tpu.dma_semaphore, #tpu.memory_space<semaphore_mem>>) src(%dma_wait3A_613 : memref<80x64xf32, #tpu.memory_space<vmem>>) dst(%dma_wait3A_616 : memref<10240x64xf32, #tpu.memory_space<vmem_shared>>)
        tpu.yield
      }) : () -> ()
      %run_scoped3A_597 = arith.constant 1 : i32
      %run_scoped3A_598 = arith.constant 3 : i32
      "tpu.region"() ({
        %run_scoped3A_602 = tpu.sem_alloc : memref<!tpu.dma_semaphore, #tpu.memory_space<semaphore_mem>>
        %dma_start3A_603 = arith.constant 0 : i32
        %dma_start3A_604 = arith.constant 0 : i32
        %dma_start3A_605 = tpu.memref_slice %arg17[%run_scoped3A_597, %run_scoped3A_598, %dma_start3A_603, %dma_start3A_604] : memref<2x5x80x64xf32, #tpu.memory_space<vmem>> -> memref<1x1x80x64xf32, #tpu.memory_space<vmem>>
        %dma_start3A_606 = tpu.memref_squeeze %dma_start3A_605 : memref<1x1x80x64xf32, #tpu.memory_space<vmem>> -> memref<80x64xf32, #tpu.memory_space<vmem>>
        %dma_start3A_607 = arith.constant 0 : i32
        %dma_start3A_608 = arith.constant 0 : i32
        %dma_start3A_609 = tpu.memref_slice %arg18[%dma_start3A_607, %dma_start3A_608] : memref<10240x64xf32, #tpu.memory_space<vmem_shared>> -> memref<10240x64xf32, #tpu.memory_space<vmem_shared>>
        tpu.enqueue_indirect_dma source(%dma_start3A_606 : memref<80x64xf32, #tpu.memory_space<vmem>>) target(%dma_start3A_609 : memref<10240x64xf32, #tpu.memory_space<vmem_shared>>) offsets(%arg15 : memref<80xi32, #tpu.memory_space<vmem>>) semaphore(%run_scoped3A_602 : memref<!tpu.dma_semaphore, #tpu.memory_space<semaphore_mem>>) {add = true}
        %dma_wait3A_610 = arith.constant 0 : i32
        %dma_wait3A_611 = arith.constant 0 : i32
        %dma_wait3A_612 = tpu.memref_slice %arg17[%run_scoped3A_597, %run_scoped3A_598, %dma_wait3A_610, %dma_wait3A_611] : memref<2x5x80x64xf32, #tpu.memory_space<vmem>> -> memref<1x1x80x64xf32, #tpu.memory_space<vmem>>
        %dma_wait3A_613 = tpu.memref_squeeze %dma_wait3A_612 : memref<1x1x80x64xf32, #tpu.memory_space<vmem>> -> memref<80x64xf32, #tpu.memory_space<vmem>>
        %dma_wait3A_614 = arith.constant 0 : i32
        %dma_wait3A_615 = arith.constant 0 : i32
        %dma_wait3A_616 = tpu.memref_slice %arg18[%dma_wait3A_614, %dma_wait3A_615] : memref<10240x64xf32, #tpu.memory_space<vmem_shared>> -> memref<10240x64xf32, #tpu.memory_space<vmem_shared>>
        tpu.wait_indirect_dma semaphore(%run_scoped3A_602 : memref<!tpu.dma_semaphore, #tpu.memory_space<semaphore_mem>>) src(%dma_wait3A_613 : memref<80x64xf32, #tpu.memory_space<vmem>>) dst(%dma_wait3A_616 : memref<10240x64xf32, #tpu.memory_space<vmem_shared>>)
        tpu.yield
      }) : () -> ()
      %run_scoped3A_599 = arith.constant 1 : i32
      %run_scoped3A_600 = arith.constant 4 : i32
      "tpu.region"() ({
        %run_scoped3A_602 = tpu.sem_alloc : memref<!tpu.dma_semaphore, #tpu.memory_space<semaphore_mem>>
        %dma_start3A_603 = arith.constant 0 : i32
        %dma_start3A_604 = arith.constant 0 : i32
        %dma_start3A_605 = tpu.memref_slice %arg17[%run_scoped3A_599, %run_scoped3A_600, %dma_start3A_603, %dma_start3A_604] : memref<2x5x80x64xf32, #tpu.memory_space<vmem>> -> memref<1x1x80x64xf32, #tpu.memory_space<vmem>>
        %dma_start3A_606 = tpu.memref_squeeze %dma_start3A_605 : memref<1x1x80x64xf32, #tpu.memory_space<vmem>> -> memref<80x64xf32, #tpu.memory_space<vmem>>
        %dma_start3A_607 = arith.constant 0 : i32
        %dma_start3A_608 = arith.constant 0 : i32
        %dma_start3A_609 = tpu.memref_slice %arg18[%dma_start3A_607, %dma_start3A_608] : memref<10240x64xf32, #tpu.memory_space<vmem_shared>> -> memref<10240x64xf32, #tpu.memory_space<vmem_shared>>
        tpu.enqueue_indirect_dma source(%dma_start3A_606 : memref<80x64xf32, #tpu.memory_space<vmem>>) target(%dma_start3A_609 : memref<10240x64xf32, #tpu.memory_space<vmem_shared>>) offsets(%arg16 : memref<80xi32, #tpu.memory_space<vmem>>) semaphore(%run_scoped3A_602 : memref<!tpu.dma_semaphore, #tpu.memory_space<semaphore_mem>>) {add = true}
        %dma_wait3A_610 = arith.constant 0 : i32
        %dma_wait3A_611 = arith.constant 0 : i32
        %dma_wait3A_612 = tpu.memref_slice %arg17[%run_scoped3A_599, %run_scoped3A_600, %dma_wait3A_610, %dma_wait3A_611] : memref<2x5x80x64xf32, #tpu.memory_space<vmem>> -> memref<1x1x80x64xf32, #tpu.memory_space<vmem>>
        %dma_wait3A_613 = tpu.memref_squeeze %dma_wait3A_612 : memref<1x1x80x64xf32, #tpu.memory_space<vmem>> -> memref<80x64xf32, #tpu.memory_space<vmem>>
        %dma_wait3A_614 = arith.constant 0 : i32
        %dma_wait3A_615 = arith.constant 0 : i32
        %dma_wait3A_616 = tpu.memref_slice %arg18[%dma_wait3A_614, %dma_wait3A_615] : memref<10240x64xf32, #tpu.memory_space<vmem_shared>> -> memref<10240x64xf32, #tpu.memory_space<vmem_shared>>
        tpu.wait_indirect_dma semaphore(%run_scoped3A_602 : memref<!tpu.dma_semaphore, #tpu.memory_space<semaphore_mem>>) src(%dma_wait3A_613 : memref<80x64xf32, #tpu.memory_space<vmem>>) dst(%dma_wait3A_616 : memref<10240x64xf32, #tpu.memory_space<vmem_shared>>)
        tpu.yield
      }) : () -> ()
      %scan3A_601 = arith.constant 0 : i32
      scf.yield %scan3A_601 : i32
    }
    %scan3A_184 = arith.constant 25 : i32
    %barrier3A_185 = arith.constant 0 : index
    tpu.barrier barrier_id(%barrier3A_185)
    %mul3A_186 = arith.constant 640 : i32
    %mul3A_187 = arith.muli %arg1, %mul3A_186 : i32
    %mul3A_188 = arith.constant 10240 : i32
    %mul3A_189 = arith.muli %arg0, %mul3A_188 : i32
    %mul3A_190 = arith.constant 640 : i32
    %mul3A_191 = arith.muli %arg1, %mul3A_190 : i32
    %add3A_192 = arith.addi %mul3A_189, %mul3A_191 : i32
    "tpu.region"() ({
      %run_scoped3A_193 = tpu.sem_alloc : memref<!tpu.dma_semaphore, #tpu.memory_space<semaphore_mem>>
      %dma_start3A_194 = arith.constant 0 : i32
      %dma_start3A_195 = tpu.memref_slice %arg5[%add3A_192, %dma_start3A_194] : memref<20480x64xf32, #tpu.memory_space<hbm>> -> memref<640x64xf32, #tpu.memory_space<hbm>>
      %dma_start3A_196 = arith.constant 0 : i32
      %dma_start3A_197 = tpu.memref_slice %arg18[%mul3A_187, %dma_start3A_196] : memref<10240x64xf32, #tpu.memory_space<vmem_shared>> -> memref<640x64xf32, #tpu.memory_space<vmem_shared>>
      tpu.enqueue_dma source(%dma_start3A_197 : memref<640x64xf32, #tpu.memory_space<vmem_shared>>) target(%dma_start3A_195 : memref<640x64xf32, #tpu.memory_space<hbm>>) target_semaphore(%run_scoped3A_193 : memref<!tpu.dma_semaphore, #tpu.memory_space<semaphore_mem>>)
      %dma_wait3A = arith.constant 0 : i32
      %dma_wait3A_198 = tpu.memref_slice %arg5[%add3A_192, %dma_wait3A] : memref<20480x64xf32, #tpu.memory_space<hbm>> -> memref<640x64xf32, #tpu.memory_space<hbm>>
      %dma_wait3A_199 = arith.constant 0 : i32
      %dma_wait3A_200 = tpu.memref_slice %arg18[%mul3A_187, %dma_wait3A_199] : memref<10240x64xf32, #tpu.memory_space<vmem_shared>> -> memref<640x64xf32, #tpu.memory_space<vmem_shared>>
      tpu.wait_dma2 semaphore(%run_scoped3A_193 : memref<!tpu.dma_semaphore, #tpu.memory_space<semaphore_mem>>) src(%dma_wait3A_200 : memref<640x64xf32, #tpu.memory_space<vmem_shared>>) dst(%dma_wait3A_198 : memref<640x64xf32, #tpu.memory_space<hbm>>)
      tpu.yield
    }) : () -> ()
    return
  }
}

#map = affine_map<(d0, d1) -> (0, 0)>
module attributes {stable_mosaic.version = 14 : i64} {
  func.func @_deg_kernel(%arg0: i32, %arg1: i32, %arg2: memref<8000x40xi32, #tpu.memory_space<hbm>>, %arg3: memref<20480x16xf32, #tpu.memory_space<hbm>>, %arg4: memref<40xi32, #tpu.memory_space<vmem>>, %arg5: memref<40xi32, #tpu.memory_space<vmem>>, %arg6: memref<40xi32, #tpu.memory_space<vmem>>, %arg7: memref<40xi32, #tpu.memory_space<vmem>>, %arg8: memref<40xi32, #tpu.memory_space<vmem>>, %arg9: memref<40xi32, #tpu.memory_space<vmem>>, %arg10: memref<40xi32, #tpu.memory_space<vmem>>, %arg11: memref<40xi32, #tpu.memory_space<vmem>>, %arg12: memref<40xi32, #tpu.memory_space<vmem>>, %arg13: memref<40xi32, #tpu.memory_space<vmem>>, %arg14: memref<40x16xf32, #tpu.memory_space<vmem>>, %arg15: memref<128x16xf32, #tpu.memory_space<vmem>>, %arg16: memref<10240x16xf32, #tpu.memory_space<vmem_shared>>, %arg17: memref<!tpu.dma_semaphore, #tpu.memory_space<semaphore_mem>>) attributes {dimension_semantics = [#tpu.dimension_semantics<core_parallel>, #tpu.dimension_semantics<subcore_parallel>], iteration_bounds = array<i64: 2, 16>, scalar_prefetch = 0 : i64, scratch_operands = 14 : i64, tpu.core_type = #tpu.core_type<sc_vector_subcore>, window_params = [{transform_indices = #map}, {transform_indices = #map}]} {
    %mul3A = arith.constant 16 : i32
    %mul3A_0 = arith.muli %arg0, %mul3A : i32
    %add3A = arith.addi %mul3A_0, %arg1 : i32
    %iota3A = tpu.iota {dimensions = array<i32: 0>} : vector<16xi32>
    %eq3A = arith.constant 0 : i32
    %eq3A_1 = vector.broadcast %eq3A : i32 to vector<16xi32>
    %eq3A_2 = arith.cmpi eq, %iota3A, %eq3A_1 : vector<16xi32>
    %jit3A = arith.constant 1.000000e+00 : f32
    %jit3A_3 = arith.constant 0.000000e+00 : f32
    %broadcast_in_dim3A = vector.broadcast %jit3A : f32 to vector<16xf32>
    %broadcast_in_dim3A_4 = vector.broadcast %jit3A_3 : f32 to vector<16xf32>
    %select_n3A = arith.select %eq3A_2, %broadcast_in_dim3A, %broadcast_in_dim3A_4 : vector<16xi1>, vector<16xf32>
    %broadcast_in_dim3A_5 = arith.constant 0.000000e+00 : f32
    %broadcast_in_dim3A_6 = vector.broadcast %broadcast_in_dim3A_5 : f32 to vector<16xf32>
    %scan3A = arith.constant 0 : i32
    %scan3A_7 = arith.constant 0 : i32
    %scan3A_8 = arith.constant 40 : i32
    %scan3A_9 = arith.addi %scan3A_7, %scan3A_8 : i32
    %scan3A_10 = arith.constant 1 : i32
    %scan3A_11 = scf.for %scan3A_114 = %scan3A_7 to %scan3A_9 step %scan3A_10 iter_args(%scan3A_115 = %scan3A) -> (i32)  : i32 {
      %swap3A = arith.index_cast %scan3A_114 : i32 to index
      %swap3A_116 = arith.constant 0 : index
      %swap3A_117 = tpu.vector_load %arg14[%swap3A, %swap3A_116] {strides = array<i32>} : memref<40x16xf32, #tpu.memory_space<vmem>>, vector<1x16xf32>,
      %swap3A_118 = vector.shape_cast %swap3A_117 : vector<1x16xf32> to vector<16xf32>
      %swap3A_119 = vector.shape_cast %select_n3A : vector<16xf32> to vector<1x16xf32>
      tpu.vector_store %arg14[%swap3A, %swap3A_116], %swap3A_119 {strides = array<i32>} : memref<40x16xf32, #tpu.memory_space<vmem>>, vector<1x16xf32>,
      %scan3A_120 = arith.constant 0 : i32
      scf.yield %scan3A_120 : i32
    }
    %scan3A_12 = arith.constant 40 : i32
    %scan3A_13 = arith.constant 0 : i32
    %scan3A_14 = arith.constant 0 : i32
    %scan3A_15 = arith.constant 128 : i32
    %scan3A_16 = arith.addi %scan3A_14, %scan3A_15 : i32
    %scan3A_17 = arith.constant 1 : i32
    %scan3A_18 = scf.for %scan3A_114 = %scan3A_14 to %scan3A_16 step %scan3A_17 iter_args(%scan3A_115 = %scan3A_13) -> (i32)  : i32 {
      %swap3A = arith.index_cast %scan3A_114 : i32 to index
      %swap3A_116 = arith.constant 0 : index
      %swap3A_117 = tpu.vector_load %arg15[%swap3A, %swap3A_116] {strides = array<i32>} : memref<128x16xf32, #tpu.memory_space<vmem>>, vector<1x16xf32>,
      %swap3A_118 = vector.shape_cast %swap3A_117 : vector<1x16xf32> to vector<16xf32>
      %swap3A_119 = vector.shape_cast %broadcast_in_dim3A_6 : vector<16xf32> to vector<1x16xf32>
      tpu.vector_store %arg15[%swap3A, %swap3A_116], %swap3A_119 {strides = array<i32>} : memref<128x16xf32, #tpu.memory_space<vmem>>, vector<1x16xf32>,
      %scan3A_120 = arith.constant 0 : i32
      scf.yield %scan3A_120 : i32
    }
    %scan3A_19 = arith.constant 128 : i32
    %mul3A_20 = arith.constant 640 : i32
    %mul3A_21 = arith.muli %arg1, %mul3A_20 : i32
    %add3A_22 = arith.constant 0 : i32
    %add3A_23 = arith.addi %mul3A_21, %add3A_22 : i32
    "tpu.region"() ({
      %run_scoped3A = tpu.sem_alloc : memref<!tpu.dma_semaphore, #tpu.memory_space<semaphore_mem>>
      %dma_start3A_114 = arith.constant 0 : i32
      %dma_start3A_115 = tpu.memref_slice %arg16[%add3A_23, %dma_start3A_114] : memref<10240x16xf32, #tpu.memory_space<vmem_shared>> -> memref<128x16xf32, #tpu.memory_space<vmem_shared>>
      %dma_start3A_116 = arith.constant 0 : i32
      %dma_start3A_117 = tpu.memref_slice %arg16[%add3A_23, %dma_start3A_116] : memref<10240x16xf32, #tpu.memory_space<vmem_shared>> -> memref<128x16xf32, #tpu.memory_space<vmem_shared>>
      tpu.enqueue_dma source(%arg15 : memref<128x16xf32, #tpu.memory_space<vmem>>) target(%dma_start3A_117 : memref<128x16xf32, #tpu.memory_space<vmem_shared>>) target_semaphore(%run_scoped3A : memref<!tpu.dma_semaphore, #tpu.memory_space<semaphore_mem>>)
      %dma_wait3A = arith.constant 0 : i32
      %dma_wait3A_118 = tpu.memref_slice %arg16[%add3A_23, %dma_wait3A] : memref<10240x16xf32, #tpu.memory_space<vmem_shared>> -> memref<128x16xf32, #tpu.memory_space<vmem_shared>>
      %dma_wait3A_119 = arith.constant 0 : i32
      %dma_wait3A_120 = tpu.memref_slice %arg16[%add3A_23, %dma_wait3A_119] : memref<10240x16xf32, #tpu.memory_space<vmem_shared>> -> memref<128x16xf32, #tpu.memory_space<vmem_shared>>
      tpu.wait_dma2 semaphore(%run_scoped3A : memref<!tpu.dma_semaphore, #tpu.memory_space<semaphore_mem>>) src(%arg15 : memref<128x16xf32, #tpu.memory_space<vmem>>) dst(%dma_wait3A_120 : memref<128x16xf32, #tpu.memory_space<vmem_shared>>)
      tpu.yield
    }) : () -> ()
    %mul3A_24 = arith.constant 640 : i32
    %mul3A_25 = arith.muli %arg1, %mul3A_24 : i32
    %add3A_26 = arith.constant 128 : i32
    %add3A_27 = arith.addi %mul3A_25, %add3A_26 : i32
    "tpu.region"() ({
      %run_scoped3A = tpu.sem_alloc : memref<!tpu.dma_semaphore, #tpu.memory_space<semaphore_mem>>
      %dma_start3A_114 = arith.constant 0 : i32
      %dma_start3A_115 = tpu.memref_slice %arg16[%add3A_27, %dma_start3A_114] : memref<10240x16xf32, #tpu.memory_space<vmem_shared>> -> memref<128x16xf32, #tpu.memory_space<vmem_shared>>
      %dma_start3A_116 = arith.constant 0 : i32
      %dma_start3A_117 = tpu.memref_slice %arg16[%add3A_27, %dma_start3A_116] : memref<10240x16xf32, #tpu.memory_space<vmem_shared>> -> memref<128x16xf32, #tpu.memory_space<vmem_shared>>
      tpu.enqueue_dma source(%arg15 : memref<128x16xf32, #tpu.memory_space<vmem>>) target(%dma_start3A_117 : memref<128x16xf32, #tpu.memory_space<vmem_shared>>) target_semaphore(%run_scoped3A : memref<!tpu.dma_semaphore, #tpu.memory_space<semaphore_mem>>)
      %dma_wait3A = arith.constant 0 : i32
      %dma_wait3A_118 = tpu.memref_slice %arg16[%add3A_27, %dma_wait3A] : memref<10240x16xf32, #tpu.memory_space<vmem_shared>> -> memref<128x16xf32, #tpu.memory_space<vmem_shared>>
      %dma_wait3A_119 = arith.constant 0 : i32
      %dma_wait3A_120 = tpu.memref_slice %arg16[%add3A_27, %dma_wait3A_119] : memref<10240x16xf32, #tpu.memory_space<vmem_shared>> -> memref<128x16xf32, #tpu.memory_space<vmem_shared>>
      tpu.wait_dma2 semaphore(%run_scoped3A : memref<!tpu.dma_semaphore, #tpu.memory_space<semaphore_mem>>) src(%arg15 : memref<128x16xf32, #tpu.memory_space<vmem>>) dst(%dma_wait3A_120 : memref<128x16xf32, #tpu.memory_space<vmem_shared>>)
      tpu.yield
    }) : () -> ()
    %mul3A_28 = arith.constant 640 : i32
    %mul3A_29 = arith.muli %arg1, %mul3A_28 : i32
    %add3A_30 = arith.constant 256 : i32
    %add3A_31 = arith.addi %mul3A_29, %add3A_30 : i32
    "tpu.region"() ({
      %run_scoped3A = tpu.sem_alloc : memref<!tpu.dma_semaphore, #tpu.memory_space<semaphore_mem>>
      %dma_start3A_114 = arith.constant 0 : i32
      %dma_start3A_115 = tpu.memref_slice %arg16[%add3A_31, %dma_start3A_114] : memref<10240x16xf32, #tpu.memory_space<vmem_shared>> -> memref<128x16xf32, #tpu.memory_space<vmem_shared>>
      %dma_start3A_116 = arith.constant 0 : i32
      %dma_start3A_117 = tpu.memref_slice %arg16[%add3A_31, %dma_start3A_116] : memref<10240x16xf32, #tpu.memory_space<vmem_shared>> -> memref<128x16xf32, #tpu.memory_space<vmem_shared>>
      tpu.enqueue_dma source(%arg15 : memref<128x16xf32, #tpu.memory_space<vmem>>) target(%dma_start3A_117 : memref<128x16xf32, #tpu.memory_space<vmem_shared>>) target_semaphore(%run_scoped3A : memref<!tpu.dma_semaphore, #tpu.memory_space<semaphore_mem>>)
      %dma_wait3A = arith.constant 0 : i32
      %dma_wait3A_118 = tpu.memref_slice %arg16[%add3A_31, %dma_wait3A] : memref<10240x16xf32, #tpu.memory_space<vmem_shared>> -> memref<128x16xf32, #tpu.memory_space<vmem_shared>>
      %dma_wait3A_119 = arith.constant 0 : i32
      %dma_wait3A_120 = tpu.memref_slice %arg16[%add3A_31, %dma_wait3A_119] : memref<10240x16xf32, #tpu.memory_space<vmem_shared>> -> memref<128x16xf32, #tpu.memory_space<vmem_shared>>
      tpu.wait_dma2 semaphore(%run_scoped3A : memref<!tpu.dma_semaphore, #tpu.memory_space<semaphore_mem>>) src(%arg15 : memref<128x16xf32, #tpu.memory_space<vmem>>) dst(%dma_wait3A_120 : memref<128x16xf32, #tpu.memory_space<vmem_shared>>)
      tpu.yield
    }) : () -> ()
    %mul3A_32 = arith.constant 640 : i32
    %mul3A_33 = arith.muli %arg1, %mul3A_32 : i32
    %add3A_34 = arith.constant 384 : i32
    %add3A_35 = arith.addi %mul3A_33, %add3A_34 : i32
    "tpu.region"() ({
      %run_scoped3A = tpu.sem_alloc : memref<!tpu.dma_semaphore, #tpu.memory_space<semaphore_mem>>
      %dma_start3A_114 = arith.constant 0 : i32
      %dma_start3A_115 = tpu.memref_slice %arg16[%add3A_35, %dma_start3A_114] : memref<10240x16xf32, #tpu.memory_space<vmem_shared>> -> memref<128x16xf32, #tpu.memory_space<vmem_shared>>
      %dma_start3A_116 = arith.constant 0 : i32
      %dma_start3A_117 = tpu.memref_slice %arg16[%add3A_35, %dma_start3A_116] : memref<10240x16xf32, #tpu.memory_space<vmem_shared>> -> memref<128x16xf32, #tpu.memory_space<vmem_shared>>
      tpu.enqueue_dma source(%arg15 : memref<128x16xf32, #tpu.memory_space<vmem>>) target(%dma_start3A_117 : memref<128x16xf32, #tpu.memory_space<vmem_shared>>) target_semaphore(%run_scoped3A : memref<!tpu.dma_semaphore, #tpu.memory_space<semaphore_mem>>)
      %dma_wait3A = arith.constant 0 : i32
      %dma_wait3A_118 = tpu.memref_slice %arg16[%add3A_35, %dma_wait3A] : memref<10240x16xf32, #tpu.memory_space<vmem_shared>> -> memref<128x16xf32, #tpu.memory_space<vmem_shared>>
      %dma_wait3A_119 = arith.constant 0 : i32
      %dma_wait3A_120 = tpu.memref_slice %arg16[%add3A_35, %dma_wait3A_119] : memref<10240x16xf32, #tpu.memory_space<vmem_shared>> -> memref<128x16xf32, #tpu.memory_space<vmem_shared>>
      tpu.wait_dma2 semaphore(%run_scoped3A : memref<!tpu.dma_semaphore, #tpu.memory_space<semaphore_mem>>) src(%arg15 : memref<128x16xf32, #tpu.memory_space<vmem>>) dst(%dma_wait3A_120 : memref<128x16xf32, #tpu.memory_space<vmem_shared>>)
      tpu.yield
    }) : () -> ()
    %mul3A_36 = arith.constant 640 : i32
    %mul3A_37 = arith.muli %arg1, %mul3A_36 : i32
    %add3A_38 = arith.constant 512 : i32
    %add3A_39 = arith.addi %mul3A_37, %add3A_38 : i32
    "tpu.region"() ({
      %run_scoped3A = tpu.sem_alloc : memref<!tpu.dma_semaphore, #tpu.memory_space<semaphore_mem>>
      %dma_start3A_114 = arith.constant 0 : i32
      %dma_start3A_115 = tpu.memref_slice %arg16[%add3A_39, %dma_start3A_114] : memref<10240x16xf32, #tpu.memory_space<vmem_shared>> -> memref<128x16xf32, #tpu.memory_space<vmem_shared>>
      %dma_start3A_116 = arith.constant 0 : i32
      %dma_start3A_117 = tpu.memref_slice %arg16[%add3A_39, %dma_start3A_116] : memref<10240x16xf32, #tpu.memory_space<vmem_shared>> -> memref<128x16xf32, #tpu.memory_space<vmem_shared>>
      tpu.enqueue_dma source(%arg15 : memref<128x16xf32, #tpu.memory_space<vmem>>) target(%dma_start3A_117 : memref<128x16xf32, #tpu.memory_space<vmem_shared>>) target_semaphore(%run_scoped3A : memref<!tpu.dma_semaphore, #tpu.memory_space<semaphore_mem>>)
      %dma_wait3A = arith.constant 0 : i32
      %dma_wait3A_118 = tpu.memref_slice %arg16[%add3A_39, %dma_wait3A] : memref<10240x16xf32, #tpu.memory_space<vmem_shared>> -> memref<128x16xf32, #tpu.memory_space<vmem_shared>>
      %dma_wait3A_119 = arith.constant 0 : i32
      %dma_wait3A_120 = tpu.memref_slice %arg16[%add3A_39, %dma_wait3A_119] : memref<10240x16xf32, #tpu.memory_space<vmem_shared>> -> memref<128x16xf32, #tpu.memory_space<vmem_shared>>
      tpu.wait_dma2 semaphore(%run_scoped3A : memref<!tpu.dma_semaphore, #tpu.memory_space<semaphore_mem>>) src(%arg15 : memref<128x16xf32, #tpu.memory_space<vmem>>) dst(%dma_wait3A_120 : memref<128x16xf32, #tpu.memory_space<vmem_shared>>)
      tpu.yield
    }) : () -> ()
    %barrier3A = arith.constant 0 : index
    tpu.barrier barrier_id(%barrier3A)
    %mul3A_40 = arith.constant 250 : i32
    %mul3A_41 = arith.muli %add3A, %mul3A_40 : i32
    %add3A_42 = arith.constant 0 : i32
    %add3A_43 = arith.addi %mul3A_41, %add3A_42 : i32
    %add3A_44 = arith.constant 0 : i32
    %add3A_45 = arith.addi %add3A_43, %add3A_44 : i32
    %dma_start3A = arith.constant 0 : i32
    %dma_start3A_46 = tpu.memref_slice %arg2[%add3A_45, %dma_start3A] : memref<8000x40xi32, #tpu.memory_space<hbm>> -> memref<1x40xi32, #tpu.memory_space<hbm>>
    %dma_start3A_47 = tpu.memref_squeeze %dma_start3A_46 : memref<1x40xi32, #tpu.memory_space<hbm>> -> memref<40xi32, #tpu.memory_space<hbm>>
    %dma_start3A_48 = arith.constant 0 : i32
    %dma_start3A_49 = tpu.memref_slice %arg2[%add3A_45, %dma_start3A_48] : memref<8000x40xi32, #tpu.memory_space<hbm>> -> memref<1x40xi32, #tpu.memory_space<hbm>>
    %dma_start3A_50 = tpu.memref_squeeze %dma_start3A_49 : memref<1x40xi32, #tpu.memory_space<hbm>> -> memref<40xi32, #tpu.memory_space<hbm>>
    tpu.enqueue_dma source(%dma_start3A_50 : memref<40xi32, #tpu.memory_space<hbm>>) target(%arg4 : memref<40xi32, #tpu.memory_space<vmem>>) target_semaphore(%arg17 : memref<!tpu.dma_semaphore, #tpu.memory_space<semaphore_mem>>)
    %mul3A_51 = arith.constant 250 : i32
    %mul3A_52 = arith.muli %add3A, %mul3A_51 : i32
    %add3A_53 = arith.constant 0 : i32
    %add3A_54 = arith.addi %mul3A_52, %add3A_53 : i32
    %add3A_55 = arith.constant 1 : i32
    %add3A_56 = arith.addi %add3A_54, %add3A_55 : i32
    %dma_start3A_57 = arith.constant 0 : i32
    %dma_start3A_58 = tpu.memref_slice %arg2[%add3A_56, %dma_start3A_57] : memref<8000x40xi32, #tpu.memory_space<hbm>> -> memref<1x40xi32, #tpu.memory_space<hbm>>
    %dma_start3A_59 = tpu.memref_squeeze %dma_start3A_58 : memref<1x40xi32, #tpu.memory_space<hbm>> -> memref<40xi32, #tpu.memory_space<hbm>>
    %dma_start3A_60 = arith.constant 0 : i32
    %dma_start3A_61 = tpu.memref_slice %arg2[%add3A_56, %dma_start3A_60] : memref<8000x40xi32, #tpu.memory_space<hbm>> -> memref<1x40xi32, #tpu.memory_space<hbm>>
    %dma_start3A_62 = tpu.memref_squeeze %dma_start3A_61 : memref<1x40xi32, #tpu.memory_space<hbm>> -> memref<40xi32, #tpu.memory_space<hbm>>
    tpu.enqueue_dma source(%dma_start3A_62 : memref<40xi32, #tpu.memory_space<hbm>>) target(%arg5 : memref<40xi32, #tpu.memory_space<vmem>>) target_semaphore(%arg17 : memref<!tpu.dma_semaphore, #tpu.memory_space<semaphore_mem>>)
    %mul3A_63 = arith.constant 250 : i32
    %mul3A_64 = arith.muli %add3A, %mul3A_63 : i32
    %add3A_65 = arith.constant 0 : i32
    %add3A_66 = arith.addi %mul3A_64, %add3A_65 : i32
    %add3A_67 = arith.constant 2 : i32
    %add3A_68 = arith.addi %add3A_66, %add3A_67 : i32
    %dma_start3A_69 = arith.constant 0 : i32
    %dma_start3A_70 = tpu.memref_slice %arg2[%add3A_68, %dma_start3A_69] : memref<8000x40xi32, #tpu.memory_space<hbm>> -> memref<1x40xi32, #tpu.memory_space<hbm>>
    %dma_start3A_71 = tpu.memref_squeeze %dma_start3A_70 : memref<1x40xi32, #tpu.memory_space<hbm>> -> memref<40xi32, #tpu.memory_space<hbm>>
    %dma_start3A_72 = arith.constant 0 : i32
    %dma_start3A_73 = tpu.memref_slice %arg2[%add3A_68, %dma_start3A_72] : memref<8000x40xi32, #tpu.memory_space<hbm>> -> memref<1x40xi32, #tpu.memory_space<hbm>>
    %dma_start3A_74 = tpu.memref_squeeze %dma_start3A_73 : memref<1x40xi32, #tpu.memory_space<hbm>> -> memref<40xi32, #tpu.memory_space<hbm>>
    tpu.enqueue_dma source(%dma_start3A_74 : memref<40xi32, #tpu.memory_space<hbm>>) target(%arg6 : memref<40xi32, #tpu.memory_space<vmem>>) target_semaphore(%arg17 : memref<!tpu.dma_semaphore, #tpu.memory_space<semaphore_mem>>)
    %mul3A_75 = arith.constant 250 : i32
    %mul3A_76 = arith.muli %add3A, %mul3A_75 : i32
    %add3A_77 = arith.constant 0 : i32
    %add3A_78 = arith.addi %mul3A_76, %add3A_77 : i32
    %add3A_79 = arith.constant 3 : i32
    %add3A_80 = arith.addi %add3A_78, %add3A_79 : i32
    %dma_start3A_81 = arith.constant 0 : i32
    %dma_start3A_82 = tpu.memref_slice %arg2[%add3A_80, %dma_start3A_81] : memref<8000x40xi32, #tpu.memory_space<hbm>> -> memref<1x40xi32, #tpu.memory_space<hbm>>
    %dma_start3A_83 = tpu.memref_squeeze %dma_start3A_82 : memref<1x40xi32, #tpu.memory_space<hbm>> -> memref<40xi32, #tpu.memory_space<hbm>>
    %dma_start3A_84 = arith.constant 0 : i32
    %dma_start3A_85 = tpu.memref_slice %arg2[%add3A_80, %dma_start3A_84] : memref<8000x40xi32, #tpu.memory_space<hbm>> -> memref<1x40xi32, #tpu.memory_space<hbm>>
    %dma_start3A_86 = tpu.memref_squeeze %dma_start3A_85 : memref<1x40xi32, #tpu.memory_space<hbm>> -> memref<40xi32, #tpu.memory_space<hbm>>
    tpu.enqueue_dma source(%dma_start3A_86 : memref<40xi32, #tpu.memory_space<hbm>>) target(%arg7 : memref<40xi32, #tpu.memory_space<vmem>>) target_semaphore(%arg17 : memref<!tpu.dma_semaphore, #tpu.memory_space<semaphore_mem>>)
    %mul3A_87 = arith.constant 250 : i32
    %mul3A_88 = arith.muli %add3A, %mul3A_87 : i32
    %add3A_89 = arith.constant 0 : i32
    %add3A_90 = arith.addi %mul3A_88, %add3A_89 : i32
    %add3A_91 = arith.constant 4 : i32
    %add3A_92 = arith.addi %add3A_90, %add3A_91 : i32
    %dma_start3A_93 = arith.constant 0 : i32
    %dma_start3A_94 = tpu.memref_slice %arg2[%add3A_92, %dma_start3A_93] : memref<8000x40xi32, #tpu.memory_space<hbm>> -> memref<1x40xi32, #tpu.memory_space<hbm>>
    %dma_start3A_95 = tpu.memref_squeeze %dma_start3A_94 : memref<1x40xi32, #tpu.memory_space<hbm>> -> memref<40xi32, #tpu.memory_space<hbm>>
    %dma_start3A_96 = arith.constant 0 : i32
    %dma_start3A_97 = tpu.memref_slice %arg2[%add3A_92, %dma_start3A_96] : memref<8000x40xi32, #tpu.memory_space<hbm>> -> memref<1x40xi32, #tpu.memory_space<hbm>>
    %dma_start3A_98 = tpu.memref_squeeze %dma_start3A_97 : memref<1x40xi32, #tpu.memory_space<hbm>> -> memref<40xi32, #tpu.memory_space<hbm>>
    tpu.enqueue_dma source(%dma_start3A_98 : memref<40xi32, #tpu.memory_space<hbm>>) target(%arg8 : memref<40xi32, #tpu.memory_space<vmem>>) target_semaphore(%arg17 : memref<!tpu.dma_semaphore, #tpu.memory_space<semaphore_mem>>)
    %scan3A_99 = arith.constant 0 : i32
    %scan3A_100 = arith.constant 0 : i32
    %scan3A_101 = arith.constant 25 : i32
    %scan3A_102 = arith.addi %scan3A_100, %scan3A_101 : i32
    %scan3A_103 = arith.constant 1 : i32
    %scan3A_104 = scf.for %scan3A_114 = %scan3A_100 to %scan3A_102 step %scan3A_103 iter_args(%scan3A_115 = %scan3A_99) -> (i32)  : i32 {
      %mul3A_116 = arith.constant 2 : i32
      %mul3A_117 = arith.muli %mul3A_116, %scan3A_114 : i32
      %add3A_118 = arith.constant 1 : i32
      %add3A_119 = arith.addi %mul3A_117, %add3A_118 : i32
      %mul3A_120 = arith.constant 250 : i32
      %mul3A_121 = arith.muli %add3A, %mul3A_120 : i32
      %mul3A_122 = arith.constant 5 : i32
      %mul3A_123 = arith.muli %add3A_119, %mul3A_122 : i32
      %add3A_124 = arith.addi %mul3A_121, %mul3A_123 : i32
      %add3A_125 = arith.constant 0 : i32
      %add3A_126 = arith.addi %add3A_124, %add3A_125 : i32
      %dma_start3A_127 = arith.constant 0 : i32
      %dma_start3A_128 = tpu.memref_slice %arg2[%add3A_126, %dma_start3A_127] : memref<8000x40xi32, #tpu.memory_space<hbm>> -> memref<1x40xi32, #tpu.memory_space<hbm>>
      %dma_start3A_129 = tpu.memref_squeeze %dma_start3A_128 : memref<1x40xi32, #tpu.memory_space<hbm>> -> memref<40xi32, #tpu.memory_space<hbm>>
      %dma_start3A_130 = arith.constant 0 : i32
      %dma_start3A_131 = tpu.memref_slice %arg2[%add3A_126, %dma_start3A_130] : memref<8000x40xi32, #tpu.memory_space<hbm>> -> memref<1x40xi32, #tpu.memory_space<hbm>>
      %dma_start3A_132 = tpu.memref_squeeze %dma_start3A_131 : memref<1x40xi32, #tpu.memory_space<hbm>> -> memref<40xi32, #tpu.memory_space<hbm>>
      tpu.enqueue_dma source(%dma_start3A_132 : memref<40xi32, #tpu.memory_space<hbm>>) target(%arg9 : memref<40xi32, #tpu.memory_space<vmem>>) target_semaphore(%arg17 : memref<!tpu.dma_semaphore, #tpu.memory_space<semaphore_mem>>)
      %mul3A_133 = arith.constant 250 : i32
      %mul3A_134 = arith.muli %add3A, %mul3A_133 : i32
      %mul3A_135 = arith.constant 5 : i32
      %mul3A_136 = arith.muli %add3A_119, %mul3A_135 : i32
      %add3A_137 = arith.addi %mul3A_134, %mul3A_136 : i32
      %add3A_138 = arith.constant 1 : i32
      %add3A_139 = arith.addi %add3A_137, %add3A_138 : i32
      %dma_start3A_140 = arith.constant 0 : i32
      %dma_start3A_141 = tpu.memref_slice %arg2[%add3A_139, %dma_start3A_140] : memref<8000x40xi32, #tpu.memory_space<hbm>> -> memref<1x40xi32, #tpu.memory_space<hbm>>
      %dma_start3A_142 = tpu.memref_squeeze %dma_start3A_141 : memref<1x40xi32, #tpu.memory_space<hbm>> -> memref<40xi32, #tpu.memory_space<hbm>>
      %dma_start3A_143 = arith.constant 0 : i32
      %dma_start3A_144 = tpu.memref_slice %arg2[%add3A_139, %dma_start3A_143] : memref<8000x40xi32, #tpu.memory_space<hbm>> -> memref<1x40xi32, #tpu.memory_space<hbm>>
      %dma_start3A_145 = tpu.memref_squeeze %dma_start3A_144 : memref<1x40xi32, #tpu.memory_space<hbm>> -> memref<40xi32, #tpu.memory_space<hbm>>
      tpu.enqueue_dma source(%dma_start3A_145 : memref<40xi32, #tpu.memory_space<hbm>>) target(%arg10 : memref<40xi32, #tpu.memory_space<vmem>>) target_semaphore(%arg17 : memref<!tpu.dma_semaphore, #tpu.memory_space<semaphore_mem>>)
      %mul3A_146 = arith.constant 250 : i32
      %mul3A_147 = arith.muli %add3A, %mul3A_146 : i32
      %mul3A_148 = arith.constant 5 : i32
      %mul3A_149 = arith.muli %add3A_119, %mul3A_148 : i32
      %add3A_150 = arith.addi %mul3A_147, %mul3A_149 : i32
      %add3A_151 = arith.constant 2 : i32
      %add3A_152 = arith.addi %add3A_150, %add3A_151 : i32
      %dma_start3A_153 = arith.constant 0 : i32
      %dma_start3A_154 = tpu.memref_slice %arg2[%add3A_152, %dma_start3A_153] : memref<8000x40xi32, #tpu.memory_space<hbm>> -> memref<1x40xi32, #tpu.memory_space<hbm>>
      %dma_start3A_155 = tpu.memref_squeeze %dma_start3A_154 : memref<1x40xi32, #tpu.memory_space<hbm>> -> memref<40xi32, #tpu.memory_space<hbm>>
      %dma_start3A_156 = arith.constant 0 : i32
      %dma_start3A_157 = tpu.memref_slice %arg2[%add3A_152, %dma_start3A_156] : memref<8000x40xi32, #tpu.memory_space<hbm>> -> memref<1x40xi32, #tpu.memory_space<hbm>>
      %dma_start3A_158 = tpu.memref_squeeze %dma_start3A_157 : memref<1x40xi32, #tpu.memory_space<hbm>> -> memref<40xi32, #tpu.memory_space<hbm>>
      tpu.enqueue_dma source(%dma_start3A_158 : memref<40xi32, #tpu.memory_space<hbm>>) target(%arg11 : memref<40xi32, #tpu.memory_space<vmem>>) target_semaphore(%arg17 : memref<!tpu.dma_semaphore, #tpu.memory_space<semaphore_mem>>)
      %mul3A_159 = arith.constant 250 : i32
      %mul3A_160 = arith.muli %add3A, %mul3A_159 : i32
      %mul3A_161 = arith.constant 5 : i32
      %mul3A_162 = arith.muli %add3A_119, %mul3A_161 : i32
      %add3A_163 = arith.addi %mul3A_160, %mul3A_162 : i32
      %add3A_164 = arith.constant 3 : i32
      %add3A_165 = arith.addi %add3A_163, %add3A_164 : i32
      %dma_start3A_166 = arith.constant 0 : i32
      %dma_start3A_167 = tpu.memref_slice %arg2[%add3A_165, %dma_start3A_166] : memref<8000x40xi32, #tpu.memory_space<hbm>> -> memref<1x40xi32, #tpu.memory_space<hbm>>
      %dma_start3A_168 = tpu.memref_squeeze %dma_start3A_167 : memref<1x40xi32, #tpu.memory_space<hbm>> -> memref<40xi32, #tpu.memory_space<hbm>>
      %dma_start3A_169 = arith.constant 0 : i32
      %dma_start3A_170 = tpu.memref_slice %arg2[%add3A_165, %dma_start3A_169] : memref<8000x40xi32, #tpu.memory_space<hbm>> -> memref<1x40xi32, #tpu.memory_space<hbm>>
      %dma_start3A_171 = tpu.memref_squeeze %dma_start3A_170 : memref<1x40xi32, #tpu.memory_space<hbm>> -> memref<40xi32, #tpu.memory_space<hbm>>
      tpu.enqueue_dma source(%dma_start3A_171 : memref<40xi32, #tpu.memory_space<hbm>>) target(%arg12 : memref<40xi32, #tpu.memory_space<vmem>>) target_semaphore(%arg17 : memref<!tpu.dma_semaphore, #tpu.memory_space<semaphore_mem>>)
      %mul3A_172 = arith.constant 250 : i32
      %mul3A_173 = arith.muli %add3A, %mul3A_172 : i32
      %mul3A_174 = arith.constant 5 : i32
      %mul3A_175 = arith.muli %add3A_119, %mul3A_174 : i32
      %add3A_176 = arith.addi %mul3A_173, %mul3A_175 : i32
      %add3A_177 = arith.constant 4 : i32
      %add3A_178 = arith.addi %add3A_176, %add3A_177 : i32
      %dma_start3A_179 = arith.constant 0 : i32
      %dma_start3A_180 = tpu.memref_slice %arg2[%add3A_178, %dma_start3A_179] : memref<8000x40xi32, #tpu.memory_space<hbm>> -> memref<1x40xi32, #tpu.memory_space<hbm>>
      %dma_start3A_181 = tpu.memref_squeeze %dma_start3A_180 : memref<1x40xi32, #tpu.memory_space<hbm>> -> memref<40xi32, #tpu.memory_space<hbm>>
      %dma_start3A_182 = arith.constant 0 : i32
      %dma_start3A_183 = tpu.memref_slice %arg2[%add3A_178, %dma_start3A_182] : memref<8000x40xi32, #tpu.memory_space<hbm>> -> memref<1x40xi32, #tpu.memory_space<hbm>>
      %dma_start3A_184 = tpu.memref_squeeze %dma_start3A_183 : memref<1x40xi32, #tpu.memory_space<hbm>> -> memref<40xi32, #tpu.memory_space<hbm>>
      tpu.enqueue_dma source(%dma_start3A_184 : memref<40xi32, #tpu.memory_space<hbm>>) target(%arg13 : memref<40xi32, #tpu.memory_space<vmem>>) target_semaphore(%arg17 : memref<!tpu.dma_semaphore, #tpu.memory_space<semaphore_mem>>)
      %mul3A_185 = arith.constant 2 : i32
      %mul3A_186 = arith.muli %mul3A_185, %scan3A_114 : i32
      %mul3A_187 = arith.constant 250 : i32
      %mul3A_188 = arith.muli %add3A, %mul3A_187 : i32
      %mul3A_189 = arith.constant 5 : i32
      %mul3A_190 = arith.muli %mul3A_186, %mul3A_189 : i32
      %add3A_191 = arith.addi %mul3A_188, %mul3A_190 : i32
      %add3A_192 = arith.constant 0 : i32
      %add3A_193 = arith.addi %add3A_191, %add3A_192 : i32
      %dma_wait3A = arith.constant 0 : i32
      %dma_wait3A_194 = tpu.memref_slice %arg2[%add3A_193, %dma_wait3A] : memref<8000x40xi32, #tpu.memory_space<hbm>> -> memref<1x40xi32, #tpu.memory_space<hbm>>
      %dma_wait3A_195 = tpu.memref_squeeze %dma_wait3A_194 : memref<1x40xi32, #tpu.memory_space<hbm>> -> memref<40xi32, #tpu.memory_space<hbm>>
      %dma_wait3A_196 = arith.constant 0 : i32
      %dma_wait3A_197 = tpu.memref_slice %arg2[%add3A_193, %dma_wait3A_196] : memref<8000x40xi32, #tpu.memory_space<hbm>> -> memref<1x40xi32, #tpu.memory_space<hbm>>
      %dma_wait3A_198 = tpu.memref_squeeze %dma_wait3A_197 : memref<1x40xi32, #tpu.memory_space<hbm>> -> memref<40xi32, #tpu.memory_space<hbm>>
      tpu.wait_dma2 semaphore(%arg17 : memref<!tpu.dma_semaphore, #tpu.memory_space<semaphore_mem>>) src(%dma_wait3A_198 : memref<40xi32, #tpu.memory_space<hbm>>) dst(%arg4 : memref<40xi32, #tpu.memory_space<vmem>>)
      %mul3A_199 = arith.constant 250 : i32
      %mul3A_200 = arith.muli %add3A, %mul3A_199 : i32
      %mul3A_201 = arith.constant 5 : i32
      %mul3A_202 = arith.muli %mul3A_186, %mul3A_201 : i32
      %add3A_203 = arith.addi %mul3A_200, %mul3A_202 : i32
      %add3A_204 = arith.constant 1 : i32
      %add3A_205 = arith.addi %add3A_203, %add3A_204 : i32
      %dma_wait3A_206 = arith.constant 0 : i32
      %dma_wait3A_207 = tpu.memref_slice %arg2[%add3A_205, %dma_wait3A_206] : memref<8000x40xi32, #tpu.memory_space<hbm>> -> memref<1x40xi32, #tpu.memory_space<hbm>>
      %dma_wait3A_208 = tpu.memref_squeeze %dma_wait3A_207 : memref<1x40xi32, #tpu.memory_space<hbm>> -> memref<40xi32, #tpu.memory_space<hbm>>
      %dma_wait3A_209 = arith.constant 0 : i32
      %dma_wait3A_210 = tpu.memref_slice %arg2[%add3A_205, %dma_wait3A_209] : memref<8000x40xi32, #tpu.memory_space<hbm>> -> memref<1x40xi32, #tpu.memory_space<hbm>>
      %dma_wait3A_211 = tpu.memref_squeeze %dma_wait3A_210 : memref<1x40xi32, #tpu.memory_space<hbm>> -> memref<40xi32, #tpu.memory_space<hbm>>
      tpu.wait_dma2 semaphore(%arg17 : memref<!tpu.dma_semaphore, #tpu.memory_space<semaphore_mem>>) src(%dma_wait3A_211 : memref<40xi32, #tpu.memory_space<hbm>>) dst(%arg5 : memref<40xi32, #tpu.memory_space<vmem>>)
      %mul3A_212 = arith.constant 250 : i32
      %mul3A_213 = arith.muli %add3A, %mul3A_212 : i32
      %mul3A_214 = arith.constant 5 : i32
      %mul3A_215 = arith.muli %mul3A_186, %mul3A_214 : i32
      %add3A_216 = arith.addi %mul3A_213, %mul3A_215 : i32
      %add3A_217 = arith.constant 2 : i32
      %add3A_218 = arith.addi %add3A_216, %add3A_217 : i32
      %dma_wait3A_219 = arith.constant 0 : i32
      %dma_wait3A_220 = tpu.memref_slice %arg2[%add3A_218, %dma_wait3A_219] : memref<8000x40xi32, #tpu.memory_space<hbm>> -> memref<1x40xi32, #tpu.memory_space<hbm>>
      %dma_wait3A_221 = tpu.memref_squeeze %dma_wait3A_220 : memref<1x40xi32, #tpu.memory_space<hbm>> -> memref<40xi32, #tpu.memory_space<hbm>>
      %dma_wait3A_222 = arith.constant 0 : i32
      %dma_wait3A_223 = tpu.memref_slice %arg2[%add3A_218, %dma_wait3A_222] : memref<8000x40xi32, #tpu.memory_space<hbm>> -> memref<1x40xi32, #tpu.memory_space<hbm>>
      %dma_wait3A_224 = tpu.memref_squeeze %dma_wait3A_223 : memref<1x40xi32, #tpu.memory_space<hbm>> -> memref<40xi32, #tpu.memory_space<hbm>>
      tpu.wait_dma2 semaphore(%arg17 : memref<!tpu.dma_semaphore, #tpu.memory_space<semaphore_mem>>) src(%dma_wait3A_224 : memref<40xi32, #tpu.memory_space<hbm>>) dst(%arg6 : memref<40xi32, #tpu.memory_space<vmem>>)
      %mul3A_225 = arith.constant 250 : i32
      %mul3A_226 = arith.muli %add3A, %mul3A_225 : i32
      %mul3A_227 = arith.constant 5 : i32
      %mul3A_228 = arith.muli %mul3A_186, %mul3A_227 : i32
      %add3A_229 = arith.addi %mul3A_226, %mul3A_228 : i32
      %add3A_230 = arith.constant 3 : i32
      %add3A_231 = arith.addi %add3A_229, %add3A_230 : i32
      %dma_wait3A_232 = arith.constant 0 : i32
      %dma_wait3A_233 = tpu.memref_slice %arg2[%add3A_231, %dma_wait3A_232] : memref<8000x40xi32, #tpu.memory_space<hbm>> -> memref<1x40xi32, #tpu.memory_space<hbm>>
      %dma_wait3A_234 = tpu.memref_squeeze %dma_wait3A_233 : memref<1x40xi32, #tpu.memory_space<hbm>> -> memref<40xi32, #tpu.memory_space<hbm>>
      %dma_wait3A_235 = arith.constant 0 : i32
      %dma_wait3A_236 = tpu.memref_slice %arg2[%add3A_231, %dma_wait3A_235] : memref<8000x40xi32, #tpu.memory_space<hbm>> -> memref<1x40xi32, #tpu.memory_space<hbm>>
      %dma_wait3A_237 = tpu.memref_squeeze %dma_wait3A_236 : memref<1x40xi32, #tpu.memory_space<hbm>> -> memref<40xi32, #tpu.memory_space<hbm>>
      tpu.wait_dma2 semaphore(%arg17 : memref<!tpu.dma_semaphore, #tpu.memory_space<semaphore_mem>>) src(%dma_wait3A_237 : memref<40xi32, #tpu.memory_space<hbm>>) dst(%arg7 : memref<40xi32, #tpu.memory_space<vmem>>)
      %mul3A_238 = arith.constant 250 : i32
      %mul3A_239 = arith.muli %add3A, %mul3A_238 : i32
      %mul3A_240 = arith.constant 5 : i32
      %mul3A_241 = arith.muli %mul3A_186, %mul3A_240 : i32
      %add3A_242 = arith.addi %mul3A_239, %mul3A_241 : i32
      %add3A_243 = arith.constant 4 : i32
      %add3A_244 = arith.addi %add3A_242, %add3A_243 : i32
      %dma_wait3A_245 = arith.constant 0 : i32
      %dma_wait3A_246 = tpu.memref_slice %arg2[%add3A_244, %dma_wait3A_245] : memref<8000x40xi32, #tpu.memory_space<hbm>> -> memref<1x40xi32, #tpu.memory_space<hbm>>
      %dma_wait3A_247 = tpu.memref_squeeze %dma_wait3A_246 : memref<1x40xi32, #tpu.memory_space<hbm>> -> memref<40xi32, #tpu.memory_space<hbm>>
      %dma_wait3A_248 = arith.constant 0 : i32
      %dma_wait3A_249 = tpu.memref_slice %arg2[%add3A_244, %dma_wait3A_248] : memref<8000x40xi32, #tpu.memory_space<hbm>> -> memref<1x40xi32, #tpu.memory_space<hbm>>
      %dma_wait3A_250 = tpu.memref_squeeze %dma_wait3A_249 : memref<1x40xi32, #tpu.memory_space<hbm>> -> memref<40xi32, #tpu.memory_space<hbm>>
      tpu.wait_dma2 semaphore(%arg17 : memref<!tpu.dma_semaphore, #tpu.memory_space<semaphore_mem>>) src(%dma_wait3A_250 : memref<40xi32, #tpu.memory_space<hbm>>) dst(%arg8 : memref<40xi32, #tpu.memory_space<vmem>>)
      "tpu.region"() ({
        %run_scoped3A = tpu.sem_alloc : memref<!tpu.dma_semaphore, #tpu.memory_space<semaphore_mem>>
        %dma_start3A_323 = arith.constant 0 : i32
        %dma_start3A_324 = arith.constant 0 : i32
        %dma_start3A_325 = tpu.memref_slice %arg16[%dma_start3A_323, %dma_start3A_324] : memref<10240x16xf32, #tpu.memory_space<vmem_shared>> -> memref<10240x16xf32, #tpu.memory_space<vmem_shared>>
        tpu.enqueue_indirect_dma source(%arg14 : memref<40x16xf32, #tpu.memory_space<vmem>>) target(%dma_start3A_325 : memref<10240x16xf32, #tpu.memory_space<vmem_shared>>) offsets(%arg4 : memref<40xi32, #tpu.memory_space<vmem>>) semaphore(%run_scoped3A : memref<!tpu.dma_semaphore, #tpu.memory_space<semaphore_mem>>) {add = true}
        %dma_wait3A_326 = arith.constant 0 : i32
        %dma_wait3A_327 = arith.constant 0 : i32
        %dma_wait3A_328 = tpu.memref_slice %arg16[%dma_wait3A_326, %dma_wait3A_327] : memref<10240x16xf32, #tpu.memory_space<vmem_shared>> -> memref<10240x16xf32, #tpu.memory_space<vmem_shared>>
        tpu.wait_indirect_dma semaphore(%run_scoped3A : memref<!tpu.dma_semaphore, #tpu.memory_space<semaphore_mem>>) src(%arg14 : memref<40x16xf32, #tpu.memory_space<vmem>>) dst(%dma_wait3A_328 : memref<10240x16xf32, #tpu.memory_space<vmem_shared>>)
        tpu.yield
      }) : () -> ()
      "tpu.region"() ({
        %run_scoped3A = tpu.sem_alloc : memref<!tpu.dma_semaphore, #tpu.memory_space<semaphore_mem>>
        %dma_start3A_323 = arith.constant 0 : i32
        %dma_start3A_324 = arith.constant 0 : i32
        %dma_start3A_325 = tpu.memref_slice %arg16[%dma_start3A_323, %dma_start3A_324] : memref<10240x16xf32, #tpu.memory_space<vmem_shared>> -> memref<10240x16xf32, #tpu.memory_space<vmem_shared>>
        tpu.enqueue_indirect_dma source(%arg14 : memref<40x16xf32, #tpu.memory_space<vmem>>) target(%dma_start3A_325 : memref<10240x16xf32, #tpu.memory_space<vmem_shared>>) offsets(%arg5 : memref<40xi32, #tpu.memory_space<vmem>>) semaphore(%run_scoped3A : memref<!tpu.dma_semaphore, #tpu.memory_space<semaphore_mem>>) {add = true}
        %dma_wait3A_326 = arith.constant 0 : i32
        %dma_wait3A_327 = arith.constant 0 : i32
        %dma_wait3A_328 = tpu.memref_slice %arg16[%dma_wait3A_326, %dma_wait3A_327] : memref<10240x16xf32, #tpu.memory_space<vmem_shared>> -> memref<10240x16xf32, #tpu.memory_space<vmem_shared>>
        tpu.wait_indirect_dma semaphore(%run_scoped3A : memref<!tpu.dma_semaphore, #tpu.memory_space<semaphore_mem>>) src(%arg14 : memref<40x16xf32, #tpu.memory_space<vmem>>) dst(%dma_wait3A_328 : memref<10240x16xf32, #tpu.memory_space<vmem_shared>>)
        tpu.yield
      }) : () -> ()
      "tpu.region"() ({
        %run_scoped3A = tpu.sem_alloc : memref<!tpu.dma_semaphore, #tpu.memory_space<semaphore_mem>>
        %dma_start3A_323 = arith.constant 0 : i32
        %dma_start3A_324 = arith.constant 0 : i32
        %dma_start3A_325 = tpu.memref_slice %arg16[%dma_start3A_323, %dma_start3A_324] : memref<10240x16xf32, #tpu.memory_space<vmem_shared>> -> memref<10240x16xf32, #tpu.memory_space<vmem_shared>>
        tpu.enqueue_indirect_dma source(%arg14 : memref<40x16xf32, #tpu.memory_space<vmem>>) target(%dma_start3A_325 : memref<10240x16xf32, #tpu.memory_space<vmem_shared>>) offsets(%arg6 : memref<40xi32, #tpu.memory_space<vmem>>) semaphore(%run_scoped3A : memref<!tpu.dma_semaphore, #tpu.memory_space<semaphore_mem>>) {add = true}
        %dma_wait3A_326 = arith.constant 0 : i32
        %dma_wait3A_327 = arith.constant 0 : i32
        %dma_wait3A_328 = tpu.memref_slice %arg16[%dma_wait3A_326, %dma_wait3A_327] : memref<10240x16xf32, #tpu.memory_space<vmem_shared>> -> memref<10240x16xf32, #tpu.memory_space<vmem_shared>>
        tpu.wait_indirect_dma semaphore(%run_scoped3A : memref<!tpu.dma_semaphore, #tpu.memory_space<semaphore_mem>>) src(%arg14 : memref<40x16xf32, #tpu.memory_space<vmem>>) dst(%dma_wait3A_328 : memref<10240x16xf32, #tpu.memory_space<vmem_shared>>)
        tpu.yield
      }) : () -> ()
      "tpu.region"() ({
        %run_scoped3A = tpu.sem_alloc : memref<!tpu.dma_semaphore, #tpu.memory_space<semaphore_mem>>
        %dma_start3A_323 = arith.constant 0 : i32
        %dma_start3A_324 = arith.constant 0 : i32
        %dma_start3A_325 = tpu.memref_slice %arg16[%dma_start3A_323, %dma_start3A_324] : memref<10240x16xf32, #tpu.memory_space<vmem_shared>> -> memref<10240x16xf32, #tpu.memory_space<vmem_shared>>
        tpu.enqueue_indirect_dma source(%arg14 : memref<40x16xf32, #tpu.memory_space<vmem>>) target(%dma_start3A_325 : memref<10240x16xf32, #tpu.memory_space<vmem_shared>>) offsets(%arg7 : memref<40xi32, #tpu.memory_space<vmem>>) semaphore(%run_scoped3A : memref<!tpu.dma_semaphore, #tpu.memory_space<semaphore_mem>>) {add = true}
        %dma_wait3A_326 = arith.constant 0 : i32
        %dma_wait3A_327 = arith.constant 0 : i32
        %dma_wait3A_328 = tpu.memref_slice %arg16[%dma_wait3A_326, %dma_wait3A_327] : memref<10240x16xf32, #tpu.memory_space<vmem_shared>> -> memref<10240x16xf32, #tpu.memory_space<vmem_shared>>
        tpu.wait_indirect_dma semaphore(%run_scoped3A : memref<!tpu.dma_semaphore, #tpu.memory_space<semaphore_mem>>) src(%arg14 : memref<40x16xf32, #tpu.memory_space<vmem>>) dst(%dma_wait3A_328 : memref<10240x16xf32, #tpu.memory_space<vmem_shared>>)
        tpu.yield
      }) : () -> ()
      "tpu.region"() ({
        %run_scoped3A = tpu.sem_alloc : memref<!tpu.dma_semaphore, #tpu.memory_space<semaphore_mem>>
        %dma_start3A_323 = arith.constant 0 : i32
        %dma_start3A_324 = arith.constant 0 : i32
        %dma_start3A_325 = tpu.memref_slice %arg16[%dma_start3A_323, %dma_start3A_324] : memref<10240x16xf32, #tpu.memory_space<vmem_shared>> -> memref<10240x16xf32, #tpu.memory_space<vmem_shared>>
        tpu.enqueue_indirect_dma source(%arg14 : memref<40x16xf32, #tpu.memory_space<vmem>>) target(%dma_start3A_325 : memref<10240x16xf32, #tpu.memory_space<vmem_shared>>) offsets(%arg8 : memref<40xi32, #tpu.memory_space<vmem>>) semaphore(%run_scoped3A : memref<!tpu.dma_semaphore, #tpu.memory_space<semaphore_mem>>) {add = true}
        %dma_wait3A_326 = arith.constant 0 : i32
        %dma_wait3A_327 = arith.constant 0 : i32
        %dma_wait3A_328 = tpu.memref_slice %arg16[%dma_wait3A_326, %dma_wait3A_327] : memref<10240x16xf32, #tpu.memory_space<vmem_shared>> -> memref<10240x16xf32, #tpu.memory_space<vmem_shared>>
        tpu.wait_indirect_dma semaphore(%run_scoped3A : memref<!tpu.dma_semaphore, #tpu.memory_space<semaphore_mem>>) src(%arg14 : memref<40x16xf32, #tpu.memory_space<vmem>>) dst(%dma_wait3A_328 : memref<10240x16xf32, #tpu.memory_space<vmem_shared>>)
        tpu.yield
      }) : () -> ()
      %lt3A = arith.constant 24 : i32
      %lt3A_251 = arith.cmpi slt, %scan3A_114, %lt3A : i32
      %convert_element_type3A = arith.extui %lt3A_251 : i1 to i32
      %cond3A = arith.constant 0 : i32
      %cond3A_252 = arith.cmpi ne, %convert_element_type3A, %cond3A : i32
      scf.if %cond3A_252 {
        %mul3A_323 = arith.constant 2 : i32
        %mul3A_324 = arith.muli %mul3A_323, %scan3A_114 : i32
        %add3A_325 = arith.constant 2 : i32
        %add3A_326 = arith.addi %mul3A_324, %add3A_325 : i32
        %mul3A_327 = arith.constant 250 : i32
        %mul3A_328 = arith.muli %add3A, %mul3A_327 : i32
        %mul3A_329 = arith.constant 5 : i32
        %mul3A_330 = arith.muli %add3A_326, %mul3A_329 : i32
        %add3A_331 = arith.addi %mul3A_328, %mul3A_330 : i32
        %add3A_332 = arith.constant 0 : i32
        %add3A_333 = arith.addi %add3A_331, %add3A_332 : i32
        %dma_start3A_334 = arith.constant 0 : i32
        %dma_start3A_335 = tpu.memref_slice %arg2[%add3A_333, %dma_start3A_334] : memref<8000x40xi32, #tpu.memory_space<hbm>> -> memref<1x40xi32, #tpu.memory_space<hbm>>
        %dma_start3A_336 = tpu.memref_squeeze %dma_start3A_335 : memref<1x40xi32, #tpu.memory_space<hbm>> -> memref<40xi32, #tpu.memory_space<hbm>>
        %dma_start3A_337 = arith.constant 0 : i32
        %dma_start3A_338 = tpu.memref_slice %arg2[%add3A_333, %dma_start3A_337] : memref<8000x40xi32, #tpu.memory_space<hbm>> -> memref<1x40xi32, #tpu.memory_space<hbm>>
        %dma_start3A_339 = tpu.memref_squeeze %dma_start3A_338 : memref<1x40xi32, #tpu.memory_space<hbm>> -> memref<40xi32, #tpu.memory_space<hbm>>
        tpu.enqueue_dma source(%dma_start3A_339 : memref<40xi32, #tpu.memory_space<hbm>>) target(%arg4 : memref<40xi32, #tpu.memory_space<vmem>>) target_semaphore(%arg17 : memref<!tpu.dma_semaphore, #tpu.memory_space<semaphore_mem>>)
        %mul3A_340 = arith.constant 250 : i32
        %mul3A_341 = arith.muli %add3A, %mul3A_340 : i32
        %mul3A_342 = arith.constant 5 : i32
        %mul3A_343 = arith.muli %add3A_326, %mul3A_342 : i32
        %add3A_344 = arith.addi %mul3A_341, %mul3A_343 : i32
        %add3A_345 = arith.constant 1 : i32
        %add3A_346 = arith.addi %add3A_344, %add3A_345 : i32
        %dma_start3A_347 = arith.constant 0 : i32
        %dma_start3A_348 = tpu.memref_slice %arg2[%add3A_346, %dma_start3A_347] : memref<8000x40xi32, #tpu.memory_space<hbm>> -> memref<1x40xi32, #tpu.memory_space<hbm>>
        %dma_start3A_349 = tpu.memref_squeeze %dma_start3A_348 : memref<1x40xi32, #tpu.memory_space<hbm>> -> memref<40xi32, #tpu.memory_space<hbm>>
        %dma_start3A_350 = arith.constant 0 : i32
        %dma_start3A_351 = tpu.memref_slice %arg2[%add3A_346, %dma_start3A_350] : memref<8000x40xi32, #tpu.memory_space<hbm>> -> memref<1x40xi32, #tpu.memory_space<hbm>>
        %dma_start3A_352 = tpu.memref_squeeze %dma_start3A_351 : memref<1x40xi32, #tpu.memory_space<hbm>> -> memref<40xi32, #tpu.memory_space<hbm>>
        tpu.enqueue_dma source(%dma_start3A_352 : memref<40xi32, #tpu.memory_space<hbm>>) target(%arg5 : memref<40xi32, #tpu.memory_space<vmem>>) target_semaphore(%arg17 : memref<!tpu.dma_semaphore, #tpu.memory_space<semaphore_mem>>)
        %mul3A_353 = arith.constant 250 : i32
        %mul3A_354 = arith.muli %add3A, %mul3A_353 : i32
        %mul3A_355 = arith.constant 5 : i32
        %mul3A_356 = arith.muli %add3A_326, %mul3A_355 : i32
        %add3A_357 = arith.addi %mul3A_354, %mul3A_356 : i32
        %add3A_358 = arith.constant 2 : i32
        %add3A_359 = arith.addi %add3A_357, %add3A_358 : i32
        %dma_start3A_360 = arith.constant 0 : i32
        %dma_start3A_361 = tpu.memref_slice %arg2[%add3A_359, %dma_start3A_360] : memref<8000x40xi32, #tpu.memory_space<hbm>> -> memref<1x40xi32, #tpu.memory_space<hbm>>
        %dma_start3A_362 = tpu.memref_squeeze %dma_start3A_361 : memref<1x40xi32, #tpu.memory_space<hbm>> -> memref<40xi32, #tpu.memory_space<hbm>>
        %dma_start3A_363 = arith.constant 0 : i32
        %dma_start3A_364 = tpu.memref_slice %arg2[%add3A_359, %dma_start3A_363] : memref<8000x40xi32, #tpu.memory_space<hbm>> -> memref<1x40xi32, #tpu.memory_space<hbm>>
        %dma_start3A_365 = tpu.memref_squeeze %dma_start3A_364 : memref<1x40xi32, #tpu.memory_space<hbm>> -> memref<40xi32, #tpu.memory_space<hbm>>
        tpu.enqueue_dma source(%dma_start3A_365 : memref<40xi32, #tpu.memory_space<hbm>>) target(%arg6 : memref<40xi32, #tpu.memory_space<vmem>>) target_semaphore(%arg17 : memref<!tpu.dma_semaphore, #tpu.memory_space<semaphore_mem>>)
        %mul3A_366 = arith.constant 250 : i32
        %mul3A_367 = arith.muli %add3A, %mul3A_366 : i32
        %mul3A_368 = arith.constant 5 : i32
        %mul3A_369 = arith.muli %add3A_326, %mul3A_368 : i32
        %add3A_370 = arith.addi %mul3A_367, %mul3A_369 : i32
        %add3A_371 = arith.constant 3 : i32
        %add3A_372 = arith.addi %add3A_370, %add3A_371 : i32
        %dma_start3A_373 = arith.constant 0 : i32
        %dma_start3A_374 = tpu.memref_slice %arg2[%add3A_372, %dma_start3A_373] : memref<8000x40xi32, #tpu.memory_space<hbm>> -> memref<1x40xi32, #tpu.memory_space<hbm>>
        %dma_start3A_375 = tpu.memref_squeeze %dma_start3A_374 : memref<1x40xi32, #tpu.memory_space<hbm>> -> memref<40xi32, #tpu.memory_space<hbm>>
        %dma_start3A_376 = arith.constant 0 : i32
        %dma_start3A_377 = tpu.memref_slice %arg2[%add3A_372, %dma_start3A_376] : memref<8000x40xi32, #tpu.memory_space<hbm>> -> memref<1x40xi32, #tpu.memory_space<hbm>>
        %dma_start3A_378 = tpu.memref_squeeze %dma_start3A_377 : memref<1x40xi32, #tpu.memory_space<hbm>> -> memref<40xi32, #tpu.memory_space<hbm>>
        tpu.enqueue_dma source(%dma_start3A_378 : memref<40xi32, #tpu.memory_space<hbm>>) target(%arg7 : memref<40xi32, #tpu.memory_space<vmem>>) target_semaphore(%arg17 : memref<!tpu.dma_semaphore, #tpu.memory_space<semaphore_mem>>)
        %mul3A_379 = arith.constant 250 : i32
        %mul3A_380 = arith.muli %add3A, %mul3A_379 : i32
        %mul3A_381 = arith.constant 5 : i32
        %mul3A_382 = arith.muli %add3A_326, %mul3A_381 : i32
        %add3A_383 = arith.addi %mul3A_380, %mul3A_382 : i32
        %add3A_384 = arith.constant 4 : i32
        %add3A_385 = arith.addi %add3A_383, %add3A_384 : i32
        %dma_start3A_386 = arith.constant 0 : i32
        %dma_start3A_387 = tpu.memref_slice %arg2[%add3A_385, %dma_start3A_386] : memref<8000x40xi32, #tpu.memory_space<hbm>> -> memref<1x40xi32, #tpu.memory_space<hbm>>
        %dma_start3A_388 = tpu.memref_squeeze %dma_start3A_387 : memref<1x40xi32, #tpu.memory_space<hbm>> -> memref<40xi32, #tpu.memory_space<hbm>>
        %dma_start3A_389 = arith.constant 0 : i32
        %dma_start3A_390 = tpu.memref_slice %arg2[%add3A_385, %dma_start3A_389] : memref<8000x40xi32, #tpu.memory_space<hbm>> -> memref<1x40xi32, #tpu.memory_space<hbm>>
        %dma_start3A_391 = tpu.memref_squeeze %dma_start3A_390 : memref<1x40xi32, #tpu.memory_space<hbm>> -> memref<40xi32, #tpu.memory_space<hbm>>
        tpu.enqueue_dma source(%dma_start3A_391 : memref<40xi32, #tpu.memory_space<hbm>>) target(%arg8 : memref<40xi32, #tpu.memory_space<vmem>>) target_semaphore(%arg17 : memref<!tpu.dma_semaphore, #tpu.memory_space<semaphore_mem>>)
      } else {
      }
      %mul3A_253 = arith.constant 2 : i32
      %mul3A_254 = arith.muli %mul3A_253, %scan3A_114 : i32
      %add3A_255 = arith.constant 1 : i32
      %add3A_256 = arith.addi %mul3A_254, %add3A_255 : i32
      %mul3A_257 = arith.constant 250 : i32
      %mul3A_258 = arith.muli %add3A, %mul3A_257 : i32
      %mul3A_259 = arith.constant 5 : i32
      %mul3A_260 = arith.muli %add3A_256, %mul3A_259 : i32
      %add3A_261 = arith.addi %mul3A_258, %mul3A_260 : i32
      %add3A_262 = arith.constant 0 : i32
      %add3A_263 = arith.addi %add3A_261, %add3A_262 : i32
      %dma_wait3A_264 = arith.constant 0 : i32
      %dma_wait3A_265 = tpu.memref_slice %arg2[%add3A_263, %dma_wait3A_264] : memref<8000x40xi32, #tpu.memory_space<hbm>> -> memref<1x40xi32, #tpu.memory_space<hbm>>
      %dma_wait3A_266 = tpu.memref_squeeze %dma_wait3A_265 : memref<1x40xi32, #tpu.memory_space<hbm>> -> memref<40xi32, #tpu.memory_space<hbm>>
      %dma_wait3A_267 = arith.constant 0 : i32
      %dma_wait3A_268 = tpu.memref_slice %arg2[%add3A_263, %dma_wait3A_267] : memref<8000x40xi32, #tpu.memory_space<hbm>> -> memref<1x40xi32, #tpu.memory_space<hbm>>
      %dma_wait3A_269 = tpu.memref_squeeze %dma_wait3A_268 : memref<1x40xi32, #tpu.memory_space<hbm>> -> memref<40xi32, #tpu.memory_space<hbm>>
      tpu.wait_dma2 semaphore(%arg17 : memref<!tpu.dma_semaphore, #tpu.memory_space<semaphore_mem>>) src(%dma_wait3A_269 : memref<40xi32, #tpu.memory_space<hbm>>) dst(%arg9 : memref<40xi32, #tpu.memory_space<vmem>>)
      %mul3A_270 = arith.constant 250 : i32
      %mul3A_271 = arith.muli %add3A, %mul3A_270 : i32
      %mul3A_272 = arith.constant 5 : i32
      %mul3A_273 = arith.muli %add3A_256, %mul3A_272 : i32
      %add3A_274 = arith.addi %mul3A_271, %mul3A_273 : i32
      %add3A_275 = arith.constant 1 : i32
      %add3A_276 = arith.addi %add3A_274, %add3A_275 : i32
      %dma_wait3A_277 = arith.constant 0 : i32
      %dma_wait3A_278 = tpu.memref_slice %arg2[%add3A_276, %dma_wait3A_277] : memref<8000x40xi32, #tpu.memory_space<hbm>> -> memref<1x40xi32, #tpu.memory_space<hbm>>
      %dma_wait3A_279 = tpu.memref_squeeze %dma_wait3A_278 : memref<1x40xi32, #tpu.memory_space<hbm>> -> memref<40xi32, #tpu.memory_space<hbm>>
      %dma_wait3A_280 = arith.constant 0 : i32
      %dma_wait3A_281 = tpu.memref_slice %arg2[%add3A_276, %dma_wait3A_280] : memref<8000x40xi32, #tpu.memory_space<hbm>> -> memref<1x40xi32, #tpu.memory_space<hbm>>
      %dma_wait3A_282 = tpu.memref_squeeze %dma_wait3A_281 : memref<1x40xi32, #tpu.memory_space<hbm>> -> memref<40xi32, #tpu.memory_space<hbm>>
      tpu.wait_dma2 semaphore(%arg17 : memref<!tpu.dma_semaphore, #tpu.memory_space<semaphore_mem>>) src(%dma_wait3A_282 : memref<40xi32, #tpu.memory_space<hbm>>) dst(%arg10 : memref<40xi32, #tpu.memory_space<vmem>>)
      %mul3A_283 = arith.constant 250 : i32
      %mul3A_284 = arith.muli %add3A, %mul3A_283 : i32
      %mul3A_285 = arith.constant 5 : i32
      %mul3A_286 = arith.muli %add3A_256, %mul3A_285 : i32
      %add3A_287 = arith.addi %mul3A_284, %mul3A_286 : i32
      %add3A_288 = arith.constant 2 : i32
      %add3A_289 = arith.addi %add3A_287, %add3A_288 : i32
      %dma_wait3A_290 = arith.constant 0 : i32
      %dma_wait3A_291 = tpu.memref_slice %arg2[%add3A_289, %dma_wait3A_290] : memref<8000x40xi32, #tpu.memory_space<hbm>> -> memref<1x40xi32, #tpu.memory_space<hbm>>
      %dma_wait3A_292 = tpu.memref_squeeze %dma_wait3A_291 : memref<1x40xi32, #tpu.memory_space<hbm>> -> memref<40xi32, #tpu.memory_space<hbm>>
      %dma_wait3A_293 = arith.constant 0 : i32
      %dma_wait3A_294 = tpu.memref_slice %arg2[%add3A_289, %dma_wait3A_293] : memref<8000x40xi32, #tpu.memory_space<hbm>> -> memref<1x40xi32, #tpu.memory_space<hbm>>
      %dma_wait3A_295 = tpu.memref_squeeze %dma_wait3A_294 : memref<1x40xi32, #tpu.memory_space<hbm>> -> memref<40xi32, #tpu.memory_space<hbm>>
      tpu.wait_dma2 semaphore(%arg17 : memref<!tpu.dma_semaphore, #tpu.memory_space<semaphore_mem>>) src(%dma_wait3A_295 : memref<40xi32, #tpu.memory_space<hbm>>) dst(%arg11 : memref<40xi32, #tpu.memory_space<vmem>>)
      %mul3A_296 = arith.constant 250 : i32
      %mul3A_297 = arith.muli %add3A, %mul3A_296 : i32
      %mul3A_298 = arith.constant 5 : i32
      %mul3A_299 = arith.muli %add3A_256, %mul3A_298 : i32
      %add3A_300 = arith.addi %mul3A_297, %mul3A_299 : i32
      %add3A_301 = arith.constant 3 : i32
      %add3A_302 = arith.addi %add3A_300, %add3A_301 : i32
      %dma_wait3A_303 = arith.constant 0 : i32
      %dma_wait3A_304 = tpu.memref_slice %arg2[%add3A_302, %dma_wait3A_303] : memref<8000x40xi32, #tpu.memory_space<hbm>> -> memref<1x40xi32, #tpu.memory_space<hbm>>
      %dma_wait3A_305 = tpu.memref_squeeze %dma_wait3A_304 : memref<1x40xi32, #tpu.memory_space<hbm>> -> memref<40xi32, #tpu.memory_space<hbm>>
      %dma_wait3A_306 = arith.constant 0 : i32
      %dma_wait3A_307 = tpu.memref_slice %arg2[%add3A_302, %dma_wait3A_306] : memref<8000x40xi32, #tpu.memory_space<hbm>> -> memref<1x40xi32, #tpu.memory_space<hbm>>
      %dma_wait3A_308 = tpu.memref_squeeze %dma_wait3A_307 : memref<1x40xi32, #tpu.memory_space<hbm>> -> memref<40xi32, #tpu.memory_space<hbm>>
      tpu.wait_dma2 semaphore(%arg17 : memref<!tpu.dma_semaphore, #tpu.memory_space<semaphore_mem>>) src(%dma_wait3A_308 : memref<40xi32, #tpu.memory_space<hbm>>) dst(%arg12 : memref<40xi32, #tpu.memory_space<vmem>>)
      %mul3A_309 = arith.constant 250 : i32
      %mul3A_310 = arith.muli %add3A, %mul3A_309 : i32
      %mul3A_311 = arith.constant 5 : i32
      %mul3A_312 = arith.muli %add3A_256, %mul3A_311 : i32
      %add3A_313 = arith.addi %mul3A_310, %mul3A_312 : i32
      %add3A_314 = arith.constant 4 : i32
      %add3A_315 = arith.addi %add3A_313, %add3A_314 : i32
      %dma_wait3A_316 = arith.constant 0 : i32
      %dma_wait3A_317 = tpu.memref_slice %arg2[%add3A_315, %dma_wait3A_316] : memref<8000x40xi32, #tpu.memory_space<hbm>> -> memref<1x40xi32, #tpu.memory_space<hbm>>
      %dma_wait3A_318 = tpu.memref_squeeze %dma_wait3A_317 : memref<1x40xi32, #tpu.memory_space<hbm>> -> memref<40xi32, #tpu.memory_space<hbm>>
      %dma_wait3A_319 = arith.constant 0 : i32
      %dma_wait3A_320 = tpu.memref_slice %arg2[%add3A_315, %dma_wait3A_319] : memref<8000x40xi32, #tpu.memory_space<hbm>> -> memref<1x40xi32, #tpu.memory_space<hbm>>
      %dma_wait3A_321 = tpu.memref_squeeze %dma_wait3A_320 : memref<1x40xi32, #tpu.memory_space<hbm>> -> memref<40xi32, #tpu.memory_space<hbm>>
      tpu.wait_dma2 semaphore(%arg17 : memref<!tpu.dma_semaphore, #tpu.memory_space<semaphore_mem>>) src(%dma_wait3A_321 : memref<40xi32, #tpu.memory_space<hbm>>) dst(%arg13 : memref<40xi32, #tpu.memory_space<vmem>>)
      "tpu.region"() ({
        %run_scoped3A = tpu.sem_alloc : memref<!tpu.dma_semaphore, #tpu.memory_space<semaphore_mem>>
        %dma_start3A_323 = arith.constant 0 : i32
        %dma_start3A_324 = arith.constant 0 : i32
        %dma_start3A_325 = tpu.memref_slice %arg16[%dma_start3A_323, %dma_start3A_324] : memref<10240x16xf32, #tpu.memory_space<vmem_shared>> -> memref<10240x16xf32, #tpu.memory_space<vmem_shared>>
        tpu.enqueue_indirect_dma source(%arg14 : memref<40x16xf32, #tpu.memory_space<vmem>>) target(%dma_start3A_325 : memref<10240x16xf32, #tpu.memory_space<vmem_shared>>) offsets(%arg9 : memref<40xi32, #tpu.memory_space<vmem>>) semaphore(%run_scoped3A : memref<!tpu.dma_semaphore, #tpu.memory_space<semaphore_mem>>) {add = true}
        %dma_wait3A_326 = arith.constant 0 : i32
        %dma_wait3A_327 = arith.constant 0 : i32
        %dma_wait3A_328 = tpu.memref_slice %arg16[%dma_wait3A_326, %dma_wait3A_327] : memref<10240x16xf32, #tpu.memory_space<vmem_shared>> -> memref<10240x16xf32, #tpu.memory_space<vmem_shared>>
        tpu.wait_indirect_dma semaphore(%run_scoped3A : memref<!tpu.dma_semaphore, #tpu.memory_space<semaphore_mem>>) src(%arg14 : memref<40x16xf32, #tpu.memory_space<vmem>>) dst(%dma_wait3A_328 : memref<10240x16xf32, #tpu.memory_space<vmem_shared>>)
        tpu.yield
      }) : () -> ()
      "tpu.region"() ({
        %run_scoped3A = tpu.sem_alloc : memref<!tpu.dma_semaphore, #tpu.memory_space<semaphore_mem>>
        %dma_start3A_323 = arith.constant 0 : i32
        %dma_start3A_324 = arith.constant 0 : i32
        %dma_start3A_325 = tpu.memref_slice %arg16[%dma_start3A_323, %dma_start3A_324] : memref<10240x16xf32, #tpu.memory_space<vmem_shared>> -> memref<10240x16xf32, #tpu.memory_space<vmem_shared>>
        tpu.enqueue_indirect_dma source(%arg14 : memref<40x16xf32, #tpu.memory_space<vmem>>) target(%dma_start3A_325 : memref<10240x16xf32, #tpu.memory_space<vmem_shared>>) offsets(%arg10 : memref<40xi32, #tpu.memory_space<vmem>>) semaphore(%run_scoped3A : memref<!tpu.dma_semaphore, #tpu.memory_space<semaphore_mem>>) {add = true}
        %dma_wait3A_326 = arith.constant 0 : i32
        %dma_wait3A_327 = arith.constant 0 : i32
        %dma_wait3A_328 = tpu.memref_slice %arg16[%dma_wait3A_326, %dma_wait3A_327] : memref<10240x16xf32, #tpu.memory_space<vmem_shared>> -> memref<10240x16xf32, #tpu.memory_space<vmem_shared>>
        tpu.wait_indirect_dma semaphore(%run_scoped3A : memref<!tpu.dma_semaphore, #tpu.memory_space<semaphore_mem>>) src(%arg14 : memref<40x16xf32, #tpu.memory_space<vmem>>) dst(%dma_wait3A_328 : memref<10240x16xf32, #tpu.memory_space<vmem_shared>>)
        tpu.yield
      }) : () -> ()
      "tpu.region"() ({
        %run_scoped3A = tpu.sem_alloc : memref<!tpu.dma_semaphore, #tpu.memory_space<semaphore_mem>>
        %dma_start3A_323 = arith.constant 0 : i32
        %dma_start3A_324 = arith.constant 0 : i32
        %dma_start3A_325 = tpu.memref_slice %arg16[%dma_start3A_323, %dma_start3A_324] : memref<10240x16xf32, #tpu.memory_space<vmem_shared>> -> memref<10240x16xf32, #tpu.memory_space<vmem_shared>>
        tpu.enqueue_indirect_dma source(%arg14 : memref<40x16xf32, #tpu.memory_space<vmem>>) target(%dma_start3A_325 : memref<10240x16xf32, #tpu.memory_space<vmem_shared>>) offsets(%arg11 : memref<40xi32, #tpu.memory_space<vmem>>) semaphore(%run_scoped3A : memref<!tpu.dma_semaphore, #tpu.memory_space<semaphore_mem>>) {add = true}
        %dma_wait3A_326 = arith.constant 0 : i32
        %dma_wait3A_327 = arith.constant 0 : i32
        %dma_wait3A_328 = tpu.memref_slice %arg16[%dma_wait3A_326, %dma_wait3A_327] : memref<10240x16xf32, #tpu.memory_space<vmem_shared>> -> memref<10240x16xf32, #tpu.memory_space<vmem_shared>>
        tpu.wait_indirect_dma semaphore(%run_scoped3A : memref<!tpu.dma_semaphore, #tpu.memory_space<semaphore_mem>>) src(%arg14 : memref<40x16xf32, #tpu.memory_space<vmem>>) dst(%dma_wait3A_328 : memref<10240x16xf32, #tpu.memory_space<vmem_shared>>)
        tpu.yield
      }) : () -> ()
      "tpu.region"() ({
        %run_scoped3A = tpu.sem_alloc : memref<!tpu.dma_semaphore, #tpu.memory_space<semaphore_mem>>
        %dma_start3A_323 = arith.constant 0 : i32
        %dma_start3A_324 = arith.constant 0 : i32
        %dma_start3A_325 = tpu.memref_slice %arg16[%dma_start3A_323, %dma_start3A_324] : memref<10240x16xf32, #tpu.memory_space<vmem_shared>> -> memref<10240x16xf32, #tpu.memory_space<vmem_shared>>
        tpu.enqueue_indirect_dma source(%arg14 : memref<40x16xf32, #tpu.memory_space<vmem>>) target(%dma_start3A_325 : memref<10240x16xf32, #tpu.memory_space<vmem_shared>>) offsets(%arg12 : memref<40xi32, #tpu.memory_space<vmem>>) semaphore(%run_scoped3A : memref<!tpu.dma_semaphore, #tpu.memory_space<semaphore_mem>>) {add = true}
        %dma_wait3A_326 = arith.constant 0 : i32
        %dma_wait3A_327 = arith.constant 0 : i32
        %dma_wait3A_328 = tpu.memref_slice %arg16[%dma_wait3A_326, %dma_wait3A_327] : memref<10240x16xf32, #tpu.memory_space<vmem_shared>> -> memref<10240x16xf32, #tpu.memory_space<vmem_shared>>
        tpu.wait_indirect_dma semaphore(%run_scoped3A : memref<!tpu.dma_semaphore, #tpu.memory_space<semaphore_mem>>) src(%arg14 : memref<40x16xf32, #tpu.memory_space<vmem>>) dst(%dma_wait3A_328 : memref<10240x16xf32, #tpu.memory_space<vmem_shared>>)
        tpu.yield
      }) : () -> ()
      "tpu.region"() ({
        %run_scoped3A = tpu.sem_alloc : memref<!tpu.dma_semaphore, #tpu.memory_space<semaphore_mem>>
        %dma_start3A_323 = arith.constant 0 : i32
        %dma_start3A_324 = arith.constant 0 : i32
        %dma_start3A_325 = tpu.memref_slice %arg16[%dma_start3A_323, %dma_start3A_324] : memref<10240x16xf32, #tpu.memory_space<vmem_shared>> -> memref<10240x16xf32, #tpu.memory_space<vmem_shared>>
        tpu.enqueue_indirect_dma source(%arg14 : memref<40x16xf32, #tpu.memory_space<vmem>>) target(%dma_start3A_325 : memref<10240x16xf32, #tpu.memory_space<vmem_shared>>) offsets(%arg13 : memref<40xi32, #tpu.memory_space<vmem>>) semaphore(%run_scoped3A : memref<!tpu.dma_semaphore, #tpu.memory_space<semaphore_mem>>) {add = true}
        %dma_wait3A_326 = arith.constant 0 : i32
        %dma_wait3A_327 = arith.constant 0 : i32
        %dma_wait3A_328 = tpu.memref_slice %arg16[%dma_wait3A_326, %dma_wait3A_327] : memref<10240x16xf32, #tpu.memory_space<vmem_shared>> -> memref<10240x16xf32, #tpu.memory_space<vmem_shared>>
        tpu.wait_indirect_dma semaphore(%run_scoped3A : memref<!tpu.dma_semaphore, #tpu.memory_space<semaphore_mem>>) src(%arg14 : memref<40x16xf32, #tpu.memory_space<vmem>>) dst(%dma_wait3A_328 : memref<10240x16xf32, #tpu.memory_space<vmem_shared>>)
        tpu.yield
      }) : () -> ()
      %scan3A_322 = arith.constant 0 : i32
      scf.yield %scan3A_322 : i32
    }
    %scan3A_105 = arith.constant 25 : i32
    %barrier3A_106 = arith.constant 0 : index
    tpu.barrier barrier_id(%barrier3A_106)
    %mul3A_107 = arith.constant 640 : i32
    %mul3A_108 = arith.muli %arg1, %mul3A_107 : i32
    %mul3A_109 = arith.constant 10240 : i32
    %mul3A_110 = arith.muli %arg0, %mul3A_109 : i32
    %mul3A_111 = arith.constant 640 : i32
    %mul3A_112 = arith.muli %arg1, %mul3A_111 : i32
    %add3A_113 = arith.addi %mul3A_110, %mul3A_112 : i32
    "tpu.region"() ({
      %run_scoped3A = tpu.sem_alloc : memref<!tpu.dma_semaphore, #tpu.memory_space<semaphore_mem>>
      %dma_start3A_114 = arith.constant 0 : i32
      %dma_start3A_115 = tpu.memref_slice %arg3[%add3A_113, %dma_start3A_114] : memref<20480x16xf32, #tpu.memory_space<hbm>> -> memref<640x16xf32, #tpu.memory_space<hbm>>
      %dma_start3A_116 = arith.constant 0 : i32
      %dma_start3A_117 = tpu.memref_slice %arg16[%mul3A_108, %dma_start3A_116] : memref<10240x16xf32, #tpu.memory_space<vmem_shared>> -> memref<640x16xf32, #tpu.memory_space<vmem_shared>>
      tpu.enqueue_dma source(%dma_start3A_117 : memref<640x16xf32, #tpu.memory_space<vmem_shared>>) target(%dma_start3A_115 : memref<640x16xf32, #tpu.memory_space<hbm>>) target_semaphore(%run_scoped3A : memref<!tpu.dma_semaphore, #tpu.memory_space<semaphore_mem>>)
      %dma_wait3A = arith.constant 0 : i32
      %dma_wait3A_118 = tpu.memref_slice %arg3[%add3A_113, %dma_wait3A] : memref<20480x16xf32, #tpu.memory_space<hbm>> -> memref<640x16xf32, #tpu.memory_space<hbm>>
      %dma_wait3A_119 = arith.constant 0 : i32
      %dma_wait3A_120 = tpu.memref_slice %arg16[%mul3A_108, %dma_wait3A_119] : memref<10240x16xf32, #tpu.memory_space<vmem_shared>> -> memref<640x16xf32, #tpu.memory_space<vmem_shared>>
      tpu.wait_dma2 semaphore(%run_scoped3A : memref<!tpu.dma_semaphore, #tpu.memory_space<semaphore_mem>>) src(%dma_wait3A_120 : memref<640x16xf32, #tpu.memory_space<vmem_shared>>) dst(%dma_wait3A_118 : memref<640x16xf32, #tpu.memory_space<hbm>>)
      tpu.yield
    }) : () -> ()
    return
  }
}

module attributes {stable_mosaic.version = 14 : i64} {
  func.func @_mm_body(%arg0: i32, %arg1: memref<2000x128xf32, #tpu.memory_space<vmem>>, %arg2: memref<128x128xf32, #tpu.memory_space<vmem>>, %arg3: memref<2000x128xf32, #tpu.memory_space<vmem>>) attributes {dimension_semantics = [#tpu.dimension_semantics<arbitrary>], iteration_bounds = array<i64: 5>, scalar_prefetch = 0 : i64, scratch_operands = 0 : i64, tpu.core_type = #tpu.core_type<tc>, window_params = [{transform_indices = @transform_0, window_bounds = array<i64: 2000, 128>}, {pipeline_mode = #tpu.pipeline_mode<synchronous>, transform_indices = @transform_1, window_bounds = array<i64: 128, 128>}, {transform_indices = @transform_2, window_bounds = array<i64: 2000, 128>}]} {
    %get3A = arith.constant 0 : index
    %get3A_0 = arith.constant 0 : index
    %get3A_1 = vector.load %arg1[%get3A, %get3A_0] : memref<2000x128xf32, #tpu.memory_space<vmem>>, vector<2000x128xf32>
    %get3A_2 = arith.constant 0 : index
    %get3A_3 = arith.constant 0 : index
    %get3A_4 = vector.load %arg2[%get3A_2, %get3A_3] : memref<128x128xf32, #tpu.memory_space<vmem>>, vector<128x128xf32>
    %dot_general3A = arith.constant dense<0.000000e+00> : vector<2000x128xf32>
    %dot_general3A_5 = tpu.matmul %get3A_1, %get3A_4, %dot_general3A {dimension_numbers = #tpu.dot_dimension_numbers<[1], [0], [0], [1], [0, 0, 1, 1], [], []>, transpose_lhs_hint = false} : vector<2000x128xf32>, vector<128x128xf32>, vector<2000x128xf32> -> vector<2000x128xf32>
    %swap3A = arith.constant 0 : index
    %swap3A_6 = arith.constant 0 : index
    %swap3A_7 = vector.load %arg3[%swap3A, %swap3A_6] : memref<2000x128xf32, #tpu.memory_space<vmem>>, vector<2000x128xf32>
    tpu.vector_store %arg3[%swap3A, %swap3A_6], %dot_general3A_5 {strides = array<i32>} : memref<2000x128xf32, #tpu.memory_space<vmem>>, vector<2000x128xf32>,
    return
  }
  func.func @transform_0(%arg0: i32) -> (i32, i32) {
    %c0_i32 = arith.constant 0 : i32
    %c0_i32_0 = arith.constant 0 : i32
    return %arg0, %c0_i32 : i32, i32
  }
  func.func @transform_1(%arg0: i32) -> (i32, i32) {
    %c0_i32 = arith.constant 0 : i32
    %c0_i32_0 = arith.constant 0 : i32
    %c0_i32_1 = arith.constant 0 : i32
    return %c0_i32, %c0_i32_0 : i32, i32
  }
  func.func @transform_2(%arg0: i32) -> (i32, i32) {
    %c0_i32 = arith.constant 0 : i32
    %c0_i32_0 = arith.constant 0 : i32
    return %arg0, %c0_i32 : i32, i32
  }
}

module attributes {stable_mosaic.version = 14 : i64} {
  func.func @_scale_body(%arg0: i32, %arg1: memref<2000x128xf32, #tpu.memory_space<vmem>>, %arg2: memref<2x2000x16xf32, #tpu.memory_space<vmem>>, %arg3: memref<2x2000x64xf32, #tpu.memory_space<vmem>>) attributes {dimension_semantics = [#tpu.dimension_semantics<arbitrary>], iteration_bounds = array<i64: 5>, scalar_prefetch = 0 : i64, scratch_operands = 0 : i64, tpu.core_type = #tpu.core_type<tc>, window_params = [{transform_indices = @transform_0, window_bounds = array<i64: 2000, 128>}, {transform_indices = @transform_1, window_bounds = array<i64: 2, 2000, 16>}, {transform_indices = @transform_2, window_bounds = array<i64: 2, 2000, 64>}]} {
    %get3A = arith.constant 0 : index
    %get3A_0 = arith.constant 0 : index
    %get3A_1 = arith.constant 0 : index
    %get3A_2 = vector.load %arg2[%get3A, %get3A_0, %get3A_1] : memref<2x2000x16xf32, #tpu.memory_space<vmem>>, vector<2x2000x16xf32>
    %slice3A = vector.extract_strided_slice %get3A_2 {offsets = [0, 0, 0], sizes = [1, 2000, 1], strides = [1, 1, 1]} : vector<2x2000x16xf32> to vector<1x2000x1xf32>
    %squeeze3A = vector.shape_cast %slice3A : vector<1x2000x1xf32> to vector<2000x1xf32>
    %slice3A_3 = vector.extract_strided_slice %get3A_2 {offsets = [1, 0, 0], sizes = [1, 2000, 1], strides = [1, 1, 1]} : vector<2x2000x16xf32> to vector<1x2000x1xf32>
    %squeeze3A_4 = vector.shape_cast %slice3A_3 : vector<1x2000x1xf32> to vector<2000x1xf32>
    %add3A = arith.addf %squeeze3A, %squeeze3A_4 : vector<2000x1xf32>
    %add3A_5 = arith.constant 1.000000e+00 : f32
    %add3A_6 = vector.broadcast %add3A_5 : f32 to vector<2000x1xf32>
    %add3A_7 = arith.addf %add3A, %add3A_6 : vector<2000x1xf32>
    %sqrt3A = math.sqrt %add3A_7 : vector<2000x1xf32>
    %div3A = arith.constant 1.000000e+00 : f32
    %div3A_8 = vector.broadcast %div3A : f32 to vector<2000x1xf32>
    %div3A_9 = arith.divf %div3A_8, %sqrt3A : vector<2000x1xf32>
    %get3A_10 = arith.constant 0 : index
    %get3A_11 = arith.constant 0 : index
    %get3A_12 = vector.load %arg1[%get3A_10, %get3A_11] : memref<2000x128xf32, #tpu.memory_space<vmem>>, vector<2000x128xf32>
    %mul3A = vector.broadcast %div3A_9 : vector<2000x1xf32> to vector<2000x128xf32>
    %mul3A_13 = arith.mulf %get3A_12, %mul3A : vector<2000x128xf32>
    %slice3A_14 = vector.extract_strided_slice %mul3A_13 {offsets = [0, 0], sizes = [2000, 64], strides = [1, 1]} : vector<2000x128xf32> to vector<2000x64xf32>
    %swap3A = arith.constant 0 : index
    %swap3A_15 = arith.constant 0 : index
    %swap3A_16 = arith.constant 0 : index
    %swap3A_17 = vector.load %arg3[%swap3A, %swap3A_15, %swap3A_16] : memref<2x2000x64xf32, #tpu.memory_space<vmem>>, vector<1x2000x64xf32>
    %swap3A_18 = vector.shape_cast %swap3A_17 : vector<1x2000x64xf32> to vector<2000x64xf32>
    %swap3A_19 = vector.shape_cast %slice3A_14 : vector<2000x64xf32> to vector<1x2000x64xf32>
    tpu.vector_store %arg3[%swap3A, %swap3A_15, %swap3A_16], %swap3A_19 {strides = array<i32>} : memref<2x2000x64xf32, #tpu.memory_space<vmem>>, vector<1x2000x64xf32>,
    %slice3A_20 = vector.extract_strided_slice %mul3A_13 {offsets = [0, 64], sizes = [2000, 64], strides = [1, 1]} : vector<2000x128xf32> to vector<2000x64xf32>
    %swap3A_21 = arith.constant 1 : index
    %swap3A_22 = arith.constant 0 : index
    %swap3A_23 = arith.constant 0 : index
    %swap3A_24 = vector.load %arg3[%swap3A_21, %swap3A_22, %swap3A_23] : memref<2x2000x64xf32, #tpu.memory_space<vmem>>, vector<1x2000x64xf32>
    %swap3A_25 = vector.shape_cast %swap3A_24 : vector<1x2000x64xf32> to vector<2000x64xf32>
    %swap3A_26 = vector.shape_cast %slice3A_20 : vector<2000x64xf32> to vector<1x2000x64xf32>
    tpu.vector_store %arg3[%swap3A_21, %swap3A_22, %swap3A_23], %swap3A_26 {strides = array<i32>} : memref<2x2000x64xf32, #tpu.memory_space<vmem>>, vector<1x2000x64xf32>,
    return
  }
  func.func @transform_0(%arg0: i32) -> (i32, i32) {
    %c0_i32 = arith.constant 0 : i32
    %c0_i32_0 = arith.constant 0 : i32
    return %arg0, %c0_i32 : i32, i32
  }
  func.func @transform_1(%arg0: i32) -> (i32, i32, i32) {
    %c0_i32 = arith.constant 0 : i32
    %c0_i32_0 = arith.constant 0 : i32
    %c0_i32_1 = arith.constant 0 : i32
    return %c0_i32, %arg0, %c0_i32_0 : i32, i32, i32
  }
  func.func @transform_2(%arg0: i32) -> (i32, i32, i32) {
    %c0_i32 = arith.constant 0 : i32
    %c0_i32_0 = arith.constant 0 : i32
    %c0_i32_1 = arith.constant 0 : i32
    return %c0_i32, %arg0, %c0_i32_0 : i32, i32, i32
  }
}

module attributes {stable_mosaic.version = 14 : i64} {
  func.func @_fin_body(%arg0: i32, %arg1: memref<2x2000x64xf32, #tpu.memory_space<vmem>>, %arg2: memref<2x2000x64xf32, #tpu.memory_space<vmem>>, %arg3: memref<2x2000x16xf32, #tpu.memory_space<vmem>>, %arg4: memref<1x128xf32, #tpu.memory_space<vmem>>, %arg5: memref<2000x128xf32, #tpu.memory_space<vmem>>) attributes {dimension_semantics = [#tpu.dimension_semantics<arbitrary>], iteration_bounds = array<i64: 5>, scalar_prefetch = 0 : i64, scratch_operands = 0 : i64, tpu.core_type = #tpu.core_type<tc>, window_params = [{transform_indices = @transform_0, window_bounds = array<i64: 2, 2000, 64>}, {transform_indices = @transform_1, window_bounds = array<i64: 2, 2000, 64>}, {transform_indices = @transform_2, window_bounds = array<i64: 2, 2000, 16>}, {pipeline_mode = #tpu.pipeline_mode<synchronous>, transform_indices = @transform_3, window_bounds = array<i64: 1, 128>}, {transform_indices = @transform_4, window_bounds = array<i64: 2000, 128>}]} {
    %get3A = arith.constant 0 : index
    %get3A_0 = arith.constant 0 : index
    %get3A_1 = arith.constant 0 : index
    %get3A_2 = vector.load %arg3[%get3A, %get3A_0, %get3A_1] : memref<2x2000x16xf32, #tpu.memory_space<vmem>>, vector<2x2000x16xf32>
    %slice3A = vector.extract_strided_slice %get3A_2 {offsets = [0, 0, 0], sizes = [1, 2000, 1], strides = [1, 1, 1]} : vector<2x2000x16xf32> to vector<1x2000x1xf32>
    %squeeze3A = vector.shape_cast %slice3A : vector<1x2000x1xf32> to vector<2000x1xf32>
    %slice3A_3 = vector.extract_strided_slice %get3A_2 {offsets = [1, 0, 0], sizes = [1, 2000, 1], strides = [1, 1, 1]} : vector<2x2000x16xf32> to vector<1x2000x1xf32>
    %squeeze3A_4 = vector.shape_cast %slice3A_3 : vector<1x2000x1xf32> to vector<2000x1xf32>
    %add3A = arith.addf %squeeze3A, %squeeze3A_4 : vector<2000x1xf32>
    %add3A_5 = arith.constant 1.000000e+00 : f32
    %add3A_6 = vector.broadcast %add3A_5 : f32 to vector<2000x1xf32>
    %add3A_7 = arith.addf %add3A, %add3A_6 : vector<2000x1xf32>
    %sqrt3A = math.sqrt %add3A_7 : vector<2000x1xf32>
    %div3A = arith.constant 1.000000e+00 : f32
    %div3A_8 = vector.broadcast %div3A : f32 to vector<2000x1xf32>
    %div3A_9 = arith.divf %div3A_8, %sqrt3A : vector<2000x1xf32>
    %get3A_10 = arith.constant 0 : index
    %get3A_11 = arith.constant 0 : index
    %get3A_12 = arith.constant 0 : index
    %get3A_13 = vector.load %arg1[%get3A_10, %get3A_11, %get3A_12] : memref<2x2000x64xf32, #tpu.memory_space<vmem>>, vector<1x2000x64xf32>
    %get3A_14 = vector.shape_cast %get3A_13 : vector<1x2000x64xf32> to vector<2000x64xf32>
    %get3A_15 = arith.constant 1 : index
    %get3A_16 = arith.constant 0 : index
    %get3A_17 = arith.constant 0 : index
    %get3A_18 = vector.load %arg1[%get3A_15, %get3A_16, %get3A_17] : memref<2x2000x64xf32, #tpu.memory_space<vmem>>, vector<1x2000x64xf32>
    %get3A_19 = vector.shape_cast %get3A_18 : vector<1x2000x64xf32> to vector<2000x64xf32>
    %concatenate3A = tpu.concatenate %get3A_14, %get3A_19 in 1 : vector<2000x64xf32>, vector<2000x64xf32> -> vector<2000x128xf32>
    %get3A_20 = arith.constant 0 : index
    %get3A_21 = arith.constant 0 : index
    %get3A_22 = arith.constant 0 : index
    %get3A_23 = vector.load %arg2[%get3A_20, %get3A_21, %get3A_22] : memref<2x2000x64xf32, #tpu.memory_space<vmem>>, vector<1x2000x64xf32>
    %get3A_24 = vector.shape_cast %get3A_23 : vector<1x2000x64xf32> to vector<2000x64xf32>
    %get3A_25 = arith.constant 1 : index
    %get3A_26 = arith.constant 0 : index
    %get3A_27 = arith.constant 0 : index
    %get3A_28 = vector.load %arg2[%get3A_25, %get3A_26, %get3A_27] : memref<2x2000x64xf32, #tpu.memory_space<vmem>>, vector<1x2000x64xf32>
    %get3A_29 = vector.shape_cast %get3A_28 : vector<1x2000x64xf32> to vector<2000x64xf32>
    %concatenate3A_30 = tpu.concatenate %get3A_24, %get3A_29 in 1 : vector<2000x64xf32>, vector<2000x64xf32> -> vector<2000x128xf32>
    %add3A_31 = arith.addf %concatenate3A, %concatenate3A_30 : vector<2000x128xf32>
    %mul3A = vector.broadcast %div3A_9 : vector<2000x1xf32> to vector<2000x128xf32>
    %mul3A_32 = arith.mulf %add3A_31, %mul3A : vector<2000x128xf32>
    %get3A_33 = arith.constant 0 : index
    %get3A_34 = arith.constant 0 : index
    %get3A_35 = vector.load %arg4[%get3A_33, %get3A_34] : memref<1x128xf32, #tpu.memory_space<vmem>>, vector<1x128xf32>
    %add3A_36 = vector.broadcast %get3A_35 : vector<1x128xf32> to vector<2000x128xf32>
    %add3A_37 = arith.addf %mul3A_32, %add3A_36 : vector<2000x128xf32>
    %max3A = arith.constant 0.000000e+00 : f32
    %max3A_38 = vector.broadcast %max3A : f32 to vector<2000x128xf32>
    %max3A_39 = arith.maximumf %add3A_37, %max3A_38 : vector<2000x128xf32>
    %swap3A = arith.constant 0 : index
    %swap3A_40 = arith.constant 0 : index
    %swap3A_41 = vector.load %arg5[%swap3A, %swap3A_40] : memref<2000x128xf32, #tpu.memory_space<vmem>>, vector<2000x128xf32>
    tpu.vector_store %arg5[%swap3A, %swap3A_40], %max3A_39 {strides = array<i32>} : memref<2000x128xf32, #tpu.memory_space<vmem>>, vector<2000x128xf32>,
    return
  }
  func.func @transform_0(%arg0: i32) -> (i32, i32, i32) {
    %c0_i32 = arith.constant 0 : i32
    %c0_i32_0 = arith.constant 0 : i32
    %c0_i32_1 = arith.constant 0 : i32
    return %c0_i32, %arg0, %c0_i32_0 : i32, i32, i32
  }
  func.func @transform_1(%arg0: i32) -> (i32, i32, i32) {
    %c0_i32 = arith.constant 0 : i32
    %c0_i32_0 = arith.constant 0 : i32
    %c0_i32_1 = arith.constant 0 : i32
    return %c0_i32, %arg0, %c0_i32_0 : i32, i32, i32
  }
  func.func @transform_2(%arg0: i32) -> (i32, i32, i32) {
    %c0_i32 = arith.constant 0 : i32
    %c0_i32_0 = arith.constant 0 : i32
    %c0_i32_1 = arith.constant 0 : i32
    return %c0_i32, %arg0, %c0_i32_0 : i32, i32, i32
  }
  func.func @transform_3(%arg0: i32) -> (i32, i32) {
    %c0_i32 = arith.constant 0 : i32
    %c0_i32_0 = arith.constant 0 : i32
    %c0_i32_1 = arith.constant 0 : i32
    return %c0_i32, %c0_i32_0 : i32, i32
  }
  func.func @transform_4(%arg0: i32) -> (i32, i32) {
    %c0_i32 = arith.constant 0 : i32
    %c0_i32_0 = arith.constant 0 : i32
    return %arg0, %c0_i32 : i32, i32
  }
}

</mosaic_0001>

<sc_bundles>
// kernel: kernel.10.cloned.1.call-start
scs
__scs_entry_jumppad:
0x0: {  	(pc) =	sbr.rel $0x88, $3  }
0x1: {  	(tag) =	ssettag $0x0;
	lr =	simm.s32 $0x1  }
0x2: {  	[smem:$0x3F9D] =	sst lr;
	_ =	strace $0xD0000000  }
0x3: {  	_ = 	snop  }
0x4: {  	_ = 	snop  }
0x5: {  	_ = 	snop  }
0x6: {  	_ = 	snop  }
0x7: {  	_ = 	snop  }
__scs_overlays_trampoline_lowered:
0x8: {  	[smem:$0x3FAC] =	sst s0  }
0x9: {  	[smem:$0x3FAD] =	sst s1  }
0xa: {  	[smem:$0x3FAE] =	sst s2  }
0xb: {  	[smem:$0x3FAF] =	sst s3  }
0xc: {  	[smem:$0x3FB0] =	sst s4  }
0xd: {  	[smem:$0x3FB1] =	sst s5  }
0xe: {  	[smem:$0x3FB2] =	sst s6  }
0xf: {  	[smem:$0x3FB3] =	sst s7  }
0x10: {  	[smem:$0x3FB4] =	sst s8  }
0x11: {  	[smem:$0x3FB5] =	sst s9;
	s0 =	simm.s32 @!p0 $0x0  }
0x12: {  	s1 =	sld [smem:$0x3F9B];
	s0 =	simm.s32 @p0 $0x1  }
0x13: {  	[smem:$0x3FB6] =	sst s0;
	s0 =	simm.s32 @!p1 $0x0  }
0x14: {  	s2 =	sld [smem:$0x3F9A];
	s0 =	simm.s32 @p1 $0x1  }
0x15: {  	[smem:$0x3FB7] =	sst s0;
	s0 =	simm.s32 @!p2 $0x0  }
0x16: {  	s3 =	sld [smem:$0x3FDB];
	s0 =	simm.s32 @p2 $0x1  }
0x17: {  	s4 =	simm.s32 $0x1BF5;
	[smem:$0x3FB9] =	sst s0  }
0x18: {  	s0 =	sld [smem:$0x3F9C];
	_ =	swait.ge [sflag:s4], $0x0  }
0x19: {  	s7 =	sld [smem:$0x3F9D]  }
0x1a: {  	s8 =	sadd.s32 $0xFFFFE003, lr  }
0x1b: {  	s9 =	sadd.s32 $0xFFFFFEF7, lr;
	s5 =	simm.s32 $0xFFFFFFFF;
	p2 =	slt.u32 s8, $0xFFFFF086  }
0x1c: {  	p1 =	slt.u32 s9, $0xF7A;
	s5 =	simm.s32 @!p2 $0x0  }
0x1d: {  	s5 =	simm.s32 @p1 $0x1;
	p0 =	seq.s32 s7, s2  }
0x1e: {  	s7 =	smul.u32 @!p0 $0xF7A, s2;
	p2 =	seq.s32 @!p0 s5, $0x0  }
0x1f: {  	s9 =	smul.u32 $0xF7A, s1;
	s8 =	simm.s32 @!p0 $0x1BF5;
	p2 =	por !p2, p0  }
0x20: {  	[sflag:s8] =	ssyncset.s32 @!p0 $0xFFFFF086;
	s6 =	sadd.s32 @!p0 s3, s7;
	s7 =	simm.s32 @!p0 $0x108  }
0x21: {  	s3 =	sadd.s32 s3, s9;
	s6 =	sadd.s32 @!p0 $0x88, s6;
	s7 =	simm.s32 @p2 $0x1082  }
0x22: {  	[simem:s7], [sflag:s8] =	dma.local @!p0 [hbm:s6], $0xF7A  }
0x23: {  	s9 =	sor.u32 $0xD0000000, s2;
	s6 =	simm.s32 $0x108;
	_ =	swait.ge @!p0 [sflag:s8], $0x0  }
0x24: {  	s3 =	sadd.s32 $0x88, s3;
	s6 =	simm.s32 @!p1 $0x1082;
	[sflag:s4] =	ssyncset.s32 $0xFFFFF086  }
0x25: {  	[simem:s6], [sflag:s4] =	dma.local [hbm:s3], $0xF7A  }
0x26: {  	[smem:$0x3F9D] =	sst s1;
	(tag) =	ssettag s2;
	_ =	strace s9  }
0x27: {  	s1 =	sld [smem:$0x3FAD]  }
0x28: {  	s2 =	sld [smem:$0x3FAE]  }
0x29: {  	s4 =	sld [smem:$0x3FB0]  }
0x2a: {  	p0 =	seq.s32 s5, $0x0;
	s5 =	sld [smem:$0x3FB1]  }
0x2b: {  	s6 =	sld [smem:$0x3FB2]  }
0x2c: {  	s7 =	sld [smem:$0x3FB3]  }
0x2d: {  	s3 =	simm.s32 $0x108;
	s8 =	sld [smem:$0x3FB4]  }
0x2e: {  	s3 =	simm.s32 @!p0 $0x1082;
	s9 =	sld [smem:$0x3FB5]  }
0x2f: {  	lr =	sadd.s32 s0, s3;
	s0 =	sld [smem:$0x3FAC]  }
0x30: {  	s3 =	sld [smem:$0x3FAF]  }
0x31: {  	[smem:$0x3FB8] =	sst s10  }
0x32: {  	s10 =	sld [smem:$0x3FB6];
	_ =	sdelay $0x3  }
0x33: {  	p0 =	seq.s32 s10, $0x1;
	s10 =	sld [smem:$0x3FB8];
	_ =	sdelay $0x3  }
0x34: {  	[smem:$0x3FB8] =	sst s10  }
0x35: {  	s10 =	sld [smem:$0x3FB7];
	_ =	sdelay $0x3  }
0x36: {  	p1 =	seq.s32 s10, $0x1;
	s10 =	sld [smem:$0x3FB8];
	_ =	sdelay $0x3  }
0x37: {  	[smem:$0x3FB8] =	sst s10  }
0x38: {  	s10 =	sld [smem:$0x3FB9]  }
0x39: {  	_ = 	snop;
	(pc) =	sbr.ind lr, $3  }
0x3a: {  	_ = 	snop  }
0x3b: {  	_ = 	snop  }
0x3c: {  	p2 =	seq.s32 s10, $0x1;
	s10 =	sld [smem:$0x3FB8]  }
0x3d: {  	_ =	shalt  }
0x3e: {  	_ =	shalt  }
0x3f: {  	_ =	shalt  }
0x40: {  	_ =	shalt  }
0x41: {  	_ =	shalt  }
0x42: {  	_ =	shalt  }
0x43: {  	_ =	shalt  }
0x44: {  	_ =	shalt  }
0x45: {  	_ =	shalt  }
0x46: {  	_ =	shalt  }
0x47: {  	_ =	shalt  }
0x48: {  	_ =	shalt  }
0x49: {  	_ =	shalt  }
0x4a: {  	_ =	shalt  }
0x4b: {  	_ =	shalt  }
0x4c: {  	_ =	shalt  }
0x4d: {  	_ =	shalt  }
0x4e: {  	_ =	shalt  }
0x4f: {  	_ =	shalt  }
0x50: {  	_ =	shalt  }
0x51: {  	_ =	shalt  }
0x52: {  	_ =	shalt  }
0x53: {  	_ =	shalt  }
0x54: {  	_ =	shalt  }
0x55: {  	_ =	shalt  }
0x56: {  	_ =	shalt  }
0x57: {  	_ =	shalt  }
0x58: {  	_ =	shalt  }
0x59: {  	_ =	shalt  }
0x5a: {  	_ =	shalt  }
0x5b: {  	_ =	shalt  }
0x5c: {  	_ =	shalt  }
0x5d: {  	_ =	shalt  }
0x5e: {  	_ =	shalt  }
0x5f: {  	_ =	shalt  }
0x60: {  	_ =	shalt  }
0x61: {  	_ =	shalt  }
0x62: {  	_ =	shalt  }
0x63: {  	_ =	shalt  }
0x64: {  	_ =	shalt  }
0x65: {  	_ =	shalt  }
0x66: {  	_ =	shalt  }
0x67: {  	_ =	shalt  }
0x68: {  	_ =	shalt  }
0x69: {  	_ =	shalt  }
0x6a: {  	_ =	shalt  }
0x6b: {  	_ =	shalt  }
0x6c: {  	_ =	shalt  }
0x6d: {  	_ =	shalt  }
0x6e: {  	_ =	shalt  }
0x6f: {  	_ =	shalt  }
0x70: {  	_ =	shalt  }
0x71: {  	_ =	shalt  }
0x72: {  	_ =	shalt  }
0x73: {  	_ =	shalt  }
0x74: {  	_ =	shalt  }
0x75: {  	_ =	shalt  }
0x76: {  	_ =	shalt  }
0x77: {  	_ =	shalt  }
0x78: {  	_ =	shalt  }
0x79: {  	_ =	shalt  }
0x7a: {  	_ =	shalt  }
0x7b: {  	_ =	shalt  }
0x7c: {  	_ =	shalt  }
0x7d: {  	_ =	shalt  }
0x7e: {  	_ =	shalt  }
0x7f: {  	_ =	shalt  }
0x80: {  	_ =	shalt  }
0x81: {  	_ =	shalt  }
0x82: {  	_ =	shalt  }
0x83: {  	_ =	shalt  }
0x84: {  	_ =	shalt  }
0x85: {  	_ =	shalt  }
0x86: {  	_ =	shalt  }
0x87: {  	_ =	shalt  }
.Lfunc_end0:
.L_simem_size_0:
called_computation.1_lowered:
.L_overlay_start_0:
0x88: {  	s2 =	sld [smem:$0x3FD9]  }
0x89: {  	s3 =	sld [smem:$0x3FFE];
	_ =	sdelay $0x1  }
0x8a: {  	s1 =	srdreg.scid  }
0x8b: {  	s0 =	sand.u32 $0x1, s1  }
0x8c: {  	s17 =	sshll.u32 s0, $0xA;
	s2 =	sadd.s32 s3, s2  }
0x8d: {  	s2 =	sadd.s32 s2, s17  }
0x8e: {  	[smem:$0x3FC4] =	sst s2  }
0x8f: {  	_ = 	snop  }
0x90: {  	s2 =	sld [smem:$0x3FD0];
	(tm) =	ssettm $0x1  }
0x91: {  	s18 =	sld [smem:$0x3FFB];
	_ =	sdelay $0x3  }
0x92: {  	_ =	strace s18  }
0x93: {  	s3 =	sld [smem:$0x3FFC];
	_ =	sdelay $0x3  }
0x94: {  	_ =	strace s3  }
0x95: {  	s3 =	sld [smem:$0x3FFD];
	_ =	sdelay $0x3  }
0x96: {  	_ =	strace s3  }
0x97: {  	_ =	strace $0x8FFFFFFF  }
0x98: {  	s19 =	sld [smem:$0x3FDB];
	_ =	sdelay $0x1  }
0x99: {  	s4 =	simm.s32 $_scs_section_size  }
0x9a: {  	s5 =	simm.s32 $_size__tile_overlayer_lowered;
	s6 =	simm.s32 $_tile_overlayer_lowered  }
0x9b: {  	s22 =	simm.s32 $0x1BFF;
	s21 =	sshll.u32 s6, $0x1;
	s3 =	sadd.s32 s4, s19  }
0x9c: {  	s7 =	simm.s32 $0x0;
	s20 =	sshll.u32 s5, $0x1;
	s5 =	sadd.s32 s21, s3  }
0x9d: {  	[timem:s7], [sflag:s22] =	dma.local [hbm:s5], s20  }
0x9e: {  	_ =	swait.ge [sflag:s22], s20  }
0x9f: {  	s4 =	ssub.s32 $0x0, s20;
	[sflag:s22] =	ssyncset.done $0x0  }
0xa0: {  	[sflag:s22] =	ssyncadd.s32 s4;
	_ =	sdelay $0x1  }
0xa1: {  	s23 =	simm.s32 $0x1B8B  }
0xa2: {  	_ =	swait.ge [sflag:s23], $0x1  }
0xa3: {  	[sflag:s23] =	ssyncset.done $0x0  }
0xa4: {  	s25 =	simm.s32 $0x1B8E;
	s24 =	sld [smem:$0x3FFE];
	[sflag:s23] =	ssyncadd.s32 $0xFFFFFFFF  }
0xa5: {  	s26 =	simm.s32 $execute0_lowered;
	[smem:$0x3FD2] =	sst s25  }
0xa6: {  	s5 =	sshll.u32 s26, $0x1;
	_ =	strace $0x80000049;
	[dreg:$0x1] =	wrdreg $0xFFFFFFFF  }
0xa7: {  	s28 =	simm.s32 $_size_execute0_lowered;
	s3 =	sadd.s32 s3, s5;
	[dreg:$0x0] =	wrdreg $0x0  }
0xa8: {  	s5 =	sshll.u32 s28, $0x1;
	[dreg:$0x2] =	wrdreg s3  }
0xa9: {  	[dreg:$0x3] =	wrdreg s5  }
0xaa: {  	[dreg:$0x4] =	wrdreg $0xC0  }
0xab: {  	_ =	task [dreg:s7], $0x5FFFF  }
0xac: {  	[dreg:$0x1] =	wrdreg $0xFFFFFFFF  }
0xad: {  	[dreg:$0x0] =	wrdreg $0x60  }
0xae: {  	[dreg:$0x2] =	wrdreg s2  }
0xaf: {  	[dreg:$0x3] =	wrdreg s24  }
0xb0: {  	[dreg:$0x4] =	wrdreg $0x119400  }
0xb1: {  	[dreg:$0x5] =	wrdreg $0x9  }
0xb2: {  	_ =	task.clear_ibuf [dreg:s7], $0x6FFFF;
	_ =	strace $0x90000049  }
0xb3: {  	s29 =	simm.s32 $0x9;
	_ =	strace $0x8000004B  }
0xb4: {  	_ =	swait.ge [sflag:s29], $0x1  }
0xb5: {  	[sflag:s29] =	ssyncadd.s32 $0xFFFFFFFF  }
0xb6: {  	_ =	strace $0x9000004B  }
0xb7: {  	_ =	sfence  }
0xb8: {  	s30 =	sld [smem:$0x0];
	_ =	sdelay $0x2  }
0xb9: {  	s31 =	sshll.u32 s1, $0xD;
	s1 =	sshrl.u32 s1, $0x2  }
0xba: {  	s3 =	sand.u32 $0x4000, s31;
	s1 =	sadd.s32 s1, s30  }
0xbb: {  	s0 =	sor.u32 s3, s0;
	s1 =	sshll.u32 s1, $0x11  }
0xbc: {  	s0 =	sor.u32 s1, s0  }
0xbd: {  	s0 =	sadd.s32 $0x8F2B, s0  }
0xbe: {  	[sflag:s0] =	ssyncadd.remote.s32 $0x1  }
0xbf: {  	_ =	sfence.sel $0xFFFF  }
0xc0: {  	[dreg:$0x0] =	wrdreg $0xFFFFFFFF;
	(pc) =	sbr.abs _section_cstart, $3  }
0xc1: {  	[dreg:$0x1] =	wrdreg $0xFFFFFFFF  }
0xc2: {  	_ =	task.clear_ibuf [dreg:s7], $0x2FFFF;
	_ =	strace $0x9FFFFFFF  }
0xc3: {  	(tm) =	ssettm $0x7FFFFFFF  }
tec
execute0_lowered:
.L_overlay_start_1:
0x0: {  	(tag) =	ssettag $0x1  }
0x1: {  	s2 =	rddreg [dreg:$0x0]  }
0x2: {  	s0 =	rddreg [dreg:$0x1]  }
0x3: {  	s3 =	rddreg [dreg:$0x2]  }
0x4: {  	s11 =	stileid.u32;
	s5 =	srdreg.scid  }
0x5: {  	s4 =	simm.s32 $0x0;
	s28 =	simm.s32 $0x5140;
	s1 =	smul.u32 $0x9C4, s11  }
0x6: {  	s29 =	simm.s32 $0x4E20;
	s30 =	simm.s32 $0x8D40;
	s6 =	smul.u32 $0x1400, s11  }
0x7: {  	s31 =	simm.s32 $0x4F60;
	s5 =	sand.u32 $0x1, s5;
	s9 =	smul.u32 $0x28000, s11  }
0x8: {  	[smem:$0x7FF] =	sst s4;
	s10 =	sadd.s32 $0xAA00, s0;
	s12 =	smul.u32 $0x4E20, s11  }
0x9: {  	s11 =	simm.s32 $0x5050;
	s7 =	smul.u32 $0x14000, s5;
	_ =	strace $0x8000004A  }
0xa: {  	s24 =	ssub.s32 $0x2, s5;
	s8 =	sadd.s32 s1, s0;
	s1 =	sadd.s32 s10, s1  }
0xb: {  	s26 =	sshrl.u32 s9, $0x2;
	s9 =	sadd.s32 $0xC00, s8;
	[dreg:$0xd] =	wrdreg s1  }
0xc: {  	s23 =	sadd.s32 s26, s3;
	s26 =	sadd.s32 $0x8C, s1;
	[dreg:$0x4] =	wrdreg s9  }
0xd: {  	s14 =	smul.u32 $0x2710, s5;
	s25 =	sshrl.u32 s24, $0x1;
	[dreg:$0x14] =	wrdreg s26  }
0xe: {  	s5 =	sshrl.u32 s12, $0x3;
	s13 =	sadd.s32 $0x1400, s23;
	[dreg:$0x5] =	wrdreg s23  }
0xf: {  	s12 =	simm.s32 $0xDD40;
	s15 =	sadd.s32 $0x2800, s23;
	[dreg:$0x6] =	wrdreg s13  }
0x10: {  	s6 =	sadd.s32 s6, s7;
	s16 =	sadd.s32 $0x3C00, s23;
	[dreg:$0x7] =	wrdreg s15  }
0x11: {  	s5 =	sadd.s32 s10, s5;
	s17 =	sadd.s32 $0x5000, s23;
	[dreg:$0x8] =	wrdreg s16  }
0x12: {  	s1 =	simm.s32 $0x7940;
	s18 =	sadd.s32 $0x6400, s23;
	[dreg:$0x9] =	wrdreg s17  }
0x13: {  	s7 =	simm.s32 $0x4FB0;
	s19 =	sadd.s32 $0x7800, s23;
	[dreg:$0xa] =	wrdreg s18  }
0x14: {  	s8 =	simm.s32 $0xB540;
	s20 =	sadd.s32 $0x8C00, s23;
	[dreg:$0xb] =	wrdreg s19  }
0x15: {  	s10 =	simm.s32 $0xC940;
	s21 =	sadd.s32 $0xA, s5;
	[dreg:$0xc] =	wrdreg s20  }
0x16: {  	s0 =	sadd.s32 s6, s0;
	s22 =	sadd.s32 $0x14, s5;
	[dreg:$0xe] =	wrdreg s21  }
0x17: {  	s6 =	ssub.s32 s24, s25;
	s24 =	sadd.s32 $0x1E, s5;
	[dreg:$0xf] =	wrdreg s22  }
0x18: {  	v0 =	vmov s14;
	s14 =	simm.s32 $0x0;
	s5 =	sadd.s32 $0x28, s5;
	[dreg:$0x10] =	wrdreg s24  }
0x19: {  	s26 =	simm.s32 $0x4EC0;
	s9 =	simm.s32 $0x5000;
	[dreg:$0x11] =	wrdreg s5  }
0x1a: {  	s0 =	sadd.s32 $0x64800, s0;
	s25 =	smax.u32 s6, $0x1;
	s22 =	simm.s32 $0x3  }
0x1b: {  	s24 =	simm.s32 $0x4E70;
	s5 =	simm.s32 $0x4F10;
	s13 =	simm.s32 $0x50A0  }
0x1c: {  	s15 =	simm.s32 $0xF140;
	s16 =	simm.s32 $0x50F0;
	s17 =	simm.s32 $0x10540  }
0x1d: {  	s18 =	simm.s32 $0x2;
	s19 =	simm.s32 $0x1;
	[dreg:$0x12] =	wrdreg s0  }
0x1e: {  	v1 =	vimm.f32 $0.0e+00;
	[dreg:$0x13] =	wrdreg s25;
	s25 =	simm.s32 $0x50;
	s0 =	simm.s32 $0x6540  }
.LBB2_1:
0x1f: {  	[dreg:$0x15] =	wrdreg s14  }
0x20: {  	s6 =	rddreg [dreg:$0x4]  }
0x21: {  	[tilespmem:s4], [sflag:$0x3] =	stream.linear.gather [hbm4b:s6+s4], $0x4E20, $0x38;
	[tilespmem:$0x1B940] =	vst v63  }
0x22: {  	_ =	swait.ge [sflag:s22], $0x4E20  }
0x23: {  	[sflag:s22] =	ssyncset.done $0x0  }
0x24: {  	s14 =	simm.s32 $0x0;
	[sflag:s22] =	ssyncadd.s32 $0xFFFFB1E0  }
0x25: {  	v5 =	vld [tilespmem:s14+$0x0]  }
0x26: {  	v4 =	vld [tilespmem:s14+$0x10]  }
0x27: {  	v3 =	vld [tilespmem:s14+$0x20]  }
0x28: {  	s20 =	simm.s32 $0x140;
	v2 =	vld [tilespmem:s14+$0x30]  }
.LBB2_2:
0x29: {  	p0 =	sne.s32 s20, $0x13740;
	v6 =	vld [tilespmem:s14+$0x40]  }
0x2a: {  	v5 =	vadd.s32 v0, v5  }
.Ltmp0:
0x2b: {  	s21 =	sshra.s32 s20, $0x2;
	[tilespmem:s14+$0x0] =	vst v5;
	v4 =	vadd.s32 v0, v4;
	(pc) =	sbr.rel @p0 .LBB2_2-.Ltmp0, $4  }
0x2c: {  	v5 =	vld [tilespmem:s21+$0x0];
	[tilespmem:s14+$0x10] =	vst v4;
	v3 =	vadd.s32 v0, v3  }
0x2d: {  	v4 =	vld [tilespmem:s21+$0x10];
	[tilespmem:s14+$0x20] =	vst v3;
	v2 =	vadd.s32 v0, v2  }
0x2e: {  	v3 =	vld [tilespmem:s21+$0x20];
	[tilespmem:s14+$0x30] =	vst v2;
	v6 =	vadd.s32 v0, v6  }
0x2f: {  	s20 =	sadd.s32 $0x140, s20;
	v2 =	vld [tilespmem:s21+$0x30];
	[tilespmem:s14+$0x40] =	vst v6;
	s14 =	smov.u32 s21  }
0x30: {  	v6 =	vld [tilespmem:s14+$0x40]  }
0x31: {  	v5 =	vadd.s32 v0, v5  }
0x32: {  	[tilespmem:s14+$0x0] =	vst v5;
	v4 =	vadd.s32 v0, v4  }
0x33: {  	[tilespmem:s14+$0x10] =	vst v4;
	v3 =	vadd.s32 v0, v3  }
0x34: {  	[tilespmem:s14+$0x20] =	vst v3;
	v2 =	vadd.s32 v0, v2  }
0x35: {  	[tilespmem:s14+$0x30] =	vst v2;
	v2 =	vadd.s32 v0, v6  }
0x36: {  	s20 =	simm.s32 $0x100;
	[tilespmem:s14+$0x40] =	vst v2;
	s14 =	simm.s32 $0x0  }
.LBB2_4:
0x37: {  	p0 =	sne.s32 s20, $0x4F00;
	[tilespmem:s14+$0x5170] =	vst v1;
	s21 =	smov.u32 s20;
	s20 =	sadd.s32 $0x100, s20  }
.Ltmp1:
0x38: {  	[tilespmem:s14+$0x5160] =	vst v1;
	(pc) =	sbr.rel @p0 .LBB2_4-.Ltmp1, $3  }
0x39: {  	[tilespmem:s14+$0x5140] =	vst v1  }
0x3a: {  	[tilespmem:s14+$0x5150] =	vst v1;
	_ =	sdelay $0x1  }
0x3b: {  	s14 =	sshra.s32 s21, $0x2  }
0x3c: {  	[tilespmem:s14+$0x5170] =	vst v1  }
0x3d: {  	[tilespmem:s14+$0x5160] =	vst v1  }
0x3e: {  	[tilespmem:s14+$0x5140] =	vst v1  }
0x3f: {  	[tilespmem:s14+$0x5150] =	vst v1  }
0x40: {  	[spmem:s23] =	stream.linear.scatter [tilespmem:s28], [sflag:$0x3], $0x1400, $0x38;
	[tilespmem:$0x1B940] =	vst v63  }
0x41: {  	_ =	swait.ge [sflag:s22], $0x1400  }
0x42: {  	[sflag:s22] =	ssyncset.done $0x0  }
0x43: {  	s6 =	rddreg [dreg:$0x6];
	[sflag:s22] =	ssyncadd.s32 $0xFFFFEC00  }
0x44: {  	[spmem:s6] =	stream.linear.scatter [tilespmem:s28], [sflag:$0x3], $0x1400, $0x38;
	[tilespmem:$0x1B940] =	vst v63  }
0x45: {  	_ =	swait.ge [sflag:s22], $0x1400  }
0x46: {  	[sflag:s22] =	ssyncset.done $0x0  }
0x47: {  	s14 =	rddreg [dreg:$0x7];
	[sflag:s22] =	ssyncadd.s32 $0xFFFFEC00  }
0x48: {  	[spmem:s14] =	stream.linear.scatter [tilespmem:s28], [sflag:$0x3], $0x1400, $0x38;
	[tilespmem:$0x1B940] =	vst v63  }
0x49: {  	_ =	swait.ge [sflag:s22], $0x1400  }
0x4a: {  	[sflag:s22] =	ssyncset.done $0x0  }
0x4b: {  	s20 =	rddreg [dreg:$0x8];
	[sflag:s22] =	ssyncadd.s32 $0xFFFFEC00  }
0x4c: {  	[spmem:s20] =	stream.linear.scatter [tilespmem:s28], [sflag:$0x3], $0x1400, $0x38;
	[tilespmem:$0x1B940] =	vst v63  }
0x4d: {  	_ =	swait.ge [sflag:s22], $0x1400  }
0x4e: {  	[sflag:s22] =	ssyncset.done $0x0  }
0x4f: {  	s21 =	rddreg [dreg:$0x9];
	[sflag:s22] =	ssyncadd.s32 $0xFFFFEC00  }
0x50: {  	[spmem:s21] =	stream.linear.scatter [tilespmem:s28], [sflag:$0x3], $0x1400, $0x38;
	[tilespmem:$0x1B940] =	vst v63  }
0x51: {  	_ =	swait.ge [sflag:s22], $0x1400  }
0x52: {  	[sflag:s22] =	ssyncset.done $0x0  }
0x53: {  	s23 =	rddreg [dreg:$0xa];
	[sflag:s22] =	ssyncadd.s32 $0xFFFFEC00  }
0x54: {  	[spmem:s23] =	stream.linear.scatter [tilespmem:s28], [sflag:$0x3], $0x1400, $0x38;
	[tilespmem:$0x1B940] =	vst v63  }
0x55: {  	_ =	swait.ge [sflag:s22], $0x1400  }
0x56: {  	[sflag:s22] =	ssyncset.done $0x0  }
0x57: {  	s14 =	rddreg [dreg:$0xb];
	[sflag:s22] =	ssyncadd.s32 $0xFFFFEC00  }
0x58: {  	[spmem:s14] =	stream.linear.scatter [tilespmem:s28], [sflag:$0x3], $0x1400, $0x38;
	[tilespmem:$0x1B940] =	vst v63  }
0x59: {  	_ =	swait.ge [sflag:s22], $0x1400  }
0x5a: {  	[sflag:s22] =	ssyncset.done $0x0  }
0x5b: {  	s20 =	rddreg [dreg:$0xc];
	[sflag:s22] =	ssyncadd.s32 $0xFFFFEC00  }
0x5c: {  	[spmem:s20] =	stream.linear.scatter [tilespmem:s28], [sflag:$0x3], $0x1400, $0x38;
	[tilespmem:$0x1B940] =	vst v63  }
0x5d: {  	_ =	swait.ge [sflag:s22], $0x1400  }
0x5e: {  	[sflag:s22] =	ssyncset.done $0x0  }
0x5f: {  	[sflag:s22] =	ssyncadd.s32 $0xFFFFEC00  }
0x60: {  	[bflag:$0x0] =	sbarrier.arrive $0xFFFF  }
0x61: {  	s14 =	simm.s32 $0x0;
	s21 =	rddreg [dreg:$0xd]  }
0x62: {  	[tilespmem:s29], [sflag:$0x2] =	stream.linear.gather [hbm4b:s21+s14], $0x50, $0x38;
	[tilespmem:$0x1B940] =	vst v63  }
0x63: {  	_ = 	snop  }
0x64: {  	[tilespmem:s28], [sflag:$0x1] =	stream.indirect.gather [hbm4b:s2+s25], $0x40, s14, s25, $0xb8;
	[tilespmem:$0x1B940] =	vst v63  }
0x65: {  	s23 =	rddreg [dreg:$0xe]  }
0x66: {  	[tilespmem:s24], [sflag:$0x2] =	stream.linear.gather [hbm4b:s23+s14], $0x50, $0x38;
	[tilespmem:$0x1B940] =	vst v63  }
0x67: {  	_ = 	snop  }
0x68: {  	[tilespmem:s0], [sflag:$0x1] =	stream.indirect.gather [hbm4b:s2+s25], $0x40, s25, s25, $0xb8;
	[tilespmem:$0x1B940] =	vst v63  }
0x69: {  	s20 =	rddreg [dreg:$0xf]  }
0x6a: {  	[tilespmem:s26], [sflag:$0x2] =	stream.linear.gather [hbm4b:s20+s14], $0x50, $0x38;
	[tilespmem:$0x1B940] =	vst v63  }
0x6b: {  	s21 =	simm.s32 $0xA0  }
0x6c: {  	[tilespmem:s1], [sflag:$0x1] =	stream.indirect.gather [hbm4b:s2+s25], $0x40, s21, s25, $0xb8;
	[tilespmem:$0x1B940] =	vst v63  }
0x6d: {  	s23 =	rddreg [dreg:$0x10]  }
0x6e: {  	[tilespmem:s5], [sflag:$0x2] =	stream.linear.gather [hbm4b:s23+s14], $0x50, $0x38;
	[tilespmem:$0x1B940] =	vst v63  }
0x6f: {  	s20 =	simm.s32 $0xF0  }
0x70: {  	[tilespmem:s30], [sflag:$0x1] =	stream.indirect.gather [hbm4b:s2+s25], $0x40, s20, s25, $0xb8;
	[tilespmem:$0x1B940] =	vst v63  }
0x71: {  	s21 =	rddreg [dreg:$0x11]  }
0x72: {  	[tilespmem:s31], [sflag:$0x2] =	stream.linear.gather [hbm4b:s21+s14], $0x50, $0x38;
	[tilespmem:$0x1B940] =	vst v63  }
0x73: {  	s23 =	simm.s32 $0x140;
	s20 =	simm.s32 $0xA140  }
0x74: {  	[tilespmem:s20], [sflag:$0x1] =	stream.indirect.gather [hbm4b:s2+s25], $0x40, s23, s25, $0xb8;
	[tilespmem:$0x1B940] =	vst v63  }
0x75: {  	s23 =	rddreg [dreg:$0x14]  }
0x76: {  	s6 =	sadd.s32 $0xFFFFFFA6, s23  }
0x77: {  	[tilespmem:s7], [sflag:$0x2] =	stream.linear.gather [hbm4b:s6+s4], $0x50, $0x38;
	[tilespmem:$0x1B940] =	vst v63  }
0x78: {  	s21 =	simm.s32 $0x190  }
0x79: {  	[tilespmem:s8], [sflag:$0x1] =	stream.indirect.gather [hbm4b:s2+s25], $0x40, s21, s25, $0xb8;
	[tilespmem:$0x1B940] =	vst v63  }
0x7a: {  	s6 =	sadd.s32 $0xFFFFFFB0, s23  }
0x7b: {  	[tilespmem:s9], [sflag:$0x2] =	stream.linear.gather [hbm4b:s6+s4], $0x50, $0x38;
	[tilespmem:$0x1B940] =	vst v63  }
0x7c: {  	s21 =	simm.s32 $0x1E0  }
0x7d: {  	[tilespmem:s10], [sflag:$0x1] =	stream.indirect.gather [hbm4b:s2+s25], $0x40, s21, s25, $0xb8;
	[tilespmem:$0x1B940] =	vst v63  }
0x7e: {  	s6 =	sadd.s32 $0xFFFFFFBA, s23  }
0x7f: {  	[tilespmem:s11], [sflag:$0x2] =	stream.linear.gather [hbm4b:s6+s4], $0x50, $0x38;
	[tilespmem:$0x1B940] =	vst v63  }
0x80: {  	s21 =	simm.s32 $0x230  }
0x81: {  	[tilespmem:s12], [sflag:$0x1] =	stream.indirect.gather [hbm4b:s2+s25], $0x40, s21, s25, $0xb8;
	[tilespmem:$0x1B940] =	vst v63  }
0x82: {  	s6 =	sadd.s32 $0xFFFFFFC4, s23  }
0x83: {  	[tilespmem:s13], [sflag:$0x2] =	stream.linear.gather [hbm4b:s6+s4], $0x50, $0x38;
	[tilespmem:$0x1B940] =	vst v63  }
0x84: {  	s21 =	simm.s32 $0x280  }
0x85: {  	[tilespmem:s15], [sflag:$0x1] =	stream.indirect.gather [hbm4b:s2+s25], $0x40, s21, s25, $0xb8;
	[tilespmem:$0x1B940] =	vst v63  }
0x86: {  	s6 =	sadd.s32 $0xFFFFFFCE, s23  }
0x87: {  	[tilespmem:s16], [sflag:$0x2] =	stream.linear.gather [hbm4b:s6+s4], $0x50, $0x38;
	[tilespmem:$0x1B940] =	vst v63  }
0x88: {  	s21 =	simm.s32 $0x2D0  }
0x89: {  	[tilespmem:s17], [sflag:$0x1] =	stream.indirect.gather [hbm4b:s2+s25], $0x40, s21, s25, $0xb8;
	[tilespmem:$0x1B940] =	vst v63  }
0x8a: {  	_ =	swait.ge [sflag:s18], $0x50  }
0x8b: {  	[sflag:s18] =	ssyncset.done $0x0  }
0x8c: {  	[sflag:s18] =	ssyncadd.s32 $0xFFFFFFB0  }
0x8d: {  	_ =	swait.ge [sflag:s19], $0x1400  }
0x8e: {  	[sflag:s19] =	ssyncset.done $0x0  }
0x8f: {  	[sflag:s19] =	ssyncadd.s32 $0xFFFFEC00  }
0x90: {  	_ =	swait.ge [sflag:s18], $0x50  }
0x91: {  	[sflag:s18] =	ssyncset.done $0x0  }
0x92: {  	[sflag:s18] =	ssyncadd.s32 $0xFFFFFFB0  }
0x93: {  	_ =	swait.ge [sflag:s19], $0x1400  }
0x94: {  	[sflag:s19] =	ssyncset.done $0x0  }
0x95: {  	[sflag:s19] =	ssyncadd.s32 $0xFFFFEC00  }
0x96: {  	_ =	swait.ge [sflag:s18], $0x50  }
0x97: {  	[sflag:s18] =	ssyncset.done $0x0  }
0x98: {  	[sflag:s18] =	ssyncadd.s32 $0xFFFFFFB0  }
0x99: {  	_ =	swait.ge [sflag:s19], $0x1400  }
0x9a: {  	[sflag:s19] =	ssyncset.done $0x0  }
0x9b: {  	[sflag:s19] =	ssyncadd.s32 $0xFFFFEC00  }
0x9c: {  	_ =	swait.ge [sflag:s18], $0x50  }
0x9d: {  	[sflag:s18] =	ssyncset.done $0x0  }
0x9e: {  	[sflag:s18] =	ssyncadd.s32 $0xFFFFFFB0  }
0x9f: {  	_ =	swait.ge [sflag:s19], $0x1400  }
0xa0: {  	[sflag:s19] =	ssyncset.done $0x0  }
0xa1: {  	[sflag:s19] =	ssyncadd.s32 $0xFFFFEC00  }
0xa2: {  	_ =	swait.ge [sflag:s18], $0x50  }
0xa3: {  	[sflag:s18] =	ssyncset.done $0x0  }
0xa4: {  	[sflag:s18] =	ssyncadd.s32 $0xFFFFFFB0  }
0xa5: {  	_ =	swait.ge [sflag:s19], $0x1400  }
0xa6: {  	[sflag:s19] =	ssyncset.done $0x0  }
0xa7: {  	[sflag:s19] =	ssyncadd.s32 $0xFFFFEC00  }
0xa8: {  	[spmem:s3] =	stream.indirect.scatter.add.f32 [tilespmem:s28], [sflag:$0x3], $0x40, s29, s25, $0xb8;
	[tilespmem:$0x1B940] =	vst v63  }
0xa9: {  	_ =	swait.ge [sflag:s22], $0x1400  }
0xaa: {  	[sflag:s22] =	ssyncset.done $0x0  }
0xab: {  	[sflag:s22] =	ssyncadd.s32 $0xFFFFEC00  }
0xac: {  	[spmem:s3] =	stream.indirect.scatter.add.f32 [tilespmem:s0], [sflag:$0x3], $0x40, s24, s25, $0xb8;
	[tilespmem:$0x1B940] =	vst v63  }
0xad: {  	_ =	swait.ge [sflag:s22], $0x1400  }
0xae: {  	[sflag:s22] =	ssyncset.done $0x0  }
0xaf: {  	[sflag:s22] =	ssyncadd.s32 $0xFFFFEC00  }
0xb0: {  	[spmem:s3] =	stream.indirect.scatter.add.f32 [tilespmem:s1], [sflag:$0x3], $0x40, s26, s25, $0xb8;
	[tilespmem:$0x1B940] =	vst v63  }
0xb1: {  	_ =	swait.ge [sflag:s22], $0x1400  }
0xb2: {  	[sflag:s22] =	ssyncset.done $0x0  }
0xb3: {  	[sflag:s22] =	ssyncadd.s32 $0xFFFFEC00  }
0xb4: {  	[spmem:s3] =	stream.indirect.scatter.add.f32 [tilespmem:s30], [sflag:$0x3], $0x40, s5, s25, $0xb8;
	[tilespmem:$0x1B940] =	vst v63  }
0xb5: {  	_ =	swait.ge [sflag:s22], $0x1400  }
0xb6: {  	[sflag:s22] =	ssyncset.done $0x0  }
0xb7: {  	[sflag:s22] =	ssyncadd.s32 $0xFFFFEC00  }
0xb8: {  	[spmem:s3] =	stream.indirect.scatter.add.f32 [tilespmem:s20], [sflag:$0x3], $0x40, s31, s25, $0xb8;
	[tilespmem:$0x1B940] =	vst v63  }
0xb9: {  	p0 =	por $0x0, $0x0;
	_ =	swait.ge [sflag:s22], $0x1400  }
0xba: {  	s14 =	sadd.s32 @!p0 $0xFFFFFFD8, s23;
	[sflag:s22] =	ssyncset.done $0x0  }
0xbb: {  	s21 =	simm.s32 @!p0 $0x0;
	s20 =	simm.s32 @!p0 $0x4E20;
	[sflag:s22] =	ssyncadd.s32 $0xFFFFEC00  }
0xbc: {  	[tilespmem:s20], [sflag:$0x2] =	stream.linear.gather @!p0 [hbm4b:s14+s21], $0x50, $0x38;
	[tilespmem:$0x1B940] =	vst v63  }
0xbd: {  	s6 =	simm.s32 @!p0 $0x5140;
	s14 =	simm.s32 @!p0 $0x320;
	s20 =	simm.s32 @!p0 $0x50  }
0xbe: {  	[tilespmem:s6], [sflag:$0x1] =	stream.indirect.gather @!p0 [hbm4b:s2+s20], $0x40, s14, s20, $0xb8;
	[tilespmem:$0x1B940] =	vst v63  }
0xbf: {  	s6 =	simm.s32 @!p0 $0x4E70;
	s14 =	sadd.s32 @!p0 $0xFFFFFFE2, s23  }
0xc0: {  	[tilespmem:s6], [sflag:$0x2] =	stream.linear.gather @!p0 [hbm4b:s14+s21], $0x50, $0x38;
	[tilespmem:$0x1B940] =	vst v63  }
0xc1: {  	s6 =	simm.s32 @!p0 $0x370;
	s14 =	simm.s32 @!p0 $0x6540  }
0xc2: {  	[tilespmem:s14], [sflag:$0x1] =	stream.indirect.gather @!p0 [hbm4b:s2+s20], $0x40, s6, s20, $0xb8;
	[tilespmem:$0x1B940] =	vst v63  }
0xc3: {  	s6 =	sadd.s32 @!p0 $0xFFFFFFEC, s23;
	s14 =	simm.s32 @!p0 $0x4EC0  }
0xc4: {  	[tilespmem:s14], [sflag:$0x2] =	stream.linear.gather @!p0 [hbm4b:s6+s21], $0x50, $0x38;
	[tilespmem:$0x1B940] =	vst v63  }
0xc5: {  	s6 =	simm.s32 @!p0 $0x3C0;
	s14 =	simm.s32 @!p0 $0x7940  }
0xc6: {  	[tilespmem:s14], [sflag:$0x1] =	stream.indirect.gather @!p0 [hbm4b:s2+s20], $0x40, s6, s20, $0xb8;
	[tilespmem:$0x1B940] =	vst v63  }
0xc7: {  	s6 =	sadd.s32 @!p0 $0xFFFFFFF6, s23;
	s14 =	simm.s32 @!p0 $0x4F10  }
0xc8: {  	[tilespmem:s14], [sflag:$0x2] =	stream.linear.gather @!p0 [hbm4b:s6+s21], $0x50, $0x38;
	[tilespmem:$0x1B940] =	vst v63  }
0xc9: {  	s6 =	simm.s32 @!p0 $0x410;
	s14 =	simm.s32 @!p0 $0x8D40  }
0xca: {  	[tilespmem:s14], [sflag:$0x1] =	stream.indirect.gather @!p0 [hbm4b:s2+s20], $0x40, s6, s20, $0xb8;
	[tilespmem:$0x1B940] =	vst v63  }
0xcb: {  	s6 =	simm.s32 @!p0 $0x4F60  }
0xcc: {  	[tilespmem:s6], [sflag:$0x2] =	stream.linear.gather @!p0 [hbm4b:s23+s21], $0x50, $0x38;
	[tilespmem:$0x1B940] =	vst v63  }
0xcd: {  	s14 =	simm.s32 @!p0 $0xA140;
	s6 =	simm.s32 @!p0 $0x460  }
0xce: {  	[tilespmem:s14], [sflag:$0x1] =	stream.indirect.gather @!p0 [hbm4b:s2+s20], $0x40, s6, s20, $0xb8;
	[tilespmem:$0x1B940] =	vst v63  }
0xcf: {  	_ =	swait.ge [sflag:s18], $0x50  }
0xd0: {  	[sflag:s18] =	ssyncset.done $0x0  }
0xd1: {  	[sflag:s18] =	ssyncadd.s32 $0xFFFFFFB0  }
0xd2: {  	_ =	swait.ge [sflag:s19], $0x1400  }
0xd3: {  	[sflag:s19] =	ssyncset.done $0x0  }
0xd4: {  	[sflag:s19] =	ssyncadd.s32 $0xFFFFEC00  }
0xd5: {  	_ =	swait.ge [sflag:s18], $0x50  }
0xd6: {  	[sflag:s18] =	ssyncset.done $0x0  }
0xd7: {  	[sflag:s18] =	ssyncadd.s32 $0xFFFFFFB0  }
0xd8: {  	_ =	swait.ge [sflag:s19], $0x1400  }
0xd9: {  	[sflag:s19] =	ssyncset.done $0x0  }
0xda: {  	[sflag:s19] =	ssyncadd.s32 $0xFFFFEC00  }
0xdb: {  	_ =	swait.ge [sflag:s18], $0x50  }
0xdc: {  	[sflag:s18] =	ssyncset.done $0x0  }
0xdd: {  	[sflag:s18] =	ssyncadd.s32 $0xFFFFFFB0  }
0xde: {  	_ =	swait.ge [sflag:s19], $0x1400  }
0xdf: {  	[sflag:s19] =	ssyncset.done $0x0  }
0xe0: {  	[sflag:s19] =	ssyncadd.s32 $0xFFFFEC00  }
0xe1: {  	_ =	swait.ge [sflag:s18], $0x50  }
0xe2: {  	[sflag:s18] =	ssyncset.done $0x0  }
0xe3: {  	[sflag:s18] =	ssyncadd.s32 $0xFFFFFFB0  }
0xe4: {  	_ =	swait.ge [sflag:s19], $0x1400  }
0xe5: {  	[sflag:s19] =	ssyncset.done $0x0  }
0xe6: {  	[sflag:s19] =	ssyncadd.s32 $0xFFFFEC00  }
0xe7: {  	_ =	swait.ge [sflag:s18], $0x50  }
0xe8: {  	[sflag:s18] =	ssyncset.done $0x0  }
0xe9: {  	[sflag:s18] =	ssyncadd.s32 $0xFFFFFFB0  }
0xea: {  	_ =	swait.ge [sflag:s19], $0x1400  }
0xeb: {  	[sflag:s19] =	ssyncset.done $0x0  }
0xec: {  	[sflag:s19] =	ssyncadd.s32 $0xFFFFEC00  }
0xed: {  	[spmem:s3] =	stream.indirect.scatter.add.f32 [tilespmem:s8], [sflag:$0x3], $0x40, s7, s25, $0xb8;
	[tilespmem:$0x1B940] =	vst v63  }
0xee: {  	_ =	swait.ge [sflag:s22], $0x1400  }
0xef: {  	[sflag:s22] =	ssyncset.done $0x0  }
0xf0: {  	[sflag:s22] =	ssyncadd.s32 $0xFFFFEC00  }
0xf1: {  	[spmem:s3] =	stream.indirect.scatter.add.f32 [tilespmem:s10], [sflag:$0x3], $0x40, s9, s25, $0xb8;
	[tilespmem:$0x1B940] =	vst v63  }
0xf2: {  	_ =	swait.ge [sflag:s22], $0x1400  }
0xf3: {  	[sflag:s22] =	ssyncset.done $0x0  }
0xf4: {  	[sflag:s22] =	ssyncadd.s32 $0xFFFFEC00  }
0xf5: {  	[spmem:s3] =	stream.indirect.scatter.add.f32 [tilespmem:s12], [sflag:$0x3], $0x40, s11, s25, $0xb8;
	[tilespmem:$0x1B940] =	vst v63  }
0xf6: {  	_ =	swait.ge [sflag:s22], $0x1400  }
0xf7: {  	[sflag:s22] =	ssyncset.done $0x0  }
0xf8: {  	s0 =	simm.s32 $0x4F60;
	[sflag:s22] =	ssyncadd.s32 $0xFFFFEC00  }
0xf9: {  	[spmem:s3] =	stream.indirect.scatter.add.f32 [tilespmem:s15], [sflag:$0x3], $0x40, s13, s25, $0xb8;
	[tilespmem:$0x1B940] =	vst v63  }
0xfa: {  	s1 =	simm.s32 $0x7940;
	s5 =	simm.s32 $0x4F10;
	_ =	swait.ge [sflag:s22], $0x1400  }
0xfb: {  	s30 =	simm.s32 $0x4EC0;
	s31 =	simm.s32 $0x8D40;
	[sflag:s22] =	ssyncset.done $0x0  }
0xfc: {  	s21 =	smov.u32 s23;
	s14 =	simm.s32 $0xC80;
	[sflag:s22] =	ssyncadd.s32 $0xFFFFEC00  }
0xfd: {  	[spmem:s3] =	stream.indirect.scatter.add.f32 [tilespmem:s17], [sflag:$0x3], $0x40, s16, s25, $0xb8;
	[tilespmem:$0x1B940] =	vst v63  }
.LBB2_6:
0xfe: {  	_ =	swait.ge [sflag:s22], $0x1400  }
0xff: {  	s21 =	sadd.s32 $0x64, s21;
	s20 =	smov.u32 s14;
	s14 =	sadd.s32 $0xC80, s14  }
0x100: {  	s6 =	sadd.s32 $0xFFFFFFA6, s21;
	s24 =	sshra.s32 s20, $0x2;
	[sflag:s22] =	ssyncset.done $0x0  }
0x101: {  	p0 =	sne.s32 s14, $0x13880;
	[sflag:s22] =	ssyncadd.s32 $0xFFFFEC00  }
0x102: {  	s26 =	sadd.s32 $0x190, s24  }
0x103: {  	[tilespmem:s7], [sflag:$0x2] =	stream.linear.gather [hbm4b:s6+s4], $0x50, $0x38;
	[tilespmem:$0x1B940] =	vst v63  }
0x104: {  	s6 =	sadd.s32 $0xFFFFFFB0, s21  }
0x105: {  	[tilespmem:s8], [sflag:$0x1] =	stream.indirect.gather [hbm4b:s2+s25], $0x40, s26, s25, $0xb8;
	[tilespmem:$0x1B940] =	vst v63  }
0x106: {  	s26 =	sadd.s32 $0x1E0, s24  }
0x107: {  	[tilespmem:s9], [sflag:$0x2] =	stream.linear.gather [hbm4b:s6+s4], $0x50, $0x38;
	[tilespmem:$0x1B940] =	vst v63  }
0x108: {  	s6 =	sadd.s32 $0xFFFFFFBA, s21  }
0x109: {  	[tilespmem:s10], [sflag:$0x1] =	stream.indirect.gather [hbm4b:s2+s25], $0x40, s26, s25, $0xb8;
	[tilespmem:$0x1B940] =	vst v63  }
0x10a: {  	s26 =	sadd.s32 $0x230, s24  }
0x10b: {  	[tilespmem:s11], [sflag:$0x2] =	stream.linear.gather [hbm4b:s6+s4], $0x50, $0x38;
	[tilespmem:$0x1B940] =	vst v63  }
0x10c: {  	s6 =	sadd.s32 $0xFFFFFFC4, s21  }
0x10d: {  	[tilespmem:s12], [sflag:$0x1] =	stream.indirect.gather [hbm4b:s2+s25], $0x40, s26, s25, $0xb8;
	[tilespmem:$0x1B940] =	vst v63  }
0x10e: {  	s26 =	sadd.s32 $0x280, s24  }
0x10f: {  	[tilespmem:s13], [sflag:$0x2] =	stream.linear.gather [hbm4b:s6+s4], $0x50, $0x38;
	[tilespmem:$0x1B940] =	vst v63  }
0x110: {  	s6 =	sadd.s32 $0xFFFFFFCE, s21  }
0x111: {  	[tilespmem:s15], [sflag:$0x1] =	stream.indirect.gather [hbm4b:s2+s25], $0x40, s26, s25, $0xb8;
	[tilespmem:$0x1B940] =	vst v63  }
0x112: {  	s24 =	sadd.s32 $0x2D0, s24  }
0x113: {  	[tilespmem:s16], [sflag:$0x2] =	stream.linear.gather [hbm4b:s6+s4], $0x50, $0x38;
	[tilespmem:$0x1B940] =	vst v63  }
0x114: {  	_ = 	snop  }
0x115: {  	[tilespmem:s17], [sflag:$0x1] =	stream.indirect.gather [hbm4b:s2+s25], $0x40, s24, s25, $0xb8;
	[tilespmem:$0x1B940] =	vst v63  }
0x116: {  	_ =	swait.ge [sflag:s18], $0x50  }
0x117: {  	[sflag:s18] =	ssyncset.done $0x0  }
0x118: {  	[sflag:s18] =	ssyncadd.s32 $0xFFFFFFB0  }
0x119: {  	_ =	swait.ge [sflag:s19], $0x1400  }
0x11a: {  	[sflag:s19] =	ssyncset.done $0x0  }
0x11b: {  	[sflag:s19] =	ssyncadd.s32 $0xFFFFEC00  }
0x11c: {  	_ =	swait.ge [sflag:s18], $0x50  }
0x11d: {  	[sflag:s18] =	ssyncset.done $0x0  }
0x11e: {  	[sflag:s18] =	ssyncadd.s32 $0xFFFFFFB0  }
0x11f: {  	_ =	swait.ge [sflag:s19], $0x1400  }
0x120: {  	[sflag:s19] =	ssyncset.done $0x0  }
0x121: {  	[sflag:s19] =	ssyncadd.s32 $0xFFFFEC00  }
0x122: {  	_ =	swait.ge [sflag:s18], $0x50  }
0x123: {  	[sflag:s18] =	ssyncset.done $0x0  }
0x124: {  	[sflag:s18] =	ssyncadd.s32 $0xFFFFFFB0  }
0x125: {  	_ =	swait.ge [sflag:s19], $0x1400  }
0x126: {  	[sflag:s19] =	ssyncset.done $0x0  }
0x127: {  	[sflag:s19] =	ssyncadd.s32 $0xFFFFEC00  }
0x128: {  	_ =	swait.ge [sflag:s18], $0x50  }
0x129: {  	[sflag:s18] =	ssyncset.done $0x0  }
0x12a: {  	[sflag:s18] =	ssyncadd.s32 $0xFFFFFFB0  }
0x12b: {  	_ =	swait.ge [sflag:s19], $0x1400  }
0x12c: {  	[sflag:s19] =	ssyncset.done $0x0  }
0x12d: {  	[sflag:s19] =	ssyncadd.s32 $0xFFFFEC00  }
0x12e: {  	_ =	swait.ge [sflag:s18], $0x50  }
0x12f: {  	[sflag:s18] =	ssyncset.done $0x0  }
0x130: {  	[sflag:s18] =	ssyncadd.s32 $0xFFFFFFB0  }
0x131: {  	_ =	swait.ge [sflag:s19], $0x1400  }
0x132: {  	[sflag:s19] =	ssyncset.done $0x0  }
0x133: {  	[sflag:s19] =	ssyncadd.s32 $0xFFFFEC00  }
0x134: {  	[spmem:s3] =	stream.indirect.scatter.add.f32 [tilespmem:s28], [sflag:$0x3], $0x40, s29, s25, $0xb8;
	[tilespmem:$0x1B940] =	vst v63  }
0x135: {  	_ =	swait.ge [sflag:s22], $0x1400  }
0x136: {  	[sflag:s22] =	ssyncset.done $0x0  }
0x137: {  	s23 =	simm.s32 $0x6540;
	s6 =	simm.s32 $0x4E70;
	[sflag:s22] =	ssyncadd.s32 $0xFFFFEC00  }
0x138: {  	[spmem:s3] =	stream.indirect.scatter.add.f32 [tilespmem:s23], [sflag:$0x3], $0x40, s6, s25, $0xb8;
	[tilespmem:$0x1B940] =	vst v63  }
0x139: {  	_ =	swait.ge [sflag:s22], $0x1400  }
0x13a: {  	[sflag:s22] =	ssyncset.done $0x0  }
0x13b: {  	[sflag:s22] =	ssyncadd.s32 $0xFFFFEC00  }
0x13c: {  	[spmem:s3] =	stream.indirect.scatter.add.f32 [tilespmem:s1], [sflag:$0x3], $0x40, s30, s25, $0xb8;
	[tilespmem:$0x1B940] =	vst v63  }
0x13d: {  	_ =	swait.ge [sflag:s22], $0x1400  }
0x13e: {  	[sflag:s22] =	ssyncset.done $0x0  }
0x13f: {  	[sflag:s22] =	ssyncadd.s32 $0xFFFFEC00  }
0x140: {  	[spmem:s3] =	stream.indirect.scatter.add.f32 [tilespmem:s31], [sflag:$0x3], $0x40, s5, s25, $0xb8;
	[tilespmem:$0x1B940] =	vst v63  }
0x141: {  	_ =	swait.ge [sflag:s22], $0x1400  }
0x142: {  	[sflag:s22] =	ssyncset.done $0x0  }
0x143: {  	p1 =	seq.s32 s20, $0x12C00;
	s6 =	simm.s32 $0xA140;
	[sflag:s22] =	ssyncadd.s32 $0xFFFFEC00  }
0x144: {  	[spmem:s3] =	stream.indirect.scatter.add.f32 [tilespmem:s6], [sflag:$0x3], $0x40, s0, s25, $0xb8;
	[tilespmem:$0x1B940] =	vst v63  }
0x145: {  	s24 =	simm.s32 @!p1 $0x4E70;
	s6 =	sadd.s32 @!p1 $0xFFFFFFD8, s21;
	_ =	swait.ge [sflag:s22], $0x1400  }
0x146: {  	s20 =	sshra.s32 @!p1 s20, $0x2;
	s26 =	simm.s32 @!p1 $0x4E20;
	[sflag:s22] =	ssyncset.done $0x0  }
0x147: {  	s28 =	simm.s32 @!p1 $0x0;
	[sflag:s22] =	ssyncadd.s32 $0xFFFFEC00  }
0x148: {  	[tilespmem:s26], [sflag:$0x2] =	stream.linear.gather @!p1 [hbm4b:s6+s28], $0x50, $0x38;
	[tilespmem:$0x1B940] =	vst v63  }
0x149: {  	s29 =	simm.s32 @!p1 $0x5140;
	s6 =	sadd.s32 @!p1 $0x320, s20;
	s26 =	simm.s32 @!p1 $0x50  }
0x14a: {  	[tilespmem:s29], [sflag:$0x1] =	stream.indirect.gather @!p1 [hbm4b:s2+s26], $0x40, s6, s26, $0xb8;
	[tilespmem:$0x1B940] =	vst v63  }
0x14b: {  	s23 =	simm.s32 @!p1 $0x6540;
	s6 =	sadd.s32 @!p1 $0xFFFFFFE2, s21;
	s29 =	sadd.s32 @!p1 $0x370, s20  }
0x14c: {  	[tilespmem:s24], [sflag:$0x2] =	stream.linear.gather @!p1 [hbm4b:s6+s28], $0x50, $0x38;
	[tilespmem:$0x1B940] =	vst v63  }
0x14d: {  	s6 =	sadd.s32 @!p1 $0xFFFFFFEC, s21;
	s24 =	simm.s32 @!p1 $0x4EC0  }
0x14e: {  	[tilespmem:s23], [sflag:$0x1] =	stream.indirect.gather @!p1 [hbm4b:s2+s26], $0x40, s29, s26, $0xb8;
	[tilespmem:$0x1B940] =	vst v63  }
0x14f: {  	s23 =	sadd.s32 @!p1 $0x3C0, s20;
	s29 =	simm.s32 @!p1 $0x7940  }
0x150: {  	[tilespmem:s24], [sflag:$0x2] =	stream.linear.gather @!p1 [hbm4b:s6+s28], $0x50, $0x38;
	[tilespmem:$0x1B940] =	vst v63  }
0x151: {  	s6 =	sadd.s32 @!p1 $0xFFFFFFF6, s21;
	s24 =	simm.s32 @!p1 $0x4F10  }
0x152: {  	[tilespmem:s29], [sflag:$0x1] =	stream.indirect.gather @!p1 [hbm4b:s2+s26], $0x40, s23, s26, $0xb8;
	[tilespmem:$0x1B940] =	vst v63  }
0x153: {  	s23 =	sadd.s32 @!p1 $0x410, s20;
	s29 =	simm.s32 @!p1 $0x8D40  }
0x154: {  	[tilespmem:s24], [sflag:$0x2] =	stream.linear.gather @!p1 [hbm4b:s6+s28], $0x50, $0x38;
	[tilespmem:$0x1B940] =	vst v63  }
0x155: {  	s6 =	simm.s32 @!p1 $0x4F60  }
0x156: {  	[tilespmem:s29], [sflag:$0x1] =	stream.indirect.gather @!p1 [hbm4b:s2+s26], $0x40, s23, s26, $0xb8;
	[tilespmem:$0x1B940] =	vst v63  }
0x157: {  	s29 =	simm.s32 $0x4E20  }
0x158: {  	s20 =	sadd.s32 @!p1 $0x460, s20;
	s23 =	simm.s32 @!p1 $0xA140  }
0x159: {  	[tilespmem:s6], [sflag:$0x2] =	stream.linear.gather @!p1 [hbm4b:s21+s28], $0x50, $0x38;
	[tilespmem:$0x1B940] =	vst v63  }
0x15a: {  	s28 =	simm.s32 $0x5140;
	_ =	sdelay $0x1  }
0x15b: {  	[tilespmem:s23], [sflag:$0x1] =	stream.indirect.gather @!p1 [hbm4b:s2+s26], $0x40, s20, s26, $0xb8;
	[tilespmem:$0x1B940] =	vst v63  }
0x15c: {  	_ =	swait.ge [sflag:s18], $0x50  }
0x15d: {  	[sflag:s18] =	ssyncset.done $0x0  }
0x15e: {  	[sflag:s18] =	ssyncadd.s32 $0xFFFFFFB0  }
0x15f: {  	_ =	swait.ge [sflag:s19], $0x1400  }
0x160: {  	[sflag:s19] =	ssyncset.done $0x0  }
0x161: {  	[sflag:s19] =	ssyncadd.s32 $0xFFFFEC00  }
0x162: {  	_ =	swait.ge [sflag:s18], $0x50  }
0x163: {  	[sflag:s18] =	ssyncset.done $0x0  }
0x164: {  	[sflag:s18] =	ssyncadd.s32 $0xFFFFFFB0  }
0x165: {  	_ =	swait.ge [sflag:s19], $0x1400  }
0x166: {  	[sflag:s19] =	ssyncset.done $0x0  }
0x167: {  	[sflag:s19] =	ssyncadd.s32 $0xFFFFEC00  }
0x168: {  	_ =	swait.ge [sflag:s18], $0x50  }
0x169: {  	[sflag:s18] =	ssyncset.done $0x0  }
0x16a: {  	[sflag:s18] =	ssyncadd.s32 $0xFFFFFFB0  }
0x16b: {  	_ =	swait.ge [sflag:s19], $0x1400  }
0x16c: {  	[sflag:s19] =	ssyncset.done $0x0  }
0x16d: {  	[sflag:s19] =	ssyncadd.s32 $0xFFFFEC00  }
0x16e: {  	_ =	swait.ge [sflag:s18], $0x50  }
0x16f: {  	[sflag:s18] =	ssyncset.done $0x0  }
0x170: {  	[sflag:s18] =	ssyncadd.s32 $0xFFFFFFB0  }
0x171: {  	_ =	swait.ge [sflag:s19], $0x1400  }
0x172: {  	[sflag:s19] =	ssyncset.done $0x0  }
0x173: {  	[sflag:s19] =	ssyncadd.s32 $0xFFFFEC00  }
0x174: {  	_ =	swait.ge [sflag:s18], $0x50  }
0x175: {  	[sflag:s18] =	ssyncset.done $0x0  }
0x176: {  	[sflag:s18] =	ssyncadd.s32 $0xFFFFFFB0  }
0x177: {  	_ =	swait.ge [sflag:s19], $0x1400  }
0x178: {  	[sflag:s19] =	ssyncset.done $0x0  }
0x179: {  	[sflag:s19] =	ssyncadd.s32 $0xFFFFEC00  }
0x17a: {  	[spmem:s3] =	stream.indirect.scatter.add.f32 [tilespmem:s8], [sflag:$0x3], $0x40, s7, s25, $0xb8;
	[tilespmem:$0x1B940] =	vst v63  }
0x17b: {  	_ =	swait.ge [sflag:s22], $0x1400  }
0x17c: {  	[sflag:s22] =	ssyncset.done $0x0  }
0x17d: {  	[sflag:s22] =	ssyncadd.s32 $0xFFFFEC00  }
0x17e: {  	[spmem:s3] =	stream.indirect.scatter.add.f32 [tilespmem:s10], [sflag:$0x3], $0x40, s9, s25, $0xb8;
	[tilespmem:$0x1B940] =	vst v63  }
0x17f: {  	_ =	swait.ge [sflag:s22], $0x1400  }
0x180: {  	[sflag:s22] =	ssyncset.done $0x0  }
0x181: {  	[sflag:s22] =	ssyncadd.s32 $0xFFFFEC00  }
0x182: {  	[spmem:s3] =	stream.indirect.scatter.add.f32 [tilespmem:s12], [sflag:$0x3], $0x40, s11, s25, $0xb8;
	[tilespmem:$0x1B940] =	vst v63  }
0x183: {  	_ =	swait.ge [sflag:s22], $0x1400  }
0x184: {  	[sflag:s22] =	ssyncset.done $0x0  }
0x185: {  	[sflag:s22] =	ssyncadd.s32 $0xFFFFEC00  }
0x186: {  	[spmem:s3] =	stream.indirect.scatter.add.f32 [tilespmem:s15], [sflag:$0x3], $0x40, s13, s25, $0xb8;
	[tilespmem:$0x1B940] =	vst v63  }
.Ltmp2:
0x187: {  	_ = 	snop;
	(pc) =	sbr.rel @p0 .LBB2_6-.Ltmp2, $4  }
0x188: {  	_ =	swait.ge [sflag:s22], $0x1400  }
0x189: {  	[sflag:s22] =	ssyncset.done $0x0  }
0x18a: {  	[sflag:s22] =	ssyncadd.s32 $0xFFFFEC00  }
0x18b: {  	[spmem:s3] =	stream.indirect.scatter.add.f32 [tilespmem:s17], [sflag:$0x3], $0x40, s16, s25, $0xb8;
	[tilespmem:$0x1B940] =	vst v63  }
0x18c: {  	_ =	swait.ge [sflag:s22], $0x1400  }
0x18d: {  	[sflag:s22] =	ssyncset.done $0x0  }
0x18e: {  	[sflag:s22] =	ssyncadd.s32 $0xFFFFEC00  }
0x18f: {  	s6 =	stileid.u32;
	[bflag:$0x0] =	sbarrier.arrive $0xFFFF  }
0x190: {  	s6 =	sshll.u32 s6, $0x6;
	s23 =	rddreg [dreg:$0x5]  }
0x191: {  	s6 =	sor.u32 $0x1C03, s6;
	s20 =	rddreg [dreg:$0x12];
	s14 =	sshrl.u32 s23, $0x3  }
0x192: {  	[hbm:s20], [sflag:s6] =	dma.local [spmem:s14], $0x1400  }
0x193: {  	_ =	swait.ge [sflag:s22], $0x1400  }
0x194: {  	s24 =	rddreg [dreg:$0x15]  }
0x195: {  	s26 =	rddreg [dreg:$0x13];
	s14 =	sadd.s32 $0x1, s24  }
0x196: {  	p0 =	sne.s32 s14, s26  }
.Ltmp3:
0x197: {  	_ = 	snop;
	(pc) =	sbr.rel @p0 .LBB2_1-.Ltmp3, $4  }
0x198: {  	_ = 	snop  }
0x199: {  	s0 =	simm.s32 $0x6540;
	s1 =	simm.s32 $0x7940;
	s5 =	simm.s32 $0x4F10  }
0x19a: {  	s30 =	simm.s32 $0x8D40;
	s31 =	simm.s32 $0x4F60;
	[sflag:s22] =	ssyncset.done $0x0  }
0x19b: {  	[sflag:s22] =	ssyncadd.s32 $0xFFFFEC00;
	s24 =	simm.s32 $0x4E70;
	s26 =	simm.s32 $0x4EC0  }
0x19c: {  	_ =	sfence.sel $0x180000  }
0x19d: {  	[bflag:$0x0] =	sbarrier.arrive $0xFFFF  }
0x19e: {  	_ =	strace $0x9000004A  }
0x19f: {  	s0 =	stileid.u32;
	[bflag:$0x2] =	sbarrier.arrive $0xFFFF  }
0x1a0: {  	p0 =	sne.s32 s0, $0x0;
	s0 =	rddreg [dreg:$0x3]  }
0x1a1: {  	s0 =	sadd.s32 @!p0 $0x100000, s0  }
0x1a2: {  	[sflag:s0] =	ssyncadd.tile.s32 @!p0 $0x1;
	_ =	shalt  }
.Lfunc_end2:
_tile_overlayer_lowered:
.L_overlay_start_2:
0x1a3: {  	(tag) =	ssettag $0x2  }
0x1a4: {  	s0 =	rddreg [dreg:$0x0];
	s2 =	stileid.u32  }
0x1a5: {  	s1 =	rddreg [dreg:$0x1];
	p0 =	sne.s32 s2, $0x0  }
0x1a6: {  	s3 =	rddreg [dreg:$0x2];
	[bflag:$0x3] =	sbarrier.arrive $0xFFFF;
	s2 =	simm.s32 @!p0 $0x1C03  }
0x1a7: {  	[timem:s3], [sflag:s2] =	dma.local @!p0 [hbm:s0], s1  }
0x1a8: {  	s0 =	simm.s32 @!p0 $0x3  }
0x1a9: {  	_ =	swait.ge @!p0 [sflag:s0], s1  }
0x1aa: {  	s1 =	ssub.s32 @!p0 $0x0, s1;
	[sflag:s0] =	ssyncset.done @!p0 $0x0  }
0x1ab: {  	[sflag:s0] =	ssyncadd.s32 @!p0 s1  }
0x1ac: {  	[bflag:$0x3] =	sbarrier.arrive $0xFFFF  }
0x1ad: {  	_ =	shalt  }

// kernel: kernel.7.cloned.1.call-start
scs
__scs_entry_jumppad:
0x0: {  	(pc) =	sbr.rel $0x88, $3  }
0x1: {  	(tag) =	ssettag $0x0;
	lr =	simm.s32 $0x1  }
0x2: {  	[smem:$0x3F9D] =	sst lr;
	_ =	strace $0xD0000000  }
0x3: {  	_ = 	snop  }
0x4: {  	_ = 	snop  }
0x5: {  	_ = 	snop  }
0x6: {  	_ = 	snop  }
0x7: {  	_ = 	snop  }
__scs_overlays_trampoline_lowered:
0x8: {  	[smem:$0x3FAC] =	sst s0  }
0x9: {  	[smem:$0x3FAD] =	sst s1  }
0xa: {  	[smem:$0x3FAE] =	sst s2  }
0xb: {  	[smem:$0x3FAF] =	sst s3  }
0xc: {  	[smem:$0x3FB0] =	sst s4  }
0xd: {  	[smem:$0x3FB1] =	sst s5  }
0xe: {  	[smem:$0x3FB2] =	sst s6  }
0xf: {  	[smem:$0x3FB3] =	sst s7  }
0x10: {  	[smem:$0x3FB4] =	sst s8  }
0x11: {  	[smem:$0x3FB5] =	sst s9;
	s0 =	simm.s32 @!p0 $0x0  }
0x12: {  	s1 =	sld [smem:$0x3F9B];
	s0 =	simm.s32 @p0 $0x1  }
0x13: {  	[smem:$0x3FB6] =	sst s0;
	s0 =	simm.s32 @!p1 $0x0  }
0x14: {  	s2 =	sld [smem:$0x3F9A];
	s0 =	simm.s32 @p1 $0x1  }
0x15: {  	[smem:$0x3FB7] =	sst s0;
	s0 =	simm.s32 @!p2 $0x0  }
0x16: {  	s3 =	sld [smem:$0x3FDB];
	s0 =	simm.s32 @p2 $0x1  }
0x17: {  	s4 =	simm.s32 $0x1BF5;
	[smem:$0x3FB9] =	sst s0  }
0x18: {  	s0 =	sld [smem:$0x3F9C];
	_ =	swait.ge [sflag:s4], $0x0  }
0x19: {  	s7 =	sld [smem:$0x3F9D]  }
0x1a: {  	s8 =	sadd.s32 $0xFFFFE003, lr  }
0x1b: {  	s9 =	sadd.s32 $0xFFFFFEF7, lr;
	s5 =	simm.s32 $0xFFFFFFFF;
	p2 =	slt.u32 s8, $0xFFFFF086  }
0x1c: {  	p1 =	slt.u32 s9, $0xF7A;
	s5 =	simm.s32 @!p2 $0x0  }
0x1d: {  	s5 =	simm.s32 @p1 $0x1;
	p0 =	seq.s32 s7, s2  }
0x1e: {  	s7 =	smul.u32 @!p0 $0xF7A, s2;
	p2 =	seq.s32 @!p0 s5, $0x0  }
0x1f: {  	s9 =	smul.u32 $0xF7A, s1;
	s8 =	simm.s32 @!p0 $0x1BF5;
	p2 =	por !p2, p0  }
0x20: {  	[sflag:s8] =	ssyncset.s32 @!p0 $0xFFFFF086;
	s6 =	sadd.s32 @!p0 s3, s7;
	s7 =	simm.s32 @!p0 $0x108  }
0x21: {  	s3 =	sadd.s32 s3, s9;
	s6 =	sadd.s32 @!p0 $0x88, s6;
	s7 =	simm.s32 @p2 $0x1082  }
0x22: {  	[simem:s7], [sflag:s8] =	dma.local @!p0 [hbm:s6], $0xF7A  }
0x23: {  	s9 =	sor.u32 $0xD0000000, s2;
	s6 =	simm.s32 $0x108;
	_ =	swait.ge @!p0 [sflag:s8], $0x0  }
0x24: {  	s3 =	sadd.s32 $0x88, s3;
	s6 =	simm.s32 @!p1 $0x1082;
	[sflag:s4] =	ssyncset.s32 $0xFFFFF086  }
0x25: {  	[simem:s6], [sflag:s4] =	dma.local [hbm:s3], $0xF7A  }
0x26: {  	[smem:$0x3F9D] =	sst s1;
	(tag) =	ssettag s2;
	_ =	strace s9  }
0x27: {  	s1 =	sld [smem:$0x3FAD]  }
0x28: {  	s2 =	sld [smem:$0x3FAE]  }
0x29: {  	s4 =	sld [smem:$0x3FB0]  }
0x2a: {  	p0 =	seq.s32 s5, $0x0;
	s5 =	sld [smem:$0x3FB1]  }
0x2b: {  	s6 =	sld [smem:$0x3FB2]  }
0x2c: {  	s7 =	sld [smem:$0x3FB3]  }
0x2d: {  	s3 =	simm.s32 $0x108;
	s8 =	sld [smem:$0x3FB4]  }
0x2e: {  	s3 =	simm.s32 @!p0 $0x1082;
	s9 =	sld [smem:$0x3FB5]  }
0x2f: {  	lr =	sadd.s32 s0, s3;
	s0 =	sld [smem:$0x3FAC]  }
0x30: {  	s3 =	sld [smem:$0x3FAF]  }
0x31: {  	[smem:$0x3FB8] =	sst s10  }
0x32: {  	s10 =	sld [smem:$0x3FB6];
	_ =	sdelay $0x3  }
0x33: {  	p0 =	seq.s32 s10, $0x1;
	s10 =	sld [smem:$0x3FB8];
	_ =	sdelay $0x3  }
0x34: {  	[smem:$0x3FB8] =	sst s10  }
0x35: {  	s10 =	sld [smem:$0x3FB7];
	_ =	sdelay $0x3  }
0x36: {  	p1 =	seq.s32 s10, $0x1;
	s10 =	sld [smem:$0x3FB8];
	_ =	sdelay $0x3  }
0x37: {  	[smem:$0x3FB8] =	sst s10  }
0x38: {  	s10 =	sld [smem:$0x3FB9]  }
0x39: {  	_ = 	snop;
	(pc) =	sbr.ind lr, $3  }
0x3a: {  	_ = 	snop  }
0x3b: {  	_ = 	snop  }
0x3c: {  	p2 =	seq.s32 s10, $0x1;
	s10 =	sld [smem:$0x3FB8]  }
0x3d: {  	_ =	shalt  }
0x3e: {  	_ =	shalt  }
0x3f: {  	_ =	shalt  }
0x40: {  	_ =	shalt  }
0x41: {  	_ =	shalt  }
0x42: {  	_ =	shalt  }
0x43: {  	_ =	shalt  }
0x44: {  	_ =	shalt  }
0x45: {  	_ =	shalt  }
0x46: {  	_ =	shalt  }
0x47: {  	_ =	shalt  }
0x48: {  	_ =	shalt  }
0x49: {  	_ =	shalt  }
0x4a: {  	_ =	shalt  }
0x4b: {  	_ =	shalt  }
0x4c: {  	_ =	shalt  }
0x4d: {  	_ =	shalt  }
0x4e: {  	_ =	shalt  }
0x4f: {  	_ =	shalt  }
0x50: {  	_ =	shalt  }
0x51: {  	_ =	shalt  }
0x52: {  	_ =	shalt  }
0x53: {  	_ =	shalt  }
0x54: {  	_ =	shalt  }
0x55: {  	_ =	shalt  }
0x56: {  	_ =	shalt  }
0x57: {  	_ =	shalt  }
0x58: {  	_ =	shalt  }
0x59: {  	_ =	shalt  }
0x5a: {  	_ =	shalt  }
0x5b: {  	_ =	shalt  }
0x5c: {  	_ =	shalt  }
0x5d: {  	_ =	shalt  }
0x5e: {  	_ =	shalt  }
0x5f: {  	_ =	shalt  }
0x60: {  	_ =	shalt  }
0x61: {  	_ =	shalt  }
0x62: {  	_ =	shalt  }
0x63: {  	_ =	shalt  }
0x64: {  	_ =	shalt  }
0x65: {  	_ =	shalt  }
0x66: {  	_ =	shalt  }
0x67: {  	_ =	shalt  }
0x68: {  	_ =	shalt  }
0x69: {  	_ =	shalt  }
0x6a: {  	_ =	shalt  }
0x6b: {  	_ =	shalt  }
0x6c: {  	_ =	shalt  }
0x6d: {  	_ =	shalt  }
0x6e: {  	_ =	shalt  }
0x6f: {  	_ =	shalt  }
0x70: {  	_ =	shalt  }
0x71: {  	_ =	shalt  }
0x72: {  	_ =	shalt  }
0x73: {  	_ =	shalt  }
0x74: {  	_ =	shalt  }
0x75: {  	_ =	shalt  }
0x76: {  	_ =	shalt  }
0x77: {  	_ =	shalt  }
0x78: {  	_ =	shalt  }
0x79: {  	_ =	shalt  }
0x7a: {  	_ =	shalt  }
0x7b: {  	_ =	shalt  }
0x7c: {  	_ =	shalt  }
0x7d: {  	_ =	shalt  }
0x7e: {  	_ =	shalt  }
0x7f: {  	_ =	shalt  }
0x80: {  	_ =	shalt  }
0x81: {  	_ =	shalt  }
0x82: {  	_ =	shalt  }
0x83: {  	_ =	shalt  }
0x84: {  	_ =	shalt  }
0x85: {  	_ =	shalt  }
0x86: {  	_ =	shalt  }
0x87: {  	_ =	shalt  }
.Lfunc_end0:
.L_simem_size_0:
called_computation_lowered:
.L_overlay_start_0:
0x88: {  	s2 =	sld [smem:$0x3FD9]  }
0x89: {  	s3 =	sld [smem:$0x3FFE];
	_ =	sdelay $0x1  }
0x8a: {  	s1 =	srdreg.scid  }
0x8b: {  	s0 =	sand.u32 $0x1, s1  }
0x8c: {  	s17 =	sshll.u32 s0, $0xA;
	s2 =	sadd.s32 s3, s2  }
0x8d: {  	s2 =	sadd.s32 s2, s17  }
0x8e: {  	[smem:$0x3FC4] =	sst s2  }
0x8f: {  	_ = 	snop  }
0x90: {  	s2 =	sld [smem:$0x3FD0];
	(tm) =	ssettm $0x1  }
0x91: {  	s18 =	sld [smem:$0x3FFB];
	_ =	sdelay $0x3  }
0x92: {  	_ =	strace s18  }
0x93: {  	s3 =	sld [smem:$0x3FFC];
	_ =	sdelay $0x3  }
0x94: {  	_ =	strace s3  }
0x95: {  	s3 =	sld [smem:$0x3FFD];
	_ =	sdelay $0x3  }
0x96: {  	_ =	strace s3  }
0x97: {  	_ =	strace $0x8FFFFFFF  }
0x98: {  	s19 =	sld [smem:$0x3FDB];
	_ =	sdelay $0x1  }
0x99: {  	s4 =	simm.s32 $_scs_section_size  }
0x9a: {  	s5 =	simm.s32 $_size__tile_overlayer_lowered;
	s6 =	simm.s32 $_tile_overlayer_lowered  }
0x9b: {  	s22 =	simm.s32 $0x1BFF;
	s21 =	sshll.u32 s6, $0x1;
	s3 =	sadd.s32 s4, s19  }
0x9c: {  	s7 =	simm.s32 $0x0;
	s20 =	sshll.u32 s5, $0x1;
	s5 =	sadd.s32 s21, s3  }
0x9d: {  	[timem:s7], [sflag:s22] =	dma.local [hbm:s5], s20  }
0x9e: {  	_ =	swait.ge [sflag:s22], s20  }
0x9f: {  	s4 =	ssub.s32 $0x0, s20;
	[sflag:s22] =	ssyncset.done $0x0  }
0xa0: {  	[sflag:s22] =	ssyncadd.s32 s4;
	_ =	sdelay $0x1  }
0xa1: {  	s23 =	simm.s32 $0x1B8B  }
0xa2: {  	_ =	swait.ge [sflag:s23], $0x1  }
0xa3: {  	[sflag:s23] =	ssyncset.done $0x0  }
0xa4: {  	s25 =	simm.s32 $0x1B8E;
	s24 =	sld [smem:$0x3FFE];
	[sflag:s23] =	ssyncadd.s32 $0xFFFFFFFF  }
0xa5: {  	s26 =	simm.s32 $execute0_lowered;
	[smem:$0x3FD2] =	sst s25  }
0xa6: {  	s5 =	sshll.u32 s26, $0x1;
	_ =	strace $0x80000046;
	[dreg:$0x1] =	wrdreg $0xFFFFFFFF  }
0xa7: {  	s28 =	simm.s32 $_size_execute0_lowered;
	s3 =	sadd.s32 s3, s5;
	[dreg:$0x0] =	wrdreg $0x0  }
0xa8: {  	s5 =	sshll.u32 s28, $0x1;
	[dreg:$0x2] =	wrdreg s3  }
0xa9: {  	[dreg:$0x3] =	wrdreg s5  }
0xaa: {  	[dreg:$0x4] =	wrdreg $0xC0  }
0xab: {  	_ =	task [dreg:s7], $0x5FFFF  }
0xac: {  	[dreg:$0x1] =	wrdreg $0xFFFFFFFF  }
0xad: {  	[dreg:$0x0] =	wrdreg $0x60  }
0xae: {  	[dreg:$0x2] =	wrdreg s24  }
0xaf: {  	[dreg:$0x3] =	wrdreg s2  }
0xb0: {  	[dreg:$0x4] =	wrdreg $0xC100  }
0xb1: {  	[dreg:$0x5] =	wrdreg $0x9  }
0xb2: {  	_ =	task.clear_ibuf [dreg:s7], $0x6FFFF;
	_ =	strace $0x90000046  }
0xb3: {  	s29 =	simm.s32 $0x9;
	_ =	strace $0x80000048  }
0xb4: {  	_ =	swait.ge [sflag:s29], $0x1  }
0xb5: {  	[sflag:s29] =	ssyncadd.s32 $0xFFFFFFFF  }
0xb6: {  	_ =	strace $0x90000048  }
0xb7: {  	_ =	sfence  }
0xb8: {  	s30 =	sld [smem:$0x0];
	_ =	sdelay $0x2  }
0xb9: {  	s31 =	sshll.u32 s1, $0xD;
	s1 =	sshrl.u32 s1, $0x2  }
0xba: {  	s3 =	sand.u32 $0x4000, s31;
	s1 =	sadd.s32 s1, s30  }
0xbb: {  	s0 =	sor.u32 s3, s0;
	s1 =	sshll.u32 s1, $0x11  }
0xbc: {  	s0 =	sor.u32 s1, s0  }
0xbd: {  	s0 =	sadd.s32 $0x8F2B, s0  }
0xbe: {  	[sflag:s0] =	ssyncadd.remote.s32 $0x1  }
0xbf: {  	_ =	sfence.sel $0xFFFF  }
0xc0: {  	[dreg:$0x0] =	wrdreg $0xFFFFFFFF;
	(pc) =	sbr.abs _section_cstart, $3  }
0xc1: {  	[dreg:$0x1] =	wrdreg $0xFFFFFFFF  }
0xc2: {  	_ =	task.clear_ibuf [dreg:s7], $0x2FFFF;
	_ =	strace $0x9FFFFFFF  }
0xc3: {  	(tm) =	ssettm $0x7FFFFFFF  }
tec
execute0_lowered:
.L_overlay_start_1:
0x0: {  	(tag) =	ssettag $0x1  }
0x1: {  	s0 =	rddreg [dreg:$0x0]  }
0x2: {  	s1 =	rddreg [dreg:$0x1]  }
0x3: {  	s2 =	rddreg [dreg:$0x2];
	s3 =	simm.s32 $0x0  }
0x4: {  	s4 =	srdreg.scid;
	s19 =	stileid.u32;
	s28 =	simm.s32 $0x168  }
0x5: {  	s29 =	simm.s32 $0x1;
	s30 =	simm.s32 $0x190;
	s31 =	simm.s32 $0x0  }
0x6: {  	[smem:$0x7FF] =	sst s3;
	s5 =	sand.u32 $0x1, s4;
	s14 =	smul.u32 $0xA000, s19  }
0x7: {  	s0 =	sadd.s32 $0xAA00, s0;
	_ =	strace $0x80000047;
	s6 =	sshll.u32 s5, $0x4  }
0x8: {  	s7 =	ssub.s32 $0x2, s5;
	s4 =	sshrl.u32 s14, $0x2;
	s14 =	smul.u32 $0x500, s19  }
0x9: {  	s8 =	sor.u32 s19, s6;
	s15 =	sshrl.u32 s7, $0x1;
	s6 =	smul.u32 $0x4E2, s19  }
0xa: {  	s4 =	sadd.s32 s4, s2;
	s11 =	smul.u32 $0x2710, s8;
	s15 =	ssub.s32 s7, s15  }
0xb: {  	s9 =	smul.u32 $0x4E2, s8;
	s16 =	sadd.s32 $0x800, s4;
	s17 =	sadd.s32 $0x1000, s4  }
0xc: {  	s18 =	sadd.s32 $0x1800, s4;
	s20 =	sadd.s32 $0x2000, s4;
	[dreg:$0xc] =	wrdreg s16  }
0xd: {  	s15 =	smax.u32 s15, $0x1;
	[dreg:$0xd] =	wrdreg s17;
	s16 =	smul.u32 $0x5000, s5  }
0xe: {  	s10 =	sadd.s32 $0x28, s11;
	[dreg:$0xe] =	wrdreg s18;
	s17 =	smul.u32 $0x27100, s5  }
0xf: {  	[dreg:$0xf] =	wrdreg s20;
	s21 =	sadd.s32 s0, s9;
	s18 =	smul.u32 $0x2710, s19  }
0x10: {  	s12 =	sshrl.u32 s11, $0x3;
	s11 =	sadd.s32 $0x78, s11;
	s5 =	smul.u32 $0x4E20, s5  }
0x11: {  	s19 =	simm.s32 $0x28;
	s10 =	sshrl.u32 s10, $0x3;
	[dreg:$0x10] =	wrdreg s21  }
0x12: {  	s13 =	sadd.s32 s0, s12;
	s23 =	sshrl.u32 s11, $0x3;
	s22 =	sadd.s32 s0, s10  }
0x13: {  	s24 =	sadd.s32 $0xA, s13;
	s12 =	sadd.s32 s0, s23;
	s13 =	sadd.s32 $0x14, s13  }
0x14: {  	s14 =	sadd.s32 s14, s16;
	s25 =	sadd.s32 s18, s17;
	[dreg:$0x11] =	wrdreg s22  }
0x15: {  	s5 =	sadd.s32 s5, s0;
	s18 =	simm.s32 $0x2;
	[dreg:$0x12] =	wrdreg s24  }
0x16: {  	s14 =	sadd.s32 s1, s14;
	s26 =	sadd.s32 $0x230, s25;
	s17 =	sadd.s32 $0x208, s25  }
0x17: {  	s8 =	sadd.s32 $0x1E0, s25;
	s10 =	sadd.s32 $0x1B8, s25;
	s11 =	sadd.s32 $0x168, s25  }
0x18: {  	s22 =	sadd.s32 $0x140, s25;
	s24 =	sadd.s32 $0x118, s25;
	s16 =	sadd.s32 $0xF0, s25  }
0x19: {  	s1 =	sshrl.u32 s26, $0x3;
	s17 =	sshrl.u32 s17, $0x3;
	s9 =	sshrl.u32 s8, $0x3  }
0x1a: {  	s20 =	sshrl.u32 s11, $0x3;
	s23 =	sshrl.u32 s22, $0x3;
	s1 =	sadd.s32 s1, s0  }
0x1b: {  	s26 =	sshrl.u32 s16, $0x3;
	s7 =	sadd.s32 s17, s0;
	[dreg:$0x4] =	wrdreg s1  }
0x1c: {  	s16 =	sadd.s32 s6, s5;
	s21 =	sadd.s32 s20, s0;
	[dreg:$0x5] =	wrdreg s7  }
0x1d: {  	s17 =	sshrl.u32 s10, $0x3;
	s1 =	sadd.s32 s9, s0;
	[dreg:$0x8] =	wrdreg s21  }
0x1e: {  	s22 =	simm.s32 $0xA0;
	s17 =	sadd.s32 s17, s0;
	[dreg:$0x6] =	wrdreg s1  }
0x1f: {  	s20 =	simm.s32 $0x50;
	s21 =	simm.s32 $0x78;
	[dreg:$0x7] =	wrdreg s17  }
0x20: {  	s1 =	sadd.s32 s23, s0;
	s17 =	sshrl.u32 s24, $0x3;
	s23 =	simm.s32 $0xC8  }
0x21: {  	s24 =	simm.s32 $0xF0;
	[dreg:$0x9] =	wrdreg s1;
	s25 =	sadd.s32 s17, s0  }
0x22: {  	v0 =	vimm.f32 $0.0e+00;
	vm0 =	vcmask $0x300;
	s0 =	sadd.s32 s26, s0;
	s17 =	simm.s32 $0x410;
	[dreg:$0xa] =	wrdreg s25  }
0x23: {  	v1 =	vsel vm0, $0x3F800000, v0;
	s26 =	simm.s32 $0x140;
	[dreg:$0xb] =	wrdreg s0;
	s25 =	simm.s32 $0x118  }
.LBB2_1:
0x24: {  	[tilespmem:$0x190] =	vst v1  }
0x25: {  	[tilespmem:$0x1A0] =	vst v1  }
0x26: {  	[tilespmem:$0x1B0] =	vst v1  }
0x27: {  	[tilespmem:$0x1C0] =	vst v1  }
0x28: {  	[tilespmem:$0x1D0] =	vst v1  }
0x29: {  	[tilespmem:$0x1E0] =	vst v1  }
0x2a: {  	[tilespmem:$0x1F0] =	vst v1  }
0x2b: {  	[tilespmem:$0x200] =	vst v1  }
0x2c: {  	[tilespmem:$0x210] =	vst v1  }
0x2d: {  	[tilespmem:$0x220] =	vst v1  }
0x2e: {  	[tilespmem:$0x230] =	vst v1  }
0x2f: {  	[tilespmem:$0x240] =	vst v1  }
0x30: {  	[tilespmem:$0x250] =	vst v1  }
0x31: {  	[tilespmem:$0x260] =	vst v1  }
0x32: {  	[tilespmem:$0x270] =	vst v1  }
0x33: {  	[tilespmem:$0x280] =	vst v1  }
0x34: {  	[tilespmem:$0x290] =	vst v1  }
0x35: {  	[tilespmem:$0x2A0] =	vst v1  }
0x36: {  	[tilespmem:$0x2B0] =	vst v1  }
0x37: {  	[tilespmem:$0x2C0] =	vst v1  }
0x38: {  	[tilespmem:$0x2D0] =	vst v1  }
0x39: {  	[tilespmem:$0x2E0] =	vst v1  }
0x3a: {  	[tilespmem:$0x2F0] =	vst v1  }
0x3b: {  	[tilespmem:$0x300] =	vst v1  }
0x3c: {  	[tilespmem:$0x310] =	vst v1  }
0x3d: {  	[tilespmem:$0x320] =	vst v1  }
0x3e: {  	[tilespmem:$0x330] =	vst v1  }
0x3f: {  	[tilespmem:$0x340] =	vst v1  }
0x40: {  	[tilespmem:$0x350] =	vst v1  }
0x41: {  	[tilespmem:$0x360] =	vst v1  }
0x42: {  	[tilespmem:$0x370] =	vst v1  }
0x43: {  	[tilespmem:$0x380] =	vst v1  }
0x44: {  	[tilespmem:$0x390] =	vst v1  }
0x45: {  	[tilespmem:$0x3A0] =	vst v1  }
0x46: {  	[tilespmem:$0x3B0] =	vst v1  }
0x47: {  	[tilespmem:$0x3C0] =	vst v1  }
0x48: {  	[tilespmem:$0x3D0] =	vst v1  }
0x49: {  	[tilespmem:$0x3E0] =	vst v1  }
0x4a: {  	[tilespmem:$0x3F0] =	vst v1  }
0x4b: {  	[tilespmem:$0x400] =	vst v1;
	s0 =	simm.s32 $0x40;
	s1 =	simm.s32 $0x0  }
.LBB2_2:
0x4c: {  	p0 =	sne.s32 s0, $0x1FC0;
	[tilespmem:s1+$0x410] =	vst v0;
	s1 =	smov.u32 s0;
	s0 =	sadd.s32 $0x40, s0  }
.Ltmp0:
0x4d: {  	(pc) =	sbr.rel @p0 .LBB2_2-.Ltmp0, $2  }
0x4e: {  	_ =	sdelay $0x2  }
0x4f: {  	s1 =	sshra.s32 s1, $0x2  }
0x50: {  	[tilespmem:s1+$0x410] =	vst v0  }
0x51: {  	[spmem:s4] =	stream.linear.scatter [tilespmem:s17], [sflag:$0x2], $0x800, $0x38;
	[tilespmem:$0x3410] =	vst v63  }
0x52: {  	_ =	swait.ge [sflag:s18], $0x800  }
0x53: {  	[sflag:s18] =	ssyncset.done $0x0  }
0x54: {  	s0 =	rddreg [dreg:$0xc];
	[sflag:s18] =	ssyncadd.s32 $0xFFFFF800  }
0x55: {  	[spmem:s0] =	stream.linear.scatter [tilespmem:s17], [sflag:$0x2], $0x800, $0x38;
	[tilespmem:$0x3410] =	vst v63  }
0x56: {  	_ =	swait.ge [sflag:s18], $0x800  }
0x57: {  	[sflag:s18] =	ssyncset.done $0x0  }
0x58: {  	s11 =	rddreg [dreg:$0xd];
	[sflag:s18] =	ssyncadd.s32 $0xFFFFF800  }
0x59: {  	[spmem:s11] =	stream.linear.scatter [tilespmem:s17], [sflag:$0x2], $0x800, $0x38;
	[tilespmem:$0x3410] =	vst v63  }
0x5a: {  	_ =	swait.ge [sflag:s18], $0x800  }
0x5b: {  	[sflag:s18] =	ssyncset.done $0x0  }
0x5c: {  	s1 =	rddreg [dreg:$0xe];
	[sflag:s18] =	ssyncadd.s32 $0xFFFFF800  }
0x5d: {  	[spmem:s1] =	stream.linear.scatter [tilespmem:s17], [sflag:$0x2], $0x800, $0x38;
	[tilespmem:$0x3410] =	vst v63  }
0x5e: {  	_ =	swait.ge [sflag:s18], $0x800  }
0x5f: {  	[sflag:s18] =	ssyncset.done $0x0  }
0x60: {  	s5 =	rddreg [dreg:$0xf];
	[sflag:s18] =	ssyncadd.s32 $0xFFFFF800  }
0x61: {  	[spmem:s5] =	stream.linear.scatter [tilespmem:s17], [sflag:$0x2], $0x800, $0x38;
	[tilespmem:$0x3410] =	vst v63  }
0x62: {  	_ =	swait.ge [sflag:s18], $0x800  }
0x63: {  	[sflag:s18] =	ssyncset.done $0x0  }
0x64: {  	[sflag:s18] =	ssyncadd.s32 $0xFFFFF800  }
0x65: {  	[bflag:$0x0] =	sbarrier.arrive $0xFFFF  }
0x66: {  	s6 =	simm.s32 $0x0;
	s7 =	rddreg [dreg:$0x10]  }
0x67: {  	[tilespmem:s6], [sflag:$0x1] =	stream.linear.gather [hbm4b:s7+s6], $0x28, $0x38;
	[tilespmem:$0x3410] =	vst v63  }
0x68: {  	s8 =	rddreg [dreg:$0x11]  }
0x69: {  	[tilespmem:s19], [sflag:$0x1] =	stream.linear.gather [hbm4b:s8+s6], $0x28, $0x38;
	[tilespmem:$0x3410] =	vst v63  }
0x6a: {  	s9 =	rddreg [dreg:$0x12]  }
0x6b: {  	[tilespmem:s20], [sflag:$0x1] =	stream.linear.gather [hbm4b:s9+s6], $0x28, $0x38;
	[tilespmem:$0x3410] =	vst v63  }
0x6c: {  	_ = 	snop  }
0x6d: {  	[tilespmem:s21], [sflag:$0x1] =	stream.linear.gather [hbm4b:s12+s6], $0x28, $0x38;
	[tilespmem:$0x3410] =	vst v63  }
0x6e: {  	s10 =	sadd.s32 $0x0, s16  }
0x6f: {  	[tilespmem:s22], [sflag:$0x1] =	stream.linear.gather [hbm4b:s13+s6], $0x28, $0x38;
	[tilespmem:$0x3410] =	vst v63  }
0x70: {  	s0 =	sadd.s32 $0x19, s10;
	s11 =	rddreg [dreg:$0xb]  }
0x71: {  	[tilespmem:s23], [sflag:$0x1] =	stream.linear.gather [hbm4b:s0+s3], $0x28, $0x38;
	[tilespmem:$0x3410] =	vst v63  }
0x72: {  	s5 =	rddreg [dreg:$0xa];
	s6 =	sadd.s32 $0x0, s11  }
0x73: {  	[tilespmem:s24], [sflag:$0x1] =	stream.linear.gather [hbm4b:s6+s3], $0x28, $0x38;
	[tilespmem:$0x3410] =	vst v63  }
0x74: {  	s7 =	rddreg [dreg:$0x9];
	s8 =	sadd.s32 $0x0, s5  }
0x75: {  	[tilespmem:s25], [sflag:$0x1] =	stream.linear.gather [hbm4b:s8+s3], $0x28, $0x38;
	[tilespmem:$0x3410] =	vst v63  }
0x76: {  	s10 =	sadd.s32 $0x0, s7;
	s9 =	rddreg [dreg:$0x8]  }
0x77: {  	[tilespmem:s26], [sflag:$0x1] =	stream.linear.gather [hbm4b:s10+s3], $0x28, $0x38;
	[tilespmem:$0x3410] =	vst v63  }
0x78: {  	s11 =	sadd.s32 $0x0, s9  }
0x79: {  	[tilespmem:s28], [sflag:$0x1] =	stream.linear.gather [hbm4b:s11+s3], $0x28, $0x38;
	[tilespmem:$0x3410] =	vst v63  }
0x7a: {  	_ =	swait.ge [sflag:s29], $0x28  }
0x7b: {  	[sflag:s29] =	ssyncset.done $0x0  }
0x7c: {  	[sflag:s29] =	ssyncadd.s32 $0xFFFFFFD8  }
0x7d: {  	_ =	swait.ge [sflag:s29], $0x28  }
0x7e: {  	[sflag:s29] =	ssyncset.done $0x0  }
0x7f: {  	[sflag:s29] =	ssyncadd.s32 $0xFFFFFFD8  }
0x80: {  	_ =	swait.ge [sflag:s29], $0x28  }
0x81: {  	[sflag:s29] =	ssyncset.done $0x0  }
0x82: {  	[sflag:s29] =	ssyncadd.s32 $0xFFFFFFD8  }
0x83: {  	_ =	swait.ge [sflag:s29], $0x28  }
0x84: {  	[sflag:s29] =	ssyncset.done $0x0  }
0x85: {  	[sflag:s29] =	ssyncadd.s32 $0xFFFFFFD8  }
0x86: {  	_ =	swait.ge [sflag:s29], $0x28  }
0x87: {  	[sflag:s29] =	ssyncset.done $0x0  }
0x88: {  	[sflag:s29] =	ssyncadd.s32 $0xFFFFFFD8  }
0x89: {  	[spmem:s2] =	stream.indirect.scatter.add.f32 [tilespmem:s30], [sflag:$0x2], $0x10, s3, s19, $0xb8;
	[tilespmem:$0x3410] =	vst v63  }
0x8a: {  	_ =	swait.ge [sflag:s18], $0x280  }
0x8b: {  	[sflag:s18] =	ssyncset.done $0x0  }
0x8c: {  	[sflag:s18] =	ssyncadd.s32 $0xFFFFFD80  }
0x8d: {  	[spmem:s2] =	stream.indirect.scatter.add.f32 [tilespmem:s30], [sflag:$0x2], $0x10, s19, s19, $0xb8;
	[tilespmem:$0x3410] =	vst v63  }
0x8e: {  	_ =	swait.ge [sflag:s18], $0x280  }
0x8f: {  	[sflag:s18] =	ssyncset.done $0x0  }
0x90: {  	[sflag:s18] =	ssyncadd.s32 $0xFFFFFD80  }
0x91: {  	[spmem:s2] =	stream.indirect.scatter.add.f32 [tilespmem:s30], [sflag:$0x2], $0x10, s20, s19, $0xb8;
	[tilespmem:$0x3410] =	vst v63  }
0x92: {  	_ =	swait.ge [sflag:s18], $0x280  }
0x93: {  	[sflag:s18] =	ssyncset.done $0x0  }
0x94: {  	[sflag:s18] =	ssyncadd.s32 $0xFFFFFD80  }
0x95: {  	[spmem:s2] =	stream.indirect.scatter.add.f32 [tilespmem:s30], [sflag:$0x2], $0x10, s21, s19, $0xb8;
	[tilespmem:$0x3410] =	vst v63  }
0x96: {  	_ =	swait.ge [sflag:s18], $0x280  }
0x97: {  	[sflag:s18] =	ssyncset.done $0x0  }
0x98: {  	p0 =	por $0x0, $0x0;
	[sflag:s18] =	ssyncadd.s32 $0xFFFFFD80  }
0x99: {  	[spmem:s2] =	stream.indirect.scatter.add.f32 [tilespmem:s30], [sflag:$0x2], $0x10, s22, s19, $0xb8;
	[tilespmem:$0x3410] =	vst v63  }
0x9a: {  	s0 =	sadd.s32 @!p0 $0x0, s16;
	_ =	swait.ge [sflag:s18], $0x280  }
0x9b: {  	s0 =	sadd.s32 @!p0 $0x32, s0;
	[sflag:s18] =	ssyncset.done $0x0  }
0x9c: {  	s6 =	simm.s32 @!p0 $0x0;
	s1 =	rddreg [dreg:$0x7];
	[sflag:s18] =	ssyncadd.s32 $0xFFFFFD80  }
0x9d: {  	[tilespmem:s6], [sflag:$0x1] =	stream.linear.gather @!p0 [hbm4b:s0+s6], $0x28, $0x38;
	[tilespmem:$0x3410] =	vst v63  }
0x9e: {  	s5 =	rddreg [dreg:$0x6];
	s0 =	sadd.s32 @!p0 $0x0, s1;
	s1 =	simm.s32 @!p0 $0x28  }
0x9f: {  	[tilespmem:s1], [sflag:$0x1] =	stream.linear.gather @!p0 [hbm4b:s0+s6], $0x28, $0x38;
	[tilespmem:$0x3410] =	vst v63  }
0xa0: {  	s0 =	rddreg [dreg:$0x5];
	s1 =	sadd.s32 @!p0 $0x0, s5;
	s5 =	simm.s32 @!p0 $0x50  }
0xa1: {  	[tilespmem:s5], [sflag:$0x1] =	stream.linear.gather @!p0 [hbm4b:s1+s6], $0x28, $0x38;
	[tilespmem:$0x3410] =	vst v63  }
0xa2: {  	s0 =	sadd.s32 @!p0 $0x0, s0;
	s1 =	rddreg [dreg:$0x4];
	s5 =	simm.s32 @!p0 $0x78  }
0xa3: {  	[tilespmem:s5], [sflag:$0x1] =	stream.linear.gather @!p0 [hbm4b:s0+s6], $0x28, $0x38;
	[tilespmem:$0x3410] =	vst v63  }
0xa4: {  	s0 =	sadd.s32 @!p0 $0x0, s1;
	s1 =	simm.s32 @!p0 $0xA0  }
0xa5: {  	[tilespmem:s1], [sflag:$0x1] =	stream.linear.gather @!p0 [hbm4b:s0+s6], $0x28, $0x38;
	[tilespmem:$0x3410] =	vst v63  }
0xa6: {  	_ =	swait.ge [sflag:s29], $0x28  }
0xa7: {  	[sflag:s29] =	ssyncset.done $0x0  }
0xa8: {  	[sflag:s29] =	ssyncadd.s32 $0xFFFFFFD8  }
0xa9: {  	_ =	swait.ge [sflag:s29], $0x28  }
0xaa: {  	[sflag:s29] =	ssyncset.done $0x0  }
0xab: {  	[sflag:s29] =	ssyncadd.s32 $0xFFFFFFD8  }
0xac: {  	_ =	swait.ge [sflag:s29], $0x28  }
0xad: {  	[sflag:s29] =	ssyncset.done $0x0  }
0xae: {  	[sflag:s29] =	ssyncadd.s32 $0xFFFFFFD8  }
0xaf: {  	_ =	swait.ge [sflag:s29], $0x28  }
0xb0: {  	[sflag:s29] =	ssyncset.done $0x0  }
0xb1: {  	[sflag:s29] =	ssyncadd.s32 $0xFFFFFFD8  }
0xb2: {  	_ =	swait.ge [sflag:s29], $0x28  }
0xb3: {  	[sflag:s29] =	ssyncset.done $0x0  }
0xb4: {  	[sflag:s29] =	ssyncadd.s32 $0xFFFFFFD8  }
0xb5: {  	[spmem:s2] =	stream.indirect.scatter.add.f32 [tilespmem:s30], [sflag:$0x2], $0x10, s23, s19, $0xb8;
	[tilespmem:$0x3410] =	vst v63  }
0xb6: {  	_ =	swait.ge [sflag:s18], $0x280  }
0xb7: {  	[sflag:s18] =	ssyncset.done $0x0  }
0xb8: {  	[sflag:s18] =	ssyncadd.s32 $0xFFFFFD80  }
0xb9: {  	[spmem:s2] =	stream.indirect.scatter.add.f32 [tilespmem:s30], [sflag:$0x2], $0x10, s24, s19, $0xb8;
	[tilespmem:$0x3410] =	vst v63  }
0xba: {  	_ =	swait.ge [sflag:s18], $0x280  }
0xbb: {  	[sflag:s18] =	ssyncset.done $0x0  }
0xbc: {  	[sflag:s18] =	ssyncadd.s32 $0xFFFFFD80  }
0xbd: {  	[spmem:s2] =	stream.indirect.scatter.add.f32 [tilespmem:s30], [sflag:$0x2], $0x10, s25, s19, $0xb8;
	[tilespmem:$0x3410] =	vst v63  }
0xbe: {  	_ =	swait.ge [sflag:s18], $0x280  }
0xbf: {  	[sflag:s18] =	ssyncset.done $0x0  }
0xc0: {  	[sflag:s18] =	ssyncadd.s32 $0xFFFFFD80  }
0xc1: {  	[spmem:s2] =	stream.indirect.scatter.add.f32 [tilespmem:s30], [sflag:$0x2], $0x10, s26, s19, $0xb8;
	[tilespmem:$0x3410] =	vst v63  }
0xc2: {  	_ =	swait.ge [sflag:s18], $0x280  }
0xc3: {  	s5 =	sadd.s32 $0x32, s16;
	[sflag:s18] =	ssyncset.done $0x0  }
0xc4: {  	s0 =	simm.s32 $0x32;
	s1 =	simm.s32 $0x64;
	[sflag:s18] =	ssyncadd.s32 $0xFFFFFD80  }
0xc5: {  	[spmem:s2] =	stream.indirect.scatter.add.f32 [tilespmem:s30], [sflag:$0x2], $0x10, s28, s19, $0xb8;
	[tilespmem:$0x3410] =	vst v63  }
.LBB2_4:
0xc6: {  	_ =	swait.ge [sflag:s18], $0x280  }
0xc7: {  	[sflag:s18] =	ssyncset.done $0x0  }
0xc8: {  	s6 =	sadd.s32 $0x19, s5;
	s7 =	rddreg [dreg:$0xb];
	[sflag:s18] =	ssyncadd.s32 $0xFFFFFD80  }
0xc9: {  	[tilespmem:s23], [sflag:$0x1] =	stream.linear.gather [hbm4b:s6+s3], $0x28, $0x38;
	[tilespmem:$0x3410] =	vst v63  }
0xca: {  	s8 =	rddreg [dreg:$0xa];
	s10 =	sadd.s32 s0, s7  }
0xcb: {  	[tilespmem:s24], [sflag:$0x1] =	stream.linear.gather [hbm4b:s10+s3], $0x28, $0x38;
	[tilespmem:$0x3410] =	vst v63  }
0xcc: {  	s11 =	rddreg [dreg:$0x9];
	s8 =	sadd.s32 s0, s8  }
0xcd: {  	[tilespmem:s25], [sflag:$0x1] =	stream.linear.gather [hbm4b:s8+s3], $0x28, $0x38;
	[tilespmem:$0x3410] =	vst v63  }
0xce: {  	s9 =	rddreg [dreg:$0x8];
	s10 =	sadd.s32 s0, s11  }
0xcf: {  	[tilespmem:s26], [sflag:$0x1] =	stream.linear.gather [hbm4b:s10+s3], $0x28, $0x38;
	[tilespmem:$0x3410] =	vst v63  }
0xd0: {  	s11 =	sadd.s32 s0, s9  }
0xd1: {  	[tilespmem:s28], [sflag:$0x1] =	stream.linear.gather [hbm4b:s11+s3], $0x28, $0x38;
	[tilespmem:$0x3410] =	vst v63  }
0xd2: {  	_ =	swait.ge [sflag:s29], $0x28  }
0xd3: {  	[sflag:s29] =	ssyncset.done $0x0  }
0xd4: {  	[sflag:s29] =	ssyncadd.s32 $0xFFFFFFD8  }
0xd5: {  	_ =	swait.ge [sflag:s29], $0x28  }
0xd6: {  	[sflag:s29] =	ssyncset.done $0x0  }
0xd7: {  	[sflag:s29] =	ssyncadd.s32 $0xFFFFFFD8  }
0xd8: {  	_ =	swait.ge [sflag:s29], $0x28  }
0xd9: {  	[sflag:s29] =	ssyncset.done $0x0  }
0xda: {  	[sflag:s29] =	ssyncadd.s32 $0xFFFFFFD8  }
0xdb: {  	_ =	swait.ge [sflag:s29], $0x28  }
0xdc: {  	[sflag:s29] =	ssyncset.done $0x0  }
0xdd: {  	[sflag:s29] =	ssyncadd.s32 $0xFFFFFFD8  }
0xde: {  	_ =	swait.ge [sflag:s29], $0x28  }
0xdf: {  	[sflag:s29] =	ssyncset.done $0x0  }
0xe0: {  	[sflag:s29] =	ssyncadd.s32 $0xFFFFFFD8  }
0xe1: {  	[spmem:s2] =	stream.indirect.scatter.add.f32 [tilespmem:s30], [sflag:$0x2], $0x10, s3, s19, $0xb8;
	[tilespmem:$0x3410] =	vst v63  }
0xe2: {  	_ =	swait.ge [sflag:s18], $0x280  }
0xe3: {  	[sflag:s18] =	ssyncset.done $0x0  }
0xe4: {  	[sflag:s18] =	ssyncadd.s32 $0xFFFFFD80  }
0xe5: {  	[spmem:s2] =	stream.indirect.scatter.add.f32 [tilespmem:s30], [sflag:$0x2], $0x10, s19, s19, $0xb8;
	[tilespmem:$0x3410] =	vst v63  }
0xe6: {  	_ =	swait.ge [sflag:s18], $0x280  }
0xe7: {  	[sflag:s18] =	ssyncset.done $0x0  }
0xe8: {  	[sflag:s18] =	ssyncadd.s32 $0xFFFFFD80  }
0xe9: {  	[spmem:s2] =	stream.indirect.scatter.add.f32 [tilespmem:s30], [sflag:$0x2], $0x10, s20, s19, $0xb8;
	[tilespmem:$0x3410] =	vst v63  }
0xea: {  	_ =	swait.ge [sflag:s18], $0x280  }
0xeb: {  	[sflag:s18] =	ssyncset.done $0x0  }
0xec: {  	[sflag:s18] =	ssyncadd.s32 $0xFFFFFD80  }
0xed: {  	[spmem:s2] =	stream.indirect.scatter.add.f32 [tilespmem:s30], [sflag:$0x2], $0x10, s21, s19, $0xb8;
	[tilespmem:$0x3410] =	vst v63  }
0xee: {  	_ =	swait.ge [sflag:s18], $0x280  }
0xef: {  	[sflag:s18] =	ssyncset.done $0x0  }
0xf0: {  	p1 =	seq.s32 s0, $0x4B0;
	[sflag:s18] =	ssyncadd.s32 $0xFFFFFD80  }
0xf1: {  	[spmem:s2] =	stream.indirect.scatter.add.f32 [tilespmem:s30], [sflag:$0x2], $0x10, s22, s19, $0xb8;
	[tilespmem:$0x3410] =	vst v63  }
0xf2: {  	s6 =	sadd.s32 @!p1 s0, s16;
	_ =	swait.ge [sflag:s18], $0x280  }
0xf3: {  	s6 =	sadd.s32 @!p1 $0x32, s6;
	[sflag:s18] =	ssyncset.done $0x0  }
0xf4: {  	s8 =	simm.s32 @!p1 $0x0;
	s9 =	rddreg [dreg:$0x7];
	[sflag:s18] =	ssyncadd.s32 $0xFFFFFD80  }
0xf5: {  	[tilespmem:s8], [sflag:$0x1] =	stream.linear.gather @!p1 [hbm4b:s6+s8], $0x28, $0x38;
	[tilespmem:$0x3410] =	vst v63  }
0xf6: {  	s7 =	rddreg [dreg:$0x6];
	s6 =	sadd.s32 @!p1 s0, s9;
	s9 =	simm.s32 @!p1 $0x28  }
0xf7: {  	[tilespmem:s9], [sflag:$0x1] =	stream.linear.gather @!p1 [hbm4b:s6+s8], $0x28, $0x38;
	[tilespmem:$0x3410] =	vst v63  }
0xf8: {  	s10 =	rddreg [dreg:$0x5];
	s6 =	sadd.s32 @!p1 s0, s7;
	s7 =	simm.s32 @!p1 $0x50  }
0xf9: {  	[tilespmem:s7], [sflag:$0x1] =	stream.linear.gather @!p1 [hbm4b:s6+s8], $0x28, $0x38;
	[tilespmem:$0x3410] =	vst v63  }
0xfa: {  	s11 =	rddreg [dreg:$0x4];
	s6 =	sadd.s32 @!p1 s0, s10;
	s7 =	simm.s32 @!p1 $0x78  }
0xfb: {  	[tilespmem:s7], [sflag:$0x1] =	stream.linear.gather @!p1 [hbm4b:s6+s8], $0x28, $0x38;
	[tilespmem:$0x3410] =	vst v63  }
0xfc: {  	s6 =	sadd.s32 @!p1 s0, s11;
	s7 =	simm.s32 @!p1 $0xA0  }
0xfd: {  	[tilespmem:s7], [sflag:$0x1] =	stream.linear.gather @!p1 [hbm4b:s6+s8], $0x28, $0x38;
	[tilespmem:$0x3410] =	vst v63  }
0xfe: {  	_ =	swait.ge [sflag:s29], $0x28  }
0xff: {  	[sflag:s29] =	ssyncset.done $0x0  }
0x100: {  	[sflag:s29] =	ssyncadd.s32 $0xFFFFFFD8  }
0x101: {  	_ =	swait.ge [sflag:s29], $0x28  }
0x102: {  	[sflag:s29] =	ssyncset.done $0x0  }
0x103: {  	[sflag:s29] =	ssyncadd.s32 $0xFFFFFFD8  }
0x104: {  	_ =	swait.ge [sflag:s29], $0x28  }
0x105: {  	[sflag:s29] =	ssyncset.done $0x0  }
0x106: {  	[sflag:s29] =	ssyncadd.s32 $0xFFFFFFD8  }
0x107: {  	_ =	swait.ge [sflag:s29], $0x28  }
0x108: {  	[sflag:s29] =	ssyncset.done $0x0  }
0x109: {  	[sflag:s29] =	ssyncadd.s32 $0xFFFFFFD8  }
0x10a: {  	_ =	swait.ge [sflag:s29], $0x28  }
0x10b: {  	[sflag:s29] =	ssyncset.done $0x0  }
0x10c: {  	[sflag:s29] =	ssyncadd.s32 $0xFFFFFFD8  }
0x10d: {  	[spmem:s2] =	stream.indirect.scatter.add.f32 [tilespmem:s30], [sflag:$0x2], $0x10, s23, s19, $0xb8;
	[tilespmem:$0x3410] =	vst v63  }
0x10e: {  	_ =	swait.ge [sflag:s18], $0x280  }
0x10f: {  	[sflag:s18] =	ssyncset.done $0x0  }
0x110: {  	[sflag:s18] =	ssyncadd.s32 $0xFFFFFD80  }
0x111: {  	[spmem:s2] =	stream.indirect.scatter.add.f32 [tilespmem:s30], [sflag:$0x2], $0x10, s24, s19, $0xb8;
	[tilespmem:$0x3410] =	vst v63  }
0x112: {  	_ =	swait.ge [sflag:s18], $0x280  }
0x113: {  	[sflag:s18] =	ssyncset.done $0x0  }
0x114: {  	[sflag:s18] =	ssyncadd.s32 $0xFFFFFD80  }
0x115: {  	[spmem:s2] =	stream.indirect.scatter.add.f32 [tilespmem:s30], [sflag:$0x2], $0x10, s25, s19, $0xb8;
	[tilespmem:$0x3410] =	vst v63  }
0x116: {  	_ =	swait.ge [sflag:s18], $0x280  }
0x117: {  	s5 =	smov.u32 s1;
	s1 =	sadd.s32 $0x32, s1;
	[sflag:s18] =	ssyncset.done $0x0  }
0x118: {  	p0 =	sne.s32 s1, $0x4E2;
	[sflag:s18] =	ssyncadd.s32 $0xFFFFFD80  }
0x119: {  	[spmem:s2] =	stream.indirect.scatter.add.f32 [tilespmem:s30], [sflag:$0x2], $0x10, s26, s19, $0xb8;
	[tilespmem:$0x3410] =	vst v63  }
.Ltmp1:
0x11a: {  	_ = 	snop;
	(pc) =	sbr.rel @p0 .LBB2_4-.Ltmp1, $4  }
0x11b: {  	_ =	swait.ge [sflag:s18], $0x280  }
0x11c: {  	s0 =	smov.u32 s5;
	[sflag:s18] =	ssyncset.done $0x0  }
0x11d: {  	s5 =	sadd.s32 s0, s16;
	[sflag:s18] =	ssyncadd.s32 $0xFFFFFD80  }
0x11e: {  	[spmem:s2] =	stream.indirect.scatter.add.f32 [tilespmem:s30], [sflag:$0x2], $0x10, s28, s19, $0xb8;
	[tilespmem:$0x3410] =	vst v63  }
0x11f: {  	_ =	swait.ge [sflag:s18], $0x280  }
0x120: {  	[sflag:s18] =	ssyncset.done $0x0  }
0x121: {  	s5 =	sadd.s32 $0x19, s5;
	s1 =	rddreg [dreg:$0xb];
	[sflag:s18] =	ssyncadd.s32 $0xFFFFFD80  }
0x122: {  	[tilespmem:s23], [sflag:$0x1] =	stream.linear.gather [hbm4b:s5+s3], $0x28, $0x38;
	[tilespmem:$0x3410] =	vst v63  }
0x123: {  	s6 =	rddreg [dreg:$0xa];
	s1 =	sadd.s32 s0, s1  }
0x124: {  	[tilespmem:s24], [sflag:$0x1] =	stream.linear.gather [hbm4b:s1+s3], $0x28, $0x38;
	[tilespmem:$0x3410] =	vst v63  }
0x125: {  	s11 =	rddreg [dreg:$0x9];
	s6 =	sadd.s32 s0, s6  }
0x126: {  	[tilespmem:s25], [sflag:$0x1] =	stream.linear.gather [hbm4b:s6+s3], $0x28, $0x38;
	[tilespmem:$0x3410] =	vst v63  }
0x127: {  	s7 =	rddreg [dreg:$0x8];
	s8 =	sadd.s32 s0, s11  }
0x128: {  	[tilespmem:s26], [sflag:$0x1] =	stream.linear.gather [hbm4b:s8+s3], $0x28, $0x38;
	[tilespmem:$0x3410] =	vst v63  }
0x129: {  	s9 =	sadd.s32 s0, s7  }
0x12a: {  	[tilespmem:s28], [sflag:$0x1] =	stream.linear.gather [hbm4b:s9+s3], $0x28, $0x38;
	[tilespmem:$0x3410] =	vst v63  }
0x12b: {  	_ =	swait.ge [sflag:s29], $0x28  }
0x12c: {  	[sflag:s29] =	ssyncset.done $0x0  }
0x12d: {  	[sflag:s29] =	ssyncadd.s32 $0xFFFFFFD8  }
0x12e: {  	_ =	swait.ge [sflag:s29], $0x28  }
0x12f: {  	[sflag:s29] =	ssyncset.done $0x0  }
0x130: {  	[sflag:s29] =	ssyncadd.s32 $0xFFFFFFD8  }
0x131: {  	_ =	swait.ge [sflag:s29], $0x28  }
0x132: {  	[sflag:s29] =	ssyncset.done $0x0  }
0x133: {  	[sflag:s29] =	ssyncadd.s32 $0xFFFFFFD8  }
0x134: {  	_ =	swait.ge [sflag:s29], $0x28  }
0x135: {  	[sflag:s29] =	ssyncset.done $0x0  }
0x136: {  	[sflag:s29] =	ssyncadd.s32 $0xFFFFFFD8  }
0x137: {  	_ =	swait.ge [sflag:s29], $0x28  }
0x138: {  	[sflag:s29] =	ssyncset.done $0x0  }
0x139: {  	[sflag:s29] =	ssyncadd.s32 $0xFFFFFFD8  }
0x13a: {  	[spmem:s2] =	stream.indirect.scatter.add.f32 [tilespmem:s30], [sflag:$0x2], $0x10, s3, s19, $0xb8;
	[tilespmem:$0x3410] =	vst v63  }
0x13b: {  	_ =	swait.ge [sflag:s18], $0x280  }
0x13c: {  	[sflag:s18] =	ssyncset.done $0x0  }
0x13d: {  	[sflag:s18] =	ssyncadd.s32 $0xFFFFFD80  }
0x13e: {  	[spmem:s2] =	stream.indirect.scatter.add.f32 [tilespmem:s30], [sflag:$0x2], $0x10, s19, s19, $0xb8;
	[tilespmem:$0x3410] =	vst v63  }
0x13f: {  	_ =	swait.ge [sflag:s18], $0x280  }
0x140: {  	[sflag:s18] =	ssyncset.done $0x0  }
0x141: {  	[sflag:s18] =	ssyncadd.s32 $0xFFFFFD80  }
0x142: {  	[spmem:s2] =	stream.indirect.scatter.add.f32 [tilespmem:s30], [sflag:$0x2], $0x10, s20, s19, $0xb8;
	[tilespmem:$0x3410] =	vst v63  }
0x143: {  	_ =	swait.ge [sflag:s18], $0x280  }
0x144: {  	[sflag:s18] =	ssyncset.done $0x0  }
0x145: {  	[sflag:s18] =	ssyncadd.s32 $0xFFFFFD80  }
0x146: {  	[spmem:s2] =	stream.indirect.scatter.add.f32 [tilespmem:s30], [sflag:$0x2], $0x10, s21, s19, $0xb8;
	[tilespmem:$0x3410] =	vst v63  }
0x147: {  	_ =	swait.ge [sflag:s18], $0x280  }
0x148: {  	[sflag:s18] =	ssyncset.done $0x0  }
0x149: {  	[sflag:s18] =	ssyncadd.s32 $0xFFFFFD80  }
0x14a: {  	[spmem:s2] =	stream.indirect.scatter.add.f32 [tilespmem:s30], [sflag:$0x2], $0x10, s22, s19, $0xb8;
	[tilespmem:$0x3410] =	vst v63  }
0x14b: {  	p0 =	seq.s32 s0, $0x4B0;
	_ =	swait.ge [sflag:s18], $0x280  }
0x14c: {  	s7 =	simm.s32 @!p0 $0x0;
	s1 =	sadd.s32 @!p0 s0, s16;
	[sflag:s18] =	ssyncset.done $0x0  }
0x14d: {  	s1 =	sadd.s32 @!p0 $0x32, s1;
	s5 =	rddreg [dreg:$0x7];
	[sflag:s18] =	ssyncadd.s32 $0xFFFFFD80  }
0x14e: {  	[tilespmem:s7], [sflag:$0x1] =	stream.linear.gather @!p0 [hbm4b:s1+s7], $0x28, $0x38;
	[tilespmem:$0x3410] =	vst v63  }
0x14f: {  	s6 =	rddreg [dreg:$0x6];
	s1 =	sadd.s32 @!p0 s0, s5;
	s5 =	simm.s32 @!p0 $0x28  }
0x150: {  	[tilespmem:s5], [sflag:$0x1] =	stream.linear.gather @!p0 [hbm4b:s1+s7], $0x28, $0x38;
	[tilespmem:$0x3410] =	vst v63  }
0x151: {  	s1 =	rddreg [dreg:$0x5];
	s5 =	sadd.s32 @!p0 s0, s6;
	s6 =	simm.s32 @!p0 $0x50  }
0x152: {  	[tilespmem:s6], [sflag:$0x1] =	stream.linear.gather @!p0 [hbm4b:s5+s7], $0x28, $0x38;
	[tilespmem:$0x3410] =	vst v63  }
0x153: {  	s1 =	sadd.s32 @!p0 s0, s1;
	s5 =	rddreg [dreg:$0x4];
	s6 =	simm.s32 @!p0 $0x78  }
0x154: {  	[tilespmem:s6], [sflag:$0x1] =	stream.linear.gather @!p0 [hbm4b:s1+s7], $0x28, $0x38;
	[tilespmem:$0x3410] =	vst v63  }
0x155: {  	s0 =	sadd.s32 @!p0 s0, s5;
	s1 =	simm.s32 @!p0 $0xA0  }
0x156: {  	[tilespmem:s1], [sflag:$0x1] =	stream.linear.gather @!p0 [hbm4b:s0+s7], $0x28, $0x38;
	[tilespmem:$0x3410] =	vst v63  }
0x157: {  	_ =	swait.ge [sflag:s29], $0x28  }
0x158: {  	[sflag:s29] =	ssyncset.done $0x0  }
0x159: {  	[sflag:s29] =	ssyncadd.s32 $0xFFFFFFD8  }
0x15a: {  	_ =	swait.ge [sflag:s29], $0x28  }
0x15b: {  	[sflag:s29] =	ssyncset.done $0x0  }
0x15c: {  	[sflag:s29] =	ssyncadd.s32 $0xFFFFFFD8  }
0x15d: {  	_ =	swait.ge [sflag:s29], $0x28  }
0x15e: {  	[sflag:s29] =	ssyncset.done $0x0  }
0x15f: {  	[sflag:s29] =	ssyncadd.s32 $0xFFFFFFD8  }
0x160: {  	_ =	swait.ge [sflag:s29], $0x28  }
0x161: {  	[sflag:s29] =	ssyncset.done $0x0  }
0x162: {  	[sflag:s29] =	ssyncadd.s32 $0xFFFFFFD8  }
0x163: {  	_ =	swait.ge [sflag:s29], $0x28  }
0x164: {  	[sflag:s29] =	ssyncset.done $0x0  }
0x165: {  	[sflag:s29] =	ssyncadd.s32 $0xFFFFFFD8  }
0x166: {  	[spmem:s2] =	stream.indirect.scatter.add.f32 [tilespmem:s30], [sflag:$0x2], $0x10, s23, s19, $0xb8;
	[tilespmem:$0x3410] =	vst v63  }
0x167: {  	_ =	swait.ge [sflag:s18], $0x280  }
0x168: {  	[sflag:s18] =	ssyncset.done $0x0  }
0x169: {  	[sflag:s18] =	ssyncadd.s32 $0xFFFFFD80  }
0x16a: {  	[spmem:s2] =	stream.indirect.scatter.add.f32 [tilespmem:s30], [sflag:$0x2], $0x10, s24, s19, $0xb8;
	[tilespmem:$0x3410] =	vst v63  }
0x16b: {  	_ =	swait.ge [sflag:s18], $0x280  }
0x16c: {  	[sflag:s18] =	ssyncset.done $0x0  }
0x16d: {  	[sflag:s18] =	ssyncadd.s32 $0xFFFFFD80  }
0x16e: {  	[spmem:s2] =	stream.indirect.scatter.add.f32 [tilespmem:s30], [sflag:$0x2], $0x10, s25, s19, $0xb8;
	[tilespmem:$0x3410] =	vst v63  }
0x16f: {  	_ =	swait.ge [sflag:s18], $0x280  }
0x170: {  	[sflag:s18] =	ssyncset.done $0x0  }
0x171: {  	[sflag:s18] =	ssyncadd.s32 $0xFFFFFD80  }
0x172: {  	[spmem:s2] =	stream.indirect.scatter.add.f32 [tilespmem:s30], [sflag:$0x2], $0x10, s26, s19, $0xb8;
	[tilespmem:$0x3410] =	vst v63  }
0x173: {  	_ =	swait.ge [sflag:s18], $0x280  }
0x174: {  	[sflag:s18] =	ssyncset.done $0x0  }
0x175: {  	[sflag:s18] =	ssyncadd.s32 $0xFFFFFD80  }
0x176: {  	[spmem:s2] =	stream.indirect.scatter.add.f32 [tilespmem:s30], [sflag:$0x2], $0x10, s28, s19, $0xb8;
	[tilespmem:$0x3410] =	vst v63  }
0x177: {  	s10 =	stileid.u32;
	_ =	swait.ge [sflag:s18], $0x280  }
0x178: {  	s31 =	sadd.s32 $0x1, s31;
	s11 =	sshrl.u32 s4, $0x3;
	[sflag:s18] =	ssyncset.done $0x0  }
0x179: {  	s0 =	sshll.u32 s10, $0x6;
	p0 =	sne.s32 s31, s15;
	[sflag:s18] =	ssyncadd.s32 $0xFFFFFD80  }
.Ltmp2:
0x17a: {  	s0 =	sor.u32 $0x1C02, s0;
	[bflag:$0x0] =	sbarrier.arrive $0xFFFF;
	(pc) =	sbr.rel @p0 .LBB2_1-.Ltmp2, $4  }
0x17b: {  	[hbm:s14], [sflag:s0] =	dma.local [spmem:s11], $0x500  }
0x17c: {  	_ =	swait.ge [sflag:s18], $0x500  }
0x17d: {  	[sflag:s18] =	ssyncset.done $0x0  }
0x17e: {  	[sflag:s18] =	ssyncadd.s32 $0xFFFFFB00  }
0x17f: {  	_ =	sfence.sel $0x180000  }
0x180: {  	[bflag:$0x0] =	sbarrier.arrive $0xFFFF  }
0x181: {  	_ =	strace $0x90000047  }
0x182: {  	s0 =	stileid.u32;
	[bflag:$0x2] =	sbarrier.arrive $0xFFFF  }
0x183: {  	p0 =	sne.s32 s0, $0x0;
	s0 =	rddreg [dreg:$0x3]  }
0x184: {  	s0 =	sadd.s32 @!p0 $0x100000, s0  }
0x185: {  	[sflag:s0] =	ssyncadd.tile.s32 @!p0 $0x1;
	_ =	shalt  }
.Lfunc_end2:
_tile_overlayer_lowered:
.L_overlay_start_2:
0x186: {  	(tag) =	ssettag $0x2  }
0x187: {  	s0 =	rddreg [dreg:$0x0];
	s2 =	stileid.u32  }
0x188: {  	s1 =	rddreg [dreg:$0x1];
	p0 =	sne.s32 s2, $0x0  }
0x189: {  	s3 =	rddreg [dreg:$0x2];
	[bflag:$0x3] =	sbarrier.arrive $0xFFFF;
	s2 =	simm.s32 @!p0 $0x1C02  }
0x18a: {  	[timem:s3], [sflag:s2] =	dma.local @!p0 [hbm:s0], s1  }
0x18b: {  	s0 =	simm.s32 @!p0 $0x2  }
0x18c: {  	_ =	swait.ge @!p0 [sflag:s0], s1  }
0x18d: {  	s1 =	ssub.s32 @!p0 $0x0, s1;
	[sflag:s0] =	ssyncset.done @!p0 $0x0  }
0x18e: {  	[sflag:s0] =	ssyncadd.s32 @!p0 s1  }
0x18f: {  	[bflag:$0x3] =	sbarrier.arrive $0xFFFF  }
0x190: {  	_ =	shalt  }

</sc_bundles>
